<compile_context>
chip_gen: v7x
topology: tpu7x:2x2x1
jax: 0.10.2.dev20260603
libtpu: 0.0.44.dev20260713+nightly
codegen_flags: <defaults>
</compile_context>

<pallas_src>
import jax
import jax.numpy as jnp
from jax import lax
from jax.experimental import pallas as pl
from jax.experimental.pallas import tpu as pltpu
from jax.experimental.pallas import tpu_sc as plsc

B = 4096
L = 200
D = 768
DW = D // 2
NC = 2
NS = 16
NW = NC * NS
ROWS_PER_W = B // NW
G = 40
CHUNKS_PER_ROW = L // G
NCHUNK = ROWS_PER_W * CHUNKS_PER_ROW
NLANE = 16
NDW = DW // NLANE
INV_L = 1.0 / L
CONV_BLK = 1024


def _conv_body(x_ref, o_ref):
    a = lax.bitcast_convert_type(x_ref[:, :DW], jnp.int32)
    b = lax.bitcast_convert_type(x_ref[:, DW:], jnp.int32)
    ra = a + jnp.int32(0x7FFF) + ((a >> 16) & jnp.int32(1))
    rb = b + jnp.int32(0x7FFF) + ((b >> 16) & jnp.int32(1))
    o_ref[...] = ((ra >> 16) & jnp.int32(0xFFFF)) | (rb & jnp.int32(-65536))


def _sc_body(ids_hbm, tab_hbm, out_hbm, idx_v, buf0, buf1, acc_a, acc_b,
             row_v, sem0, sem1):
    wid = lax.axis_index("s") * NC + lax.axis_index("c")

    pltpu.sync_copy(ids_hbm.at[wid], idx_v)

    def _start(g, buf, sem):
        pltpu.make_async_copy(
            tab_hbm.at[idx_v.at[pl.ds(g * G, G)]], buf, sem).start()

    def _wait(buf, sem):
        pltpu.make_async_copy(
            tab_hbm.at[idx_v.at[pl.ds(0, G)]], buf, sem).wait()

    def _zero_acc():
        def z(d, _):
            sl = pl.ds(d * NLANE, NLANE)
            acc_a[sl] = jnp.zeros((NLANE,), jnp.float32)
            acc_b[sl] = jnp.zeros((NLANE,), jnp.float32)
            return 0
        lax.fori_loop(0, NDW, z, 0)

    def _accum(buf):
        @plsc.parallel_loop(0, NDW, unroll=2)
        def _(d):
            sl = pl.ds(d * NLANE, NLANE)

            def u(k):
                return plsc.unpack(
                    plsc.bitcast(buf[k, sl], jnp.bfloat16),
                    format=plsc.PackFormat.INTERLEAVED,
                    preferred_element_type=jnp.float32)

            a0, b0 = u(0)
            a1, b1 = u(1)
            for k in range(2, G, 2):
                xa, xb = u(k)
                a0 = a0 + xa
                b0 = b0 + xb
                ya, yb = u(k + 1)
                a1 = a1 + ya
                b1 = b1 + yb
            acc_a[sl] = acc_a[sl] + (a0 + a1)
            acc_b[sl] = acc_b[sl] + (b0 + b1)

    def _maybe_finish(cnt, row):
        @pl.when(cnt == CHUNKS_PER_ROW - 1)
        def _():
            def s(d, _):
                sl = pl.ds(d * NLANE, NLANE)
                row_v[sl] = acc_a[sl] * jnp.float32(INV_L)
                row_v[pl.ds(DW + d * NLANE, NLANE)] = (
                    acc_b[sl] * jnp.float32(INV_L))
                acc_a[sl] = jnp.zeros((NLANE,), jnp.float32)
                acc_b[sl] = jnp.zeros((NLANE,), jnp.float32)
                return 0
            lax.fori_loop(0, NDW, s, 0)
            pltpu.sync_copy(row_v, out_hbm.at[pl.ds(row * D, D)])
        done = cnt == CHUNKS_PER_ROW - 1
        return jnp.where(done, 0, cnt + 1), jnp.where(done, row + 1, row)

    _zero_acc()
    _start(0, buf0, sem0)

    def pair(gp, carry):
        cnt, row = carry
        g0 = 2 * gp
        _start(g0 + 1, buf1, sem1)
        _wait(buf0, sem0)
        _accum(buf0)
        cnt, row = _maybe_finish(cnt, row)

        @pl.when(g0 + 2 < NCHUNK)
        def _():
            _start(g0 + 2, buf0, sem0)
        _wait(buf1, sem1)
        _accum(buf1)
        cnt, row = _maybe_finish(cnt, row)
        return cnt, row

    lax.fori_loop(0, NCHUNK // 2, pair,
                  (jnp.int32(0), (wid * ROWS_PER_W).astype(jnp.int32)))


@jax.jit
def kernel(ids, table):
    vocab = table.shape[0]
    nblk = (vocab + CONV_BLK - 1) // CONV_BLK
    tabp = pl.pallas_call(
        _conv_body,
        grid=(nblk,),
        in_specs=[pl.BlockSpec((CONV_BLK, D), lambda i: (i, 0))],
        out_specs=pl.BlockSpec((CONV_BLK, DW), lambda i: (i, 0)),
        out_shape=jax.ShapeDtypeStruct((vocab, DW), jnp.int32),
    )(table)
    ids3 = ids.reshape(NW, NCHUNK * G)
    mesh = plsc.VectorSubcoreMesh(core_axis_name="c", subcore_axis_name="s")
    out = pl.kernel(
        _sc_body,
        out_type=jax.ShapeDtypeStruct((B * D,), jnp.float32),
        mesh=mesh,
        compiler_params=pltpu.CompilerParams(needs_layout_passes=False),
        scratch_types=[
            pltpu.VMEM((NCHUNK * G,), jnp.int32),
            pltpu.VMEM((G, DW), jnp.int32),
            pltpu.VMEM((G, DW), jnp.int32),
            pltpu.VMEM((DW,), jnp.float32),
            pltpu.VMEM((DW,), jnp.float32),
            pltpu.VMEM((D,), jnp.float32),
            pltpu.SemaphoreType.DMA,
            pltpu.SemaphoreType.DMA,
        ],
    )(ids3, tabp)
    return out.reshape(B, D)

# --- scband reference (transcript-rebuilt; emitter-appended) ---
"""Pipeline reference for scband-string-vectorizer-22651657519271 (READ-ONLY COPY).

The authoritative reference and input builder live on the scoring server;
editing this copy changes nothing except your own understanding.
"""

import jax, jax.numpy as jnp
import numpy as np

VOCAB = 119547
DIM = 768

def setup_inputs(seed: int = 0) -> dict:
    key = jax.random.key(seed)
    k_ids, k_tab = jax.random.split(key)
    ids = jax.random.randint(k_ids, (4096, 200), 0, VOCAB, dtype=jnp.int64 if jax.config.jax_enable_x64 else jnp.int32).astype(jnp.int32)
    table = jax.random.normal(k_tab, (VOCAB, DIM), dtype=jnp.float32)
    return {"ids": ids, "table": table}

def reference(ids, table):
    # embedding lookup: gather rows of the table
    x = jnp.take(table, ids, axis=0)  # [B, L, D]
    # mean over the token dimension (axis -2), matching torch.mean(x, -2)
    return jnp.mean(x, axis=-2)  # [B, D]

if __name__ == "__main__":
    import jax
    _d = setup_inputs()
    print(jax.jit(kernel)(*tuple(_d.values())))

</pallas_src>

<mosaic_0001>
#map = affine_map<(d0, d1) -> (0, 0)>
#map1 = affine_map<(d0, d1) -> (0)>
module attributes {stable_mosaic.version = 14 : i64} {
  func.func @_sc_body(%arg0: i32, %arg1: i32, %arg2: memref<32x25600xi32, #tpu.memory_space<hbm>>, %arg3: memref<119547x384xi32, #tpu.memory_space<hbm>>, %arg4: memref<3145728xf32, #tpu.memory_space<hbm>>, %arg5: memref<25600xi32, #tpu.memory_space<vmem>>, %arg6: memref<40x384xi32, #tpu.memory_space<vmem>>, %arg7: memref<40x384xi32, #tpu.memory_space<vmem>>, %arg8: memref<384xf32, #tpu.memory_space<vmem>>, %arg9: memref<384xf32, #tpu.memory_space<vmem>>, %arg10: memref<768xf32, #tpu.memory_space<vmem>>, %arg11: memref<!tpu.dma_semaphore, #tpu.memory_space<semaphore_mem>>, %arg12: memref<!tpu.dma_semaphore, #tpu.memory_space<semaphore_mem>>) attributes {dimension_semantics = [#tpu.dimension_semantics<core_parallel>, #tpu.dimension_semantics<subcore_parallel>], iteration_bounds = array<i64: 2, 16>, scalar_prefetch = 0 : i64, scratch_operands = 8 : i64, tpu.core_type = #tpu.core_type<sc_vector_subcore>, window_params = [{transform_indices = #map}, {transform_indices = #map}, {transform_indices = #map1}]} {
    %mul3A = arith.constant 2 : i32
    %mul3A_0 = arith.muli %arg1, %mul3A : i32
    %add3A = arith.addi %mul3A_0, %arg0 : i32
    "tpu.region"() ({
      %run_scoped3A = tpu.sem_alloc : memref<!tpu.dma_semaphore, #tpu.memory_space<semaphore_mem>>
      %dma_start3A_20 = arith.constant 0 : i32
      %dma_start3A_21 = tpu.memref_slice %arg2[%add3A, %dma_start3A_20] : memref<32x25600xi32, #tpu.memory_space<hbm>> -> memref<1x25600xi32, #tpu.memory_space<hbm>>
      %dma_start3A_22 = tpu.memref_squeeze %dma_start3A_21 : memref<1x25600xi32, #tpu.memory_space<hbm>> -> memref<25600xi32, #tpu.memory_space<hbm>>
      %dma_start3A_23 = arith.constant 0 : i32
      %dma_start3A_24 = tpu.memref_slice %arg2[%add3A, %dma_start3A_23] : memref<32x25600xi32, #tpu.memory_space<hbm>> -> memref<1x25600xi32, #tpu.memory_space<hbm>>
      %dma_start3A_25 = tpu.memref_squeeze %dma_start3A_24 : memref<1x25600xi32, #tpu.memory_space<hbm>> -> memref<25600xi32, #tpu.memory_space<hbm>>
      tpu.enqueue_dma source(%dma_start3A_25 : memref<25600xi32, #tpu.memory_space<hbm>>) target(%arg5 : memref<25600xi32, #tpu.memory_space<vmem>>) target_semaphore(%run_scoped3A : memref<!tpu.dma_semaphore, #tpu.memory_space<semaphore_mem>>)
      %dma_wait3A = arith.constant 0 : i32
      %dma_wait3A_26 = tpu.memref_slice %arg2[%add3A, %dma_wait3A] : memref<32x25600xi32, #tpu.memory_space<hbm>> -> memref<1x25600xi32, #tpu.memory_space<hbm>>
      %dma_wait3A_27 = tpu.memref_squeeze %dma_wait3A_26 : memref<1x25600xi32, #tpu.memory_space<hbm>> -> memref<25600xi32, #tpu.memory_space<hbm>>
      %dma_wait3A_28 = arith.constant 0 : i32
      %dma_wait3A_29 = tpu.memref_slice %arg2[%add3A, %dma_wait3A_28] : memref<32x25600xi32, #tpu.memory_space<hbm>> -> memref<1x25600xi32, #tpu.memory_space<hbm>>
      %dma_wait3A_30 = tpu.memref_squeeze %dma_wait3A_29 : memref<1x25600xi32, #tpu.memory_space<hbm>> -> memref<25600xi32, #tpu.memory_space<hbm>>
      tpu.wait_dma2 semaphore(%run_scoped3A : memref<!tpu.dma_semaphore, #tpu.memory_space<semaphore_mem>>) src(%dma_wait3A_30 : memref<25600xi32, #tpu.memory_space<hbm>>) dst(%arg5 : memref<25600xi32, #tpu.memory_space<vmem>>)
      tpu.yield
    }) : () -> ()
    %scan3A = arith.constant 0 : i32
    %scan3A_1 = arith.constant 0 : i32
    %scan3A_2 = arith.constant 24 : i32
    %scan3A_3 = arith.addi %scan3A_1, %scan3A_2 : i32
    %scan3A_4 = arith.constant 1 : i32
    %scan3A_5 = scf.for %scan3A_20 = %scan3A_1 to %scan3A_3 step %scan3A_4 iter_args(%scan3A_21 = %scan3A) -> (i32)  : i32 {
      %mul3A_22 = arith.constant 16 : i32
      %mul3A_23 = arith.muli %scan3A_20, %mul3A_22 : i32
      %broadcast_in_dim3A = arith.constant 0.000000e+00 : f32
      %broadcast_in_dim3A_24 = vector.broadcast %broadcast_in_dim3A : f32 to vector<16xf32>
      %swap3A = arith.index_cast %mul3A_23 : i32 to index
      %swap3A_25 = tpu.vector_load %arg8[%swap3A] {strides = array<i32>} : memref<384xf32, #tpu.memory_space<vmem>>, vector<16xf32>,
      tpu.vector_store %arg8[%swap3A], %broadcast_in_dim3A_24 {strides = array<i32>} : memref<384xf32, #tpu.memory_space<vmem>>, vector<16xf32>,
      %broadcast_in_dim3A_26 = arith.constant 0.000000e+00 : f32
      %broadcast_in_dim3A_27 = vector.broadcast %broadcast_in_dim3A_26 : f32 to vector<16xf32>
      %swap3A_28 = arith.index_cast %mul3A_23 : i32 to index
      %swap3A_29 = tpu.vector_load %arg9[%swap3A_28] {strides = array<i32>} : memref<384xf32, #tpu.memory_space<vmem>>, vector<16xf32>,
      tpu.vector_store %arg9[%swap3A_28], %broadcast_in_dim3A_27 {strides = array<i32>} : memref<384xf32, #tpu.memory_space<vmem>>, vector<16xf32>,
      %scan3A_30 = arith.constant 0 : i32
      scf.yield %scan3A_30 : i32
    }
    %scan3A_6 = arith.constant 24 : i32
    %dma_start3A = arith.constant 0 : i32
    %dma_start3A_7 = tpu.memref_slice %arg5[%dma_start3A] : memref<25600xi32, #tpu.memory_space<vmem>> -> memref<40xi32, #tpu.memory_space<vmem>>
    %dma_start3A_8 = arith.constant 0 : i32
    %dma_start3A_9 = arith.constant 0 : i32
    %dma_start3A_10 = tpu.memref_slice %arg3[%dma_start3A_8, %dma_start3A_9] : memref<119547x384xi32, #tpu.memory_space<hbm>> -> memref<119547x384xi32, #tpu.memory_space<hbm>>
    tpu.enqueue_indirect_dma source(%dma_start3A_10 : memref<119547x384xi32, #tpu.memory_space<hbm>>) target(%arg6 : memref<40x384xi32, #tpu.memory_space<vmem>>) offsets(%dma_start3A_7 : memref<40xi32, #tpu.memory_space<vmem>>) semaphore(%arg11 : memref<!tpu.dma_semaphore, #tpu.memory_space<semaphore_mem>>)
    %mul3A_11 = arith.constant 128 : i32
    %mul3A_12 = arith.muli %add3A, %mul3A_11 : i32
    %scan3A_13 = arith.constant 0 : i32
    %scan3A_14 = arith.constant 0 : i32
    %scan3A_15 = arith.constant 320 : i32
    %scan3A_16 = arith.addi %scan3A_14, %scan3A_15 : i32
    %scan3A_17 = arith.constant 1 : i32
    %scan3A_18:2 = scf.for %scan3A_20 = %scan3A_14 to %scan3A_16 step %scan3A_17 iter_args(%scan3A_21 = %scan3A_13, %scan3A_22 = %mul3A_12) -> (i32, i32)  : i32 {
      %mul3A_23 = arith.constant 2 : i32
      %mul3A_24 = arith.muli %mul3A_23, %scan3A_20 : i32
      %add3A_25 = arith.constant 1 : i32
      %add3A_26 = arith.addi %mul3A_24, %add3A_25 : i32
      %mul3A_27 = arith.constant 40 : i32
      %mul3A_28 = arith.muli %add3A_26, %mul3A_27 : i32
      %dma_start3A_29 = tpu.memref_slice %arg5[%mul3A_28] : memref<25600xi32, #tpu.memory_space<vmem>> -> memref<40xi32, #tpu.memory_space<vmem>>
      %dma_start3A_30 = arith.constant 0 : i32
      %dma_start3A_31 = arith.constant 0 : i32
      %dma_start3A_32 = tpu.memref_slice %arg3[%dma_start3A_30, %dma_start3A_31] : memref<119547x384xi32, #tpu.memory_space<hbm>> -> memref<119547x384xi32, #tpu.memory_space<hbm>>
      tpu.enqueue_indirect_dma source(%dma_start3A_32 : memref<119547x384xi32, #tpu.memory_space<hbm>>) target(%arg7 : memref<40x384xi32, #tpu.memory_space<vmem>>) offsets(%dma_start3A_29 : memref<40xi32, #tpu.memory_space<vmem>>) semaphore(%arg12 : memref<!tpu.dma_semaphore, #tpu.memory_space<semaphore_mem>>)
      %dma_wait3A = arith.constant 0 : i32
      %dma_wait3A_33 = tpu.memref_slice %arg5[%dma_wait3A] : memref<25600xi32, #tpu.memory_space<vmem>> -> memref<40xi32, #tpu.memory_space<vmem>>
      %dma_wait3A_34 = arith.constant 0 : i32
      %dma_wait3A_35 = arith.constant 0 : i32
      %dma_wait3A_36 = tpu.memref_slice %arg3[%dma_wait3A_34, %dma_wait3A_35] : memref<119547x384xi32, #tpu.memory_space<hbm>> -> memref<119547x384xi32, #tpu.memory_space<hbm>>
      tpu.wait_indirect_dma semaphore(%arg11 : memref<!tpu.dma_semaphore, #tpu.memory_space<semaphore_mem>>) src(%dma_wait3A_36 : memref<119547x384xi32, #tpu.memory_space<hbm>>) dst(%arg6 : memref<40x384xi32, #tpu.memory_space<vmem>>)
      %parallel_loop3A = arith.constant 0 : i32
      %parallel_loop3A_37 = arith.constant 24 : i32
      %parallel_loop3A_38 = arith.constant 1 : i32
      scf.for %parallel_loop3A_76 = %parallel_loop3A to %parallel_loop3A_37 step %parallel_loop3A_38  : i32 {
        %parallel_loop3A_77 = arith.constant 16 : i32
        %parallel_loop3A_78 = arith.muli %parallel_loop3A_76, %parallel_loop3A_77 : i32
        %parallel_loop3A_79 = arith.constant 0 : i32
        %parallel_loop3A_80 = arith.index_cast %parallel_loop3A_79 : i32 to index
        %parallel_loop3A_81 = arith.index_cast %parallel_loop3A_78 : i32 to index
        %parallel_loop3A_82 = tpu.vector_load %arg6[%parallel_loop3A_80, %parallel_loop3A_81] {strides = array<i32>} : memref<40x384xi32, #tpu.memory_space<vmem>>, vector<16xi32>,
        %parallel_loop3A_83 = vector.bitcast %parallel_loop3A_82 : vector<16xi32> to vector<32xbf16>
        %parallel_loop3A_84 = tpu.unpack_subelements %parallel_loop3A_83, 0 {pack_format = #tpu.pack_format<interleaved>} : vector<32xbf16> -> vector<16xf32>
        %parallel_loop3A_85 = tpu.unpack_subelements %parallel_loop3A_83, 1 {pack_format = #tpu.pack_format<interleaved>} : vector<32xbf16> -> vector<16xf32>
        %parallel_loop3A_86 = arith.constant 1 : i32
        %parallel_loop3A_87 = arith.index_cast %parallel_loop3A_86 : i32 to index
        %parallel_loop3A_88 = arith.index_cast %parallel_loop3A_78 : i32 to index
        %parallel_loop3A_89 = tpu.vector_load %arg6[%parallel_loop3A_87, %parallel_loop3A_88] {strides = array<i32>} : memref<40x384xi32, #tpu.memory_space<vmem>>, vector<16xi32>,
        %parallel_loop3A_90 = vector.bitcast %parallel_loop3A_89 : vector<16xi32> to vector<32xbf16>
        %parallel_loop3A_91 = tpu.unpack_subelements %parallel_loop3A_90, 0 {pack_format = #tpu.pack_format<interleaved>} : vector<32xbf16> -> vector<16xf32>
        %parallel_loop3A_92 = tpu.unpack_subelements %parallel_loop3A_90, 1 {pack_format = #tpu.pack_format<interleaved>} : vector<32xbf16> -> vector<16xf32>
        %parallel_loop3A_93 = arith.constant 2 : i32
        %parallel_loop3A_94 = arith.index_cast %parallel_loop3A_93 : i32 to index
        %parallel_loop3A_95 = arith.index_cast %parallel_loop3A_78 : i32 to index
        %parallel_loop3A_96 = tpu.vector_load %arg6[%parallel_loop3A_94, %parallel_loop3A_95] {strides = array<i32>} : memref<40x384xi32, #tpu.memory_space<vmem>>, vector<16xi32>,
        %parallel_loop3A_97 = vector.bitcast %parallel_loop3A_96 : vector<16xi32> to vector<32xbf16>
        %parallel_loop3A_98 = tpu.unpack_subelements %parallel_loop3A_97, 0 {pack_format = #tpu.pack_format<interleaved>} : vector<32xbf16> -> vector<16xf32>
        %parallel_loop3A_99 = tpu.unpack_subelements %parallel_loop3A_97, 1 {pack_format = #tpu.pack_format<interleaved>} : vector<32xbf16> -> vector<16xf32>
        %parallel_loop3A_100 = arith.addf %parallel_loop3A_84, %parallel_loop3A_98 : vector<16xf32>
        %parallel_loop3A_101 = arith.addf %parallel_loop3A_85, %parallel_loop3A_99 : vector<16xf32>
        %parallel_loop3A_102 = arith.constant 3 : i32
        %parallel_loop3A_103 = arith.index_cast %parallel_loop3A_102 : i32 to index
        %parallel_loop3A_104 = arith.index_cast %parallel_loop3A_78 : i32 to index
        %parallel_loop3A_105 = tpu.vector_load %arg6[%parallel_loop3A_103, %parallel_loop3A_104] {strides = array<i32>} : memref<40x384xi32, #tpu.memory_space<vmem>>, vector<16xi32>,
        %parallel_loop3A_106 = vector.bitcast %parallel_loop3A_105 : vector<16xi32> to vector<32xbf16>
        %parallel_loop3A_107 = tpu.unpack_subelements %parallel_loop3A_106, 0 {pack_format = #tpu.pack_format<interleaved>} : vector<32xbf16> -> vector<16xf32>
        %parallel_loop3A_108 = tpu.unpack_subelements %parallel_loop3A_106, 1 {pack_format = #tpu.pack_format<interleaved>} : vector<32xbf16> -> vector<16xf32>
        %parallel_loop3A_109 = arith.addf %parallel_loop3A_91, %parallel_loop3A_107 : vector<16xf32>
        %parallel_loop3A_110 = arith.addf %parallel_loop3A_92, %parallel_loop3A_108 : vector<16xf32>
        %parallel_loop3A_111 = arith.constant 4 : i32
        %parallel_loop3A_112 = arith.index_cast %parallel_loop3A_111 : i32 to index
        %parallel_loop3A_113 = arith.index_cast %parallel_loop3A_78 : i32 to index
        %parallel_loop3A_114 = tpu.vector_load %arg6[%parallel_loop3A_112, %parallel_loop3A_113] {strides = array<i32>} : memref<40x384xi32, #tpu.memory_space<vmem>>, vector<16xi32>,
        %parallel_loop3A_115 = vector.bitcast %parallel_loop3A_114 : vector<16xi32> to vector<32xbf16>
        %parallel_loop3A_116 = tpu.unpack_subelements %parallel_loop3A_115, 0 {pack_format = #tpu.pack_format<interleaved>} : vector<32xbf16> -> vector<16xf32>
        %parallel_loop3A_117 = tpu.unpack_subelements %parallel_loop3A_115, 1 {pack_format = #tpu.pack_format<interleaved>} : vector<32xbf16> -> vector<16xf32>
        %parallel_loop3A_118 = arith.addf %parallel_loop3A_100, %parallel_loop3A_116 : vector<16xf32>
        %parallel_loop3A_119 = arith.addf %parallel_loop3A_101, %parallel_loop3A_117 : vector<16xf32>
        %parallel_loop3A_120 = arith.constant 5 : i32
        %parallel_loop3A_121 = arith.index_cast %parallel_loop3A_120 : i32 to index
        %parallel_loop3A_122 = arith.index_cast %parallel_loop3A_78 : i32 to index
        %parallel_loop3A_123 = tpu.vector_load %arg6[%parallel_loop3A_121, %parallel_loop3A_122] {strides = array<i32>} : memref<40x384xi32, #tpu.memory_space<vmem>>, vector<16xi32>,
        %parallel_loop3A_124 = vector.bitcast %parallel_loop3A_123 : vector<16xi32> to vector<32xbf16>
        %parallel_loop3A_125 = tpu.unpack_subelements %parallel_loop3A_124, 0 {pack_format = #tpu.pack_format<interleaved>} : vector<32xbf16> -> vector<16xf32>
        %parallel_loop3A_126 = tpu.unpack_subelements %parallel_loop3A_124, 1 {pack_format = #tpu.pack_format<interleaved>} : vector<32xbf16> -> vector<16xf32>
        %parallel_loop3A_127 = arith.addf %parallel_loop3A_109, %parallel_loop3A_125 : vector<16xf32>
        %parallel_loop3A_128 = arith.addf %parallel_loop3A_110, %parallel_loop3A_126 : vector<16xf32>
        %parallel_loop3A_129 = arith.constant 6 : i32
        %parallel_loop3A_130 = arith.index_cast %parallel_loop3A_129 : i32 to index
        %parallel_loop3A_131 = arith.index_cast %parallel_loop3A_78 : i32 to index
        %parallel_loop3A_132 = tpu.vector_load %arg6[%parallel_loop3A_130, %parallel_loop3A_131] {strides = array<i32>} : memref<40x384xi32, #tpu.memory_space<vmem>>, vector<16xi32>,
        %parallel_loop3A_133 = vector.bitcast %parallel_loop3A_132 : vector<16xi32> to vector<32xbf16>
        %parallel_loop3A_134 = tpu.unpack_subelements %parallel_loop3A_133, 0 {pack_format = #tpu.pack_format<interleaved>} : vector<32xbf16> -> vector<16xf32>
        %parallel_loop3A_135 = tpu.unpack_subelements %parallel_loop3A_133, 1 {pack_format = #tpu.pack_format<interleaved>} : vector<32xbf16> -> vector<16xf32>
        %parallel_loop3A_136 = arith.addf %parallel_loop3A_118, %parallel_loop3A_134 : vector<16xf32>
        %parallel_loop3A_137 = arith.addf %parallel_loop3A_119, %parallel_loop3A_135 : vector<16xf32>
        %parallel_loop3A_138 = arith.constant 7 : i32
        %parallel_loop3A_139 = arith.index_cast %parallel_loop3A_138 : i32 to index
        %parallel_loop3A_140 = arith.index_cast %parallel_loop3A_78 : i32 to index
        %parallel_loop3A_141 = tpu.vector_load %arg6[%parallel_loop3A_139, %parallel_loop3A_140] {strides = array<i32>} : memref<40x384xi32, #tpu.memory_space<vmem>>, vector<16xi32>,
        %parallel_loop3A_142 = vector.bitcast %parallel_loop3A_141 : vector<16xi32> to vector<32xbf16>
        %parallel_loop3A_143 = tpu.unpack_subelements %parallel_loop3A_142, 0 {pack_format = #tpu.pack_format<interleaved>} : vector<32xbf16> -> vector<16xf32>
        %parallel_loop3A_144 = tpu.unpack_subelements %parallel_loop3A_142, 1 {pack_format = #tpu.pack_format<interleaved>} : vector<32xbf16> -> vector<16xf32>
        %parallel_loop3A_145 = arith.addf %parallel_loop3A_127, %parallel_loop3A_143 : vector<16xf32>
        %parallel_loop3A_146 = arith.addf %parallel_loop3A_128, %parallel_loop3A_144 : vector<16xf32>
        %parallel_loop3A_147 = arith.constant 8 : i32
        %parallel_loop3A_148 = arith.index_cast %parallel_loop3A_147 : i32 to index
        %parallel_loop3A_149 = arith.index_cast %parallel_loop3A_78 : i32 to index
        %parallel_loop3A_150 = tpu.vector_load %arg6[%parallel_loop3A_148, %parallel_loop3A_149] {strides = array<i32>} : memref<40x384xi32, #tpu.memory_space<vmem>>, vector<16xi32>,
        %parallel_loop3A_151 = vector.bitcast %parallel_loop3A_150 : vector<16xi32> to vector<32xbf16>
        %parallel_loop3A_152 = tpu.unpack_subelements %parallel_loop3A_151, 0 {pack_format = #tpu.pack_format<interleaved>} : vector<32xbf16> -> vector<16xf32>
        %parallel_loop3A_153 = tpu.unpack_subelements %parallel_loop3A_151, 1 {pack_format = #tpu.pack_format<interleaved>} : vector<32xbf16> -> vector<16xf32>
        %parallel_loop3A_154 = arith.addf %parallel_loop3A_136, %parallel_loop3A_152 : vector<16xf32>
        %parallel_loop3A_155 = arith.addf %parallel_loop3A_137, %parallel_loop3A_153 : vector<16xf32>
        %parallel_loop3A_156 = arith.constant 9 : i32
        %parallel_loop3A_157 = arith.index_cast %parallel_loop3A_156 : i32 to index
        %parallel_loop3A_158 = arith.index_cast %parallel_loop3A_78 : i32 to index
        %parallel_loop3A_159 = tpu.vector_load %arg6[%parallel_loop3A_157, %parallel_loop3A_158] {strides = array<i32>} : memref<40x384xi32, #tpu.memory_space<vmem>>, vector<16xi32>,
        %parallel_loop3A_160 = vector.bitcast %parallel_loop3A_159 : vector<16xi32> to vector<32xbf16>
        %parallel_loop3A_161 = tpu.unpack_subelements %parallel_loop3A_160, 0 {pack_format = #tpu.pack_format<interleaved>} : vector<32xbf16> -> vector<16xf32>
        %parallel_loop3A_162 = tpu.unpack_subelements %parallel_loop3A_160, 1 {pack_format = #tpu.pack_format<interleaved>} : vector<32xbf16> -> vector<16xf32>
        %parallel_loop3A_163 = arith.addf %parallel_loop3A_145, %parallel_loop3A_161 : vector<16xf32>
        %parallel_loop3A_164 = arith.addf %parallel_loop3A_146, %parallel_loop3A_162 : vector<16xf32>
        %parallel_loop3A_165 = arith.constant 10 : i32
        %parallel_loop3A_166 = arith.index_cast %parallel_loop3A_165 : i32 to index
        %parallel_loop3A_167 = arith.index_cast %parallel_loop3A_78 : i32 to index
        %parallel_loop3A_168 = tpu.vector_load %arg6[%parallel_loop3A_166, %parallel_loop3A_167] {strides = array<i32>} : memref<40x384xi32, #tpu.memory_space<vmem>>, vector<16xi32>,
        %parallel_loop3A_169 = vector.bitcast %parallel_loop3A_168 : vector<16xi32> to vector<32xbf16>
        %parallel_loop3A_170 = tpu.unpack_subelements %parallel_loop3A_169, 0 {pack_format = #tpu.pack_format<interleaved>} : vector<32xbf16> -> vector<16xf32>
        %parallel_loop3A_171 = tpu.unpack_subelements %parallel_loop3A_169, 1 {pack_format = #tpu.pack_format<interleaved>} : vector<32xbf16> -> vector<16xf32>
        %parallel_loop3A_172 = arith.addf %parallel_loop3A_154, %parallel_loop3A_170 : vector<16xf32>
        %parallel_loop3A_173 = arith.addf %parallel_loop3A_155, %parallel_loop3A_171 : vector<16xf32>
        %parallel_loop3A_174 = arith.constant 11 : i32
        %parallel_loop3A_175 = arith.index_cast %parallel_loop3A_174 : i32 to index
        %parallel_loop3A_176 = arith.index_cast %parallel_loop3A_78 : i32 to index
        %parallel_loop3A_177 = tpu.vector_load %arg6[%parallel_loop3A_175, %parallel_loop3A_176] {strides = array<i32>} : memref<40x384xi32, #tpu.memory_space<vmem>>, vector<16xi32>,
        %parallel_loop3A_178 = vector.bitcast %parallel_loop3A_177 : vector<16xi32> to vector<32xbf16>
        %parallel_loop3A_179 = tpu.unpack_subelements %parallel_loop3A_178, 0 {pack_format = #tpu.pack_format<interleaved>} : vector<32xbf16> -> vector<16xf32>
        %parallel_loop3A_180 = tpu.unpack_subelements %parallel_loop3A_178, 1 {pack_format = #tpu.pack_format<interleaved>} : vector<32xbf16> -> vector<16xf32>
        %parallel_loop3A_181 = arith.addf %parallel_loop3A_163, %parallel_loop3A_179 : vector<16xf32>
        %parallel_loop3A_182 = arith.addf %parallel_loop3A_164, %parallel_loop3A_180 : vector<16xf32>
        %parallel_loop3A_183 = arith.constant 12 : i32
        %parallel_loop3A_184 = arith.index_cast %parallel_loop3A_183 : i32 to index
        %parallel_loop3A_185 = arith.index_cast %parallel_loop3A_78 : i32 to index
        %parallel_loop3A_186 = tpu.vector_load %arg6[%parallel_loop3A_184, %parallel_loop3A_185] {strides = array<i32>} : memref<40x384xi32, #tpu.memory_space<vmem>>, vector<16xi32>,
        %parallel_loop3A_187 = vector.bitcast %parallel_loop3A_186 : vector<16xi32> to vector<32xbf16>
        %parallel_loop3A_188 = tpu.unpack_subelements %parallel_loop3A_187, 0 {pack_format = #tpu.pack_format<interleaved>} : vector<32xbf16> -> vector<16xf32>
        %parallel_loop3A_189 = tpu.unpack_subelements %parallel_loop3A_187, 1 {pack_format = #tpu.pack_format<interleaved>} : vector<32xbf16> -> vector<16xf32>
        %parallel_loop3A_190 = arith.addf %parallel_loop3A_172, %parallel_loop3A_188 : vector<16xf32>
        %parallel_loop3A_191 = arith.addf %parallel_loop3A_173, %parallel_loop3A_189 : vector<16xf32>
        %parallel_loop3A_192 = arith.constant 13 : i32
        %parallel_loop3A_193 = arith.index_cast %parallel_loop3A_192 : i32 to index
        %parallel_loop3A_194 = arith.index_cast %parallel_loop3A_78 : i32 to index
        %parallel_loop3A_195 = tpu.vector_load %arg6[%parallel_loop3A_193, %parallel_loop3A_194] {strides = array<i32>} : memref<40x384xi32, #tpu.memory_space<vmem>>, vector<16xi32>,
        %parallel_loop3A_196 = vector.bitcast %parallel_loop3A_195 : vector<16xi32> to vector<32xbf16>
        %parallel_loop3A_197 = tpu.unpack_subelements %parallel_loop3A_196, 0 {pack_format = #tpu.pack_format<interleaved>} : vector<32xbf16> -> vector<16xf32>
        %parallel_loop3A_198 = tpu.unpack_subelements %parallel_loop3A_196, 1 {pack_format = #tpu.pack_format<interleaved>} : vector<32xbf16> -> vector<16xf32>
        %parallel_loop3A_199 = arith.addf %parallel_loop3A_181, %parallel_loop3A_197 : vector<16xf32>
        %parallel_loop3A_200 = arith.addf %parallel_loop3A_182, %parallel_loop3A_198 : vector<16xf32>
        %parallel_loop3A_201 = arith.constant 14 : i32
        %parallel_loop3A_202 = arith.index_cast %parallel_loop3A_201 : i32 to index
        %parallel_loop3A_203 = arith.index_cast %parallel_loop3A_78 : i32 to index
        %parallel_loop3A_204 = tpu.vector_load %arg6[%parallel_loop3A_202, %parallel_loop3A_203] {strides = array<i32>} : memref<40x384xi32, #tpu.memory_space<vmem>>, vector<16xi32>,
        %parallel_loop3A_205 = vector.bitcast %parallel_loop3A_204 : vector<16xi32> to vector<32xbf16>
        %parallel_loop3A_206 = tpu.unpack_subelements %parallel_loop3A_205, 0 {pack_format = #tpu.pack_format<interleaved>} : vector<32xbf16> -> vector<16xf32>
        %parallel_loop3A_207 = tpu.unpack_subelements %parallel_loop3A_205, 1 {pack_format = #tpu.pack_format<interleaved>} : vector<32xbf16> -> vector<16xf32>
        %parallel_loop3A_208 = arith.addf %parallel_loop3A_190, %parallel_loop3A_206 : vector<16xf32>
        %parallel_loop3A_209 = arith.addf %parallel_loop3A_191, %parallel_loop3A_207 : vector<16xf32>
        %parallel_loop3A_210 = arith.constant 15 : i32
        %parallel_loop3A_211 = arith.index_cast %parallel_loop3A_210 : i32 to index
        %parallel_loop3A_212 = arith.index_cast %parallel_loop3A_78 : i32 to index
        %parallel_loop3A_213 = tpu.vector_load %arg6[%parallel_loop3A_211, %parallel_loop3A_212] {strides = array<i32>} : memref<40x384xi32, #tpu.memory_space<vmem>>, vector<16xi32>,
        %parallel_loop3A_214 = vector.bitcast %parallel_loop3A_213 : vector<16xi32> to vector<32xbf16>
        %parallel_loop3A_215 = tpu.unpack_subelements %parallel_loop3A_214, 0 {pack_format = #tpu.pack_format<interleaved>} : vector<32xbf16> -> vector<16xf32>
        %parallel_loop3A_216 = tpu.unpack_subelements %parallel_loop3A_214, 1 {pack_format = #tpu.pack_format<interleaved>} : vector<32xbf16> -> vector<16xf32>
        %parallel_loop3A_217 = arith.addf %parallel_loop3A_199, %parallel_loop3A_215 : vector<16xf32>
        %parallel_loop3A_218 = arith.addf %parallel_loop3A_200, %parallel_loop3A_216 : vector<16xf32>
        %parallel_loop3A_219 = arith.constant 16 : i32
        %parallel_loop3A_220 = arith.index_cast %parallel_loop3A_219 : i32 to index
        %parallel_loop3A_221 = arith.index_cast %parallel_loop3A_78 : i32 to index
        %parallel_loop3A_222 = tpu.vector_load %arg6[%parallel_loop3A_220, %parallel_loop3A_221] {strides = array<i32>} : memref<40x384xi32, #tpu.memory_space<vmem>>, vector<16xi32>,
        %parallel_loop3A_223 = vector.bitcast %parallel_loop3A_222 : vector<16xi32> to vector<32xbf16>
        %parallel_loop3A_224 = tpu.unpack_subelements %parallel_loop3A_223, 0 {pack_format = #tpu.pack_format<interleaved>} : vector<32xbf16> -> vector<16xf32>
        %parallel_loop3A_225 = tpu.unpack_subelements %parallel_loop3A_223, 1 {pack_format = #tpu.pack_format<interleaved>} : vector<32xbf16> -> vector<16xf32>
        %parallel_loop3A_226 = arith.addf %parallel_loop3A_208, %parallel_loop3A_224 : vector<16xf32>
        %parallel_loop3A_227 = arith.addf %parallel_loop3A_209, %parallel_loop3A_225 : vector<16xf32>
        %parallel_loop3A_228 = arith.constant 17 : i32
        %parallel_loop3A_229 = arith.index_cast %parallel_loop3A_228 : i32 to index
        %parallel_loop3A_230 = arith.index_cast %parallel_loop3A_78 : i32 to index
        %parallel_loop3A_231 = tpu.vector_load %arg6[%parallel_loop3A_229, %parallel_loop3A_230] {strides = array<i32>} : memref<40x384xi32, #tpu.memory_space<vmem>>, vector<16xi32>,
        %parallel_loop3A_232 = vector.bitcast %parallel_loop3A_231 : vector<16xi32> to vector<32xbf16>
        %parallel_loop3A_233 = tpu.unpack_subelements %parallel_loop3A_232, 0 {pack_format = #tpu.pack_format<interleaved>} : vector<32xbf16> -> vector<16xf32>
        %parallel_loop3A_234 = tpu.unpack_subelements %parallel_loop3A_232, 1 {pack_format = #tpu.pack_format<interleaved>} : vector<32xbf16> -> vector<16xf32>
        %parallel_loop3A_235 = arith.addf %parallel_loop3A_217, %parallel_loop3A_233 : vector<16xf32>
        %parallel_loop3A_236 = arith.addf %parallel_loop3A_218, %parallel_loop3A_234 : vector<16xf32>
        %parallel_loop3A_237 = arith.constant 18 : i32
        %parallel_loop3A_238 = arith.index_cast %parallel_loop3A_237 : i32 to index
        %parallel_loop3A_239 = arith.index_cast %parallel_loop3A_78 : i32 to index
        %parallel_loop3A_240 = tpu.vector_load %arg6[%parallel_loop3A_238, %parallel_loop3A_239] {strides = array<i32>} : memref<40x384xi32, #tpu.memory_space<vmem>>, vector<16xi32>,
        %parallel_loop3A_241 = vector.bitcast %parallel_loop3A_240 : vector<16xi32> to vector<32xbf16>
        %parallel_loop3A_242 = tpu.unpack_subelements %parallel_loop3A_241, 0 {pack_format = #tpu.pack_format<interleaved>} : vector<32xbf16> -> vector<16xf32>
        %parallel_loop3A_243 = tpu.unpack_subelements %parallel_loop3A_241, 1 {pack_format = #tpu.pack_format<interleaved>} : vector<32xbf16> -> vector<16xf32>
        %parallel_loop3A_244 = arith.addf %parallel_loop3A_226, %parallel_loop3A_242 : vector<16xf32>
        %parallel_loop3A_245 = arith.addf %parallel_loop3A_227, %parallel_loop3A_243 : vector<16xf32>
        %parallel_loop3A_246 = arith.constant 19 : i32
        %parallel_loop3A_247 = arith.index_cast %parallel_loop3A_246 : i32 to index
        %parallel_loop3A_248 = arith.index_cast %parallel_loop3A_78 : i32 to index
        %parallel_loop3A_249 = tpu.vector_load %arg6[%parallel_loop3A_247, %parallel_loop3A_248] {strides = array<i32>} : memref<40x384xi32, #tpu.memory_space<vmem>>, vector<16xi32>,
        %parallel_loop3A_250 = vector.bitcast %parallel_loop3A_249 : vector<16xi32> to vector<32xbf16>
        %parallel_loop3A_251 = tpu.unpack_subelements %parallel_loop3A_250, 0 {pack_format = #tpu.pack_format<interleaved>} : vector<32xbf16> -> vector<16xf32>
        %parallel_loop3A_252 = tpu.unpack_subelements %parallel_loop3A_250, 1 {pack_format = #tpu.pack_format<interleaved>} : vector<32xbf16> -> vector<16xf32>
        %parallel_loop3A_253 = arith.addf %parallel_loop3A_235, %parallel_loop3A_251 : vector<16xf32>
        %parallel_loop3A_254 = arith.addf %parallel_loop3A_236, %parallel_loop3A_252 : vector<16xf32>
        %parallel_loop3A_255 = arith.constant 20 : i32
        %parallel_loop3A_256 = arith.index_cast %parallel_loop3A_255 : i32 to index
        %parallel_loop3A_257 = arith.index_cast %parallel_loop3A_78 : i32 to index
        %parallel_loop3A_258 = tpu.vector_load %arg6[%parallel_loop3A_256, %parallel_loop3A_257] {strides = array<i32>} : memref<40x384xi32, #tpu.memory_space<vmem>>, vector<16xi32>,
        %parallel_loop3A_259 = vector.bitcast %parallel_loop3A_258 : vector<16xi32> to vector<32xbf16>
        %parallel_loop3A_260 = tpu.unpack_subelements %parallel_loop3A_259, 0 {pack_format = #tpu.pack_format<interleaved>} : vector<32xbf16> -> vector<16xf32>
        %parallel_loop3A_261 = tpu.unpack_subelements %parallel_loop3A_259, 1 {pack_format = #tpu.pack_format<interleaved>} : vector<32xbf16> -> vector<16xf32>
        %parallel_loop3A_262 = arith.addf %parallel_loop3A_244, %parallel_loop3A_260 : vector<16xf32>
        %parallel_loop3A_263 = arith.addf %parallel_loop3A_245, %parallel_loop3A_261 : vector<16xf32>
        %parallel_loop3A_264 = arith.constant 21 : i32
        %parallel_loop3A_265 = arith.index_cast %parallel_loop3A_264 : i32 to index
        %parallel_loop3A_266 = arith.index_cast %parallel_loop3A_78 : i32 to index
        %parallel_loop3A_267 = tpu.vector_load %arg6[%parallel_loop3A_265, %parallel_loop3A_266] {strides = array<i32>} : memref<40x384xi32, #tpu.memory_space<vmem>>, vector<16xi32>,
        %parallel_loop3A_268 = vector.bitcast %parallel_loop3A_267 : vector<16xi32> to vector<32xbf16>
        %parallel_loop3A_269 = tpu.unpack_subelements %parallel_loop3A_268, 0 {pack_format = #tpu.pack_format<interleaved>} : vector<32xbf16> -> vector<16xf32>
        %parallel_loop3A_270 = tpu.unpack_subelements %parallel_loop3A_268, 1 {pack_format = #tpu.pack_format<interleaved>} : vector<32xbf16> -> vector<16xf32>
        %parallel_loop3A_271 = arith.addf %parallel_loop3A_253, %parallel_loop3A_269 : vector<16xf32>
        %parallel_loop3A_272 = arith.addf %parallel_loop3A_254, %parallel_loop3A_270 : vector<16xf32>
        %parallel_loop3A_273 = arith.constant 22 : i32
        %parallel_loop3A_274 = arith.index_cast %parallel_loop3A_273 : i32 to index
        %parallel_loop3A_275 = arith.index_cast %parallel_loop3A_78 : i32 to index
        %parallel_loop3A_276 = tpu.vector_load %arg6[%parallel_loop3A_274, %parallel_loop3A_275] {strides = array<i32>} : memref<40x384xi32, #tpu.memory_space<vmem>>, vector<16xi32>,
        %parallel_loop3A_277 = vector.bitcast %parallel_loop3A_276 : vector<16xi32> to vector<32xbf16>
        %parallel_loop3A_278 = tpu.unpack_subelements %parallel_loop3A_277, 0 {pack_format = #tpu.pack_format<interleaved>} : vector<32xbf16> -> vector<16xf32>
        %parallel_loop3A_279 = tpu.unpack_subelements %parallel_loop3A_277, 1 {pack_format = #tpu.pack_format<interleaved>} : vector<32xbf16> -> vector<16xf32>
        %parallel_loop3A_280 = arith.addf %parallel_loop3A_262, %parallel_loop3A_278 : vector<16xf32>
        %parallel_loop3A_281 = arith.addf %parallel_loop3A_263, %parallel_loop3A_279 : vector<16xf32>
        %parallel_loop3A_282 = arith.constant 23 : i32
        %parallel_loop3A_283 = arith.index_cast %parallel_loop3A_282 : i32 to index
        %parallel_loop3A_284 = arith.index_cast %parallel_loop3A_78 : i32 to index
        %parallel_loop3A_285 = tpu.vector_load %arg6[%parallel_loop3A_283, %parallel_loop3A_284] {strides = array<i32>} : memref<40x384xi32, #tpu.memory_space<vmem>>, vector<16xi32>,
        %parallel_loop3A_286 = vector.bitcast %parallel_loop3A_285 : vector<16xi32> to vector<32xbf16>
        %parallel_loop3A_287 = tpu.unpack_subelements %parallel_loop3A_286, 0 {pack_format = #tpu.pack_format<interleaved>} : vector<32xbf16> -> vector<16xf32>
        %parallel_loop3A_288 = tpu.unpack_subelements %parallel_loop3A_286, 1 {pack_format = #tpu.pack_format<interleaved>} : vector<32xbf16> -> vector<16xf32>
        %parallel_loop3A_289 = arith.addf %parallel_loop3A_271, %parallel_loop3A_287 : vector<16xf32>
        %parallel_loop3A_290 = arith.addf %parallel_loop3A_272, %parallel_loop3A_288 : vector<16xf32>
        %parallel_loop3A_291 = arith.constant 24 : i32
        %parallel_loop3A_292 = arith.index_cast %parallel_loop3A_291 : i32 to index
        %parallel_loop3A_293 = arith.index_cast %parallel_loop3A_78 : i32 to index
        %parallel_loop3A_294 = tpu.vector_load %arg6[%parallel_loop3A_292, %parallel_loop3A_293] {strides = array<i32>} : memref<40x384xi32, #tpu.memory_space<vmem>>, vector<16xi32>,
        %parallel_loop3A_295 = vector.bitcast %parallel_loop3A_294 : vector<16xi32> to vector<32xbf16>
        %parallel_loop3A_296 = tpu.unpack_subelements %parallel_loop3A_295, 0 {pack_format = #tpu.pack_format<interleaved>} : vector<32xbf16> -> vector<16xf32>
        %parallel_loop3A_297 = tpu.unpack_subelements %parallel_loop3A_295, 1 {pack_format = #tpu.pack_format<interleaved>} : vector<32xbf16> -> vector<16xf32>
        %parallel_loop3A_298 = arith.addf %parallel_loop3A_280, %parallel_loop3A_296 : vector<16xf32>
        %parallel_loop3A_299 = arith.addf %parallel_loop3A_281, %parallel_loop3A_297 : vector<16xf32>
        %parallel_loop3A_300 = arith.constant 25 : i32
        %parallel_loop3A_301 = arith.index_cast %parallel_loop3A_300 : i32 to index
        %parallel_loop3A_302 = arith.index_cast %parallel_loop3A_78 : i32 to index
        %parallel_loop3A_303 = tpu.vector_load %arg6[%parallel_loop3A_301, %parallel_loop3A_302] {strides = array<i32>} : memref<40x384xi32, #tpu.memory_space<vmem>>, vector<16xi32>,
        %parallel_loop3A_304 = vector.bitcast %parallel_loop3A_303 : vector<16xi32> to vector<32xbf16>
        %parallel_loop3A_305 = tpu.unpack_subelements %parallel_loop3A_304, 0 {pack_format = #tpu.pack_format<interleaved>} : vector<32xbf16> -> vector<16xf32>
        %parallel_loop3A_306 = tpu.unpack_subelements %parallel_loop3A_304, 1 {pack_format = #tpu.pack_format<interleaved>} : vector<32xbf16> -> vector<16xf32>
        %parallel_loop3A_307 = arith.addf %parallel_loop3A_289, %parallel_loop3A_305 : vector<16xf32>
        %parallel_loop3A_308 = arith.addf %parallel_loop3A_290, %parallel_loop3A_306 : vector<16xf32>
        %parallel_loop3A_309 = arith.constant 26 : i32
        %parallel_loop3A_310 = arith.index_cast %parallel_loop3A_309 : i32 to index
        %parallel_loop3A_311 = arith.index_cast %parallel_loop3A_78 : i32 to index
        %parallel_loop3A_312 = tpu.vector_load %arg6[%parallel_loop3A_310, %parallel_loop3A_311] {strides = array<i32>} : memref<40x384xi32, #tpu.memory_space<vmem>>, vector<16xi32>,
        %parallel_loop3A_313 = vector.bitcast %parallel_loop3A_312 : vector<16xi32> to vector<32xbf16>
        %parallel_loop3A_314 = tpu.unpack_subelements %parallel_loop3A_313, 0 {pack_format = #tpu.pack_format<interleaved>} : vector<32xbf16> -> vector<16xf32>
        %parallel_loop3A_315 = tpu.unpack_subelements %parallel_loop3A_313, 1 {pack_format = #tpu.pack_format<interleaved>} : vector<32xbf16> -> vector<16xf32>
        %parallel_loop3A_316 = arith.addf %parallel_loop3A_298, %parallel_loop3A_314 : vector<16xf32>
        %parallel_loop3A_317 = arith.addf %parallel_loop3A_299, %parallel_loop3A_315 : vector<16xf32>
        %parallel_loop3A_318 = arith.constant 27 : i32
        %parallel_loop3A_319 = arith.index_cast %parallel_loop3A_318 : i32 to index
        %parallel_loop3A_320 = arith.index_cast %parallel_loop3A_78 : i32 to index
        %parallel_loop3A_321 = tpu.vector_load %arg6[%parallel_loop3A_319, %parallel_loop3A_320] {strides = array<i32>} : memref<40x384xi32, #tpu.memory_space<vmem>>, vector<16xi32>,
        %parallel_loop3A_322 = vector.bitcast %parallel_loop3A_321 : vector<16xi32> to vector<32xbf16>
        %parallel_loop3A_323 = tpu.unpack_subelements %parallel_loop3A_322, 0 {pack_format = #tpu.pack_format<interleaved>} : vector<32xbf16> -> vector<16xf32>
        %parallel_loop3A_324 = tpu.unpack_subelements %parallel_loop3A_322, 1 {pack_format = #tpu.pack_format<interleaved>} : vector<32xbf16> -> vector<16xf32>
        %parallel_loop3A_325 = arith.addf %parallel_loop3A_307, %parallel_loop3A_323 : vector<16xf32>
        %parallel_loop3A_326 = arith.addf %parallel_loop3A_308, %parallel_loop3A_324 : vector<16xf32>
        %parallel_loop3A_327 = arith.constant 28 : i32
        %parallel_loop3A_328 = arith.index_cast %parallel_loop3A_327 : i32 to index
        %parallel_loop3A_329 = arith.index_cast %parallel_loop3A_78 : i32 to index
        %parallel_loop3A_330 = tpu.vector_load %arg6[%parallel_loop3A_328, %parallel_loop3A_329] {strides = array<i32>} : memref<40x384xi32, #tpu.memory_space<vmem>>, vector<16xi32>,
        %parallel_loop3A_331 = vector.bitcast %parallel_loop3A_330 : vector<16xi32> to vector<32xbf16>
        %parallel_loop3A_332 = tpu.unpack_subelements %parallel_loop3A_331, 0 {pack_format = #tpu.pack_format<interleaved>} : vector<32xbf16> -> vector<16xf32>
        %parallel_loop3A_333 = tpu.unpack_subelements %parallel_loop3A_331, 1 {pack_format = #tpu.pack_format<interleaved>} : vector<32xbf16> -> vector<16xf32>
        %parallel_loop3A_334 = arith.addf %parallel_loop3A_316, %parallel_loop3A_332 : vector<16xf32>
        %parallel_loop3A_335 = arith.addf %parallel_loop3A_317, %parallel_loop3A_333 : vector<16xf32>
        %parallel_loop3A_336 = arith.constant 29 : i32
        %parallel_loop3A_337 = arith.index_cast %parallel_loop3A_336 : i32 to index
        %parallel_loop3A_338 = arith.index_cast %parallel_loop3A_78 : i32 to index
        %parallel_loop3A_339 = tpu.vector_load %arg6[%parallel_loop3A_337, %parallel_loop3A_338] {strides = array<i32>} : memref<40x384xi32, #tpu.memory_space<vmem>>, vector<16xi32>,
        %parallel_loop3A_340 = vector.bitcast %parallel_loop3A_339 : vector<16xi32> to vector<32xbf16>
        %parallel_loop3A_341 = tpu.unpack_subelements %parallel_loop3A_340, 0 {pack_format = #tpu.pack_format<interleaved>} : vector<32xbf16> -> vector<16xf32>
        %parallel_loop3A_342 = tpu.unpack_subelements %parallel_loop3A_340, 1 {pack_format = #tpu.pack_format<interleaved>} : vector<32xbf16> -> vector<16xf32>
        %parallel_loop3A_343 = arith.addf %parallel_loop3A_325, %parallel_loop3A_341 : vector<16xf32>
        %parallel_loop3A_344 = arith.addf %parallel_loop3A_326, %parallel_loop3A_342 : vector<16xf32>
        %parallel_loop3A_345 = arith.constant 30 : i32
        %parallel_loop3A_346 = arith.index_cast %parallel_loop3A_345 : i32 to index
        %parallel_loop3A_347 = arith.index_cast %parallel_loop3A_78 : i32 to index
        %parallel_loop3A_348 = tpu.vector_load %arg6[%parallel_loop3A_346, %parallel_loop3A_347] {strides = array<i32>} : memref<40x384xi32, #tpu.memory_space<vmem>>, vector<16xi32>,
        %parallel_loop3A_349 = vector.bitcast %parallel_loop3A_348 : vector<16xi32> to vector<32xbf16>
        %parallel_loop3A_350 = tpu.unpack_subelements %parallel_loop3A_349, 0 {pack_format = #tpu.pack_format<interleaved>} : vector<32xbf16> -> vector<16xf32>
        %parallel_loop3A_351 = tpu.unpack_subelements %parallel_loop3A_349, 1 {pack_format = #tpu.pack_format<interleaved>} : vector<32xbf16> -> vector<16xf32>
        %parallel_loop3A_352 = arith.addf %parallel_loop3A_334, %parallel_loop3A_350 : vector<16xf32>
        %parallel_loop3A_353 = arith.addf %parallel_loop3A_335, %parallel_loop3A_351 : vector<16xf32>
        %parallel_loop3A_354 = arith.constant 31 : i32
        %parallel_loop3A_355 = arith.index_cast %parallel_loop3A_354 : i32 to index
        %parallel_loop3A_356 = arith.index_cast %parallel_loop3A_78 : i32 to index
        %parallel_loop3A_357 = tpu.vector_load %arg6[%parallel_loop3A_355, %parallel_loop3A_356] {strides = array<i32>} : memref<40x384xi32, #tpu.memory_space<vmem>>, vector<16xi32>,
        %parallel_loop3A_358 = vector.bitcast %parallel_loop3A_357 : vector<16xi32> to vector<32xbf16>
        %parallel_loop3A_359 = tpu.unpack_subelements %parallel_loop3A_358, 0 {pack_format = #tpu.pack_format<interleaved>} : vector<32xbf16> -> vector<16xf32>
        %parallel_loop3A_360 = tpu.unpack_subelements %parallel_loop3A_358, 1 {pack_format = #tpu.pack_format<interleaved>} : vector<32xbf16> -> vector<16xf32>
        %parallel_loop3A_361 = arith.addf %parallel_loop3A_343, %parallel_loop3A_359 : vector<16xf32>
        %parallel_loop3A_362 = arith.addf %parallel_loop3A_344, %parallel_loop3A_360 : vector<16xf32>
        %parallel_loop3A_363 = arith.constant 32 : i32
        %parallel_loop3A_364 = arith.index_cast %parallel_loop3A_363 : i32 to index
        %parallel_loop3A_365 = arith.index_cast %parallel_loop3A_78 : i32 to index
        %parallel_loop3A_366 = tpu.vector_load %arg6[%parallel_loop3A_364, %parallel_loop3A_365] {strides = array<i32>} : memref<40x384xi32, #tpu.memory_space<vmem>>, vector<16xi32>,
        %parallel_loop3A_367 = vector.bitcast %parallel_loop3A_366 : vector<16xi32> to vector<32xbf16>
        %parallel_loop3A_368 = tpu.unpack_subelements %parallel_loop3A_367, 0 {pack_format = #tpu.pack_format<interleaved>} : vector<32xbf16> -> vector<16xf32>
        %parallel_loop3A_369 = tpu.unpack_subelements %parallel_loop3A_367, 1 {pack_format = #tpu.pack_format<interleaved>} : vector<32xbf16> -> vector<16xf32>
        %parallel_loop3A_370 = arith.addf %parallel_loop3A_352, %parallel_loop3A_368 : vector<16xf32>
        %parallel_loop3A_371 = arith.addf %parallel_loop3A_353, %parallel_loop3A_369 : vector<16xf32>
        %parallel_loop3A_372 = arith.constant 33 : i32
        %parallel_loop3A_373 = arith.index_cast %parallel_loop3A_372 : i32 to index
        %parallel_loop3A_374 = arith.index_cast %parallel_loop3A_78 : i32 to index
        %parallel_loop3A_375 = tpu.vector_load %arg6[%parallel_loop3A_373, %parallel_loop3A_374] {strides = array<i32>} : memref<40x384xi32, #tpu.memory_space<vmem>>, vector<16xi32>,
        %parallel_loop3A_376 = vector.bitcast %parallel_loop3A_375 : vector<16xi32> to vector<32xbf16>
        %parallel_loop3A_377 = tpu.unpack_subelements %parallel_loop3A_376, 0 {pack_format = #tpu.pack_format<interleaved>} : vector<32xbf16> -> vector<16xf32>
        %parallel_loop3A_378 = tpu.unpack_subelements %parallel_loop3A_376, 1 {pack_format = #tpu.pack_format<interleaved>} : vector<32xbf16> -> vector<16xf32>
        %parallel_loop3A_379 = arith.addf %parallel_loop3A_361, %parallel_loop3A_377 : vector<16xf32>
        %parallel_loop3A_380 = arith.addf %parallel_loop3A_362, %parallel_loop3A_378 : vector<16xf32>
        %parallel_loop3A_381 = arith.constant 34 : i32
        %parallel_loop3A_382 = arith.index_cast %parallel_loop3A_381 : i32 to index
        %parallel_loop3A_383 = arith.index_cast %parallel_loop3A_78 : i32 to index
        %parallel_loop3A_384 = tpu.vector_load %arg6[%parallel_loop3A_382, %parallel_loop3A_383] {strides = array<i32>} : memref<40x384xi32, #tpu.memory_space<vmem>>, vector<16xi32>,
        %parallel_loop3A_385 = vector.bitcast %parallel_loop3A_384 : vector<16xi32> to vector<32xbf16>
        %parallel_loop3A_386 = tpu.unpack_subelements %parallel_loop3A_385, 0 {pack_format = #tpu.pack_format<interleaved>} : vector<32xbf16> -> vector<16xf32>
        %parallel_loop3A_387 = tpu.unpack_subelements %parallel_loop3A_385, 1 {pack_format = #tpu.pack_format<interleaved>} : vector<32xbf16> -> vector<16xf32>
        %parallel_loop3A_388 = arith.addf %parallel_loop3A_370, %parallel_loop3A_386 : vector<16xf32>
        %parallel_loop3A_389 = arith.addf %parallel_loop3A_371, %parallel_loop3A_387 : vector<16xf32>
        %parallel_loop3A_390 = arith.constant 35 : i32
        %parallel_loop3A_391 = arith.index_cast %parallel_loop3A_390 : i32 to index
        %parallel_loop3A_392 = arith.index_cast %parallel_loop3A_78 : i32 to index
        %parallel_loop3A_393 = tpu.vector_load %arg6[%parallel_loop3A_391, %parallel_loop3A_392] {strides = array<i32>} : memref<40x384xi32, #tpu.memory_space<vmem>>, vector<16xi32>,
        %parallel_loop3A_394 = vector.bitcast %parallel_loop3A_393 : vector<16xi32> to vector<32xbf16>
        %parallel_loop3A_395 = tpu.unpack_subelements %parallel_loop3A_394, 0 {pack_format = #tpu.pack_format<interleaved>} : vector<32xbf16> -> vector<16xf32>
        %parallel_loop3A_396 = tpu.unpack_subelements %parallel_loop3A_394, 1 {pack_format = #tpu.pack_format<interleaved>} : vector<32xbf16> -> vector<16xf32>
        %parallel_loop3A_397 = arith.addf %parallel_loop3A_379, %parallel_loop3A_395 : vector<16xf32>
        %parallel_loop3A_398 = arith.addf %parallel_loop3A_380, %parallel_loop3A_396 : vector<16xf32>
        %parallel_loop3A_399 = arith.constant 36 : i32
        %parallel_loop3A_400 = arith.index_cast %parallel_loop3A_399 : i32 to index
        %parallel_loop3A_401 = arith.index_cast %parallel_loop3A_78 : i32 to index
        %parallel_loop3A_402 = tpu.vector_load %arg6[%parallel_loop3A_400, %parallel_loop3A_401] {strides = array<i32>} : memref<40x384xi32, #tpu.memory_space<vmem>>, vector<16xi32>,
        %parallel_loop3A_403 = vector.bitcast %parallel_loop3A_402 : vector<16xi32> to vector<32xbf16>
        %parallel_loop3A_404 = tpu.unpack_subelements %parallel_loop3A_403, 0 {pack_format = #tpu.pack_format<interleaved>} : vector<32xbf16> -> vector<16xf32>
        %parallel_loop3A_405 = tpu.unpack_subelements %parallel_loop3A_403, 1 {pack_format = #tpu.pack_format<interleaved>} : vector<32xbf16> -> vector<16xf32>
        %parallel_loop3A_406 = arith.addf %parallel_loop3A_388, %parallel_loop3A_404 : vector<16xf32>
        %parallel_loop3A_407 = arith.addf %parallel_loop3A_389, %parallel_loop3A_405 : vector<16xf32>
        %parallel_loop3A_408 = arith.constant 37 : i32
        %parallel_loop3A_409 = arith.index_cast %parallel_loop3A_408 : i32 to index
        %parallel_loop3A_410 = arith.index_cast %parallel_loop3A_78 : i32 to index
        %parallel_loop3A_411 = tpu.vector_load %arg6[%parallel_loop3A_409, %parallel_loop3A_410] {strides = array<i32>} : memref<40x384xi32, #tpu.memory_space<vmem>>, vector<16xi32>,
        %parallel_loop3A_412 = vector.bitcast %parallel_loop3A_411 : vector<16xi32> to vector<32xbf16>
        %parallel_loop3A_413 = tpu.unpack_subelements %parallel_loop3A_412, 0 {pack_format = #tpu.pack_format<interleaved>} : vector<32xbf16> -> vector<16xf32>
        %parallel_loop3A_414 = tpu.unpack_subelements %parallel_loop3A_412, 1 {pack_format = #tpu.pack_format<interleaved>} : vector<32xbf16> -> vector<16xf32>
        %parallel_loop3A_415 = arith.addf %parallel_loop3A_397, %parallel_loop3A_413 : vector<16xf32>
        %parallel_loop3A_416 = arith.addf %parallel_loop3A_398, %parallel_loop3A_414 : vector<16xf32>
        %parallel_loop3A_417 = arith.constant 38 : i32
        %parallel_loop3A_418 = arith.index_cast %parallel_loop3A_417 : i32 to index
        %parallel_loop3A_419 = arith.index_cast %parallel_loop3A_78 : i32 to index
        %parallel_loop3A_420 = tpu.vector_load %arg6[%parallel_loop3A_418, %parallel_loop3A_419] {strides = array<i32>} : memref<40x384xi32, #tpu.memory_space<vmem>>, vector<16xi32>,
        %parallel_loop3A_421 = vector.bitcast %parallel_loop3A_420 : vector<16xi32> to vector<32xbf16>
        %parallel_loop3A_422 = tpu.unpack_subelements %parallel_loop3A_421, 0 {pack_format = #tpu.pack_format<interleaved>} : vector<32xbf16> -> vector<16xf32>
        %parallel_loop3A_423 = tpu.unpack_subelements %parallel_loop3A_421, 1 {pack_format = #tpu.pack_format<interleaved>} : vector<32xbf16> -> vector<16xf32>
        %parallel_loop3A_424 = arith.addf %parallel_loop3A_406, %parallel_loop3A_422 : vector<16xf32>
        %parallel_loop3A_425 = arith.addf %parallel_loop3A_407, %parallel_loop3A_423 : vector<16xf32>
        %parallel_loop3A_426 = arith.constant 39 : i32
        %parallel_loop3A_427 = arith.index_cast %parallel_loop3A_426 : i32 to index
        %parallel_loop3A_428 = arith.index_cast %parallel_loop3A_78 : i32 to index
        %parallel_loop3A_429 = tpu.vector_load %arg6[%parallel_loop3A_427, %parallel_loop3A_428] {strides = array<i32>} : memref<40x384xi32, #tpu.memory_space<vmem>>, vector<16xi32>,
        %parallel_loop3A_430 = vector.bitcast %parallel_loop3A_429 : vector<16xi32> to vector<32xbf16>
        %parallel_loop3A_431 = tpu.unpack_subelements %parallel_loop3A_430, 0 {pack_format = #tpu.pack_format<interleaved>} : vector<32xbf16> -> vector<16xf32>
        %parallel_loop3A_432 = tpu.unpack_subelements %parallel_loop3A_430, 1 {pack_format = #tpu.pack_format<interleaved>} : vector<32xbf16> -> vector<16xf32>
        %parallel_loop3A_433 = arith.addf %parallel_loop3A_415, %parallel_loop3A_431 : vector<16xf32>
        %parallel_loop3A_434 = arith.addf %parallel_loop3A_416, %parallel_loop3A_432 : vector<16xf32>
        %parallel_loop3A_435 = arith.index_cast %parallel_loop3A_78 : i32 to index
        %parallel_loop3A_436 = tpu.vector_load %arg8[%parallel_loop3A_435] {strides = array<i32>} : memref<384xf32, #tpu.memory_space<vmem>>, vector<16xf32>,
        %parallel_loop3A_437 = arith.addf %parallel_loop3A_424, %parallel_loop3A_433 : vector<16xf32>
        %parallel_loop3A_438 = arith.addf %parallel_loop3A_436, %parallel_loop3A_437 : vector<16xf32>
        %parallel_loop3A_439 = arith.index_cast %parallel_loop3A_78 : i32 to index
        %parallel_loop3A_440 = tpu.vector_load %arg8[%parallel_loop3A_439] {strides = array<i32>} : memref<384xf32, #tpu.memory_space<vmem>>, vector<16xf32>,
        tpu.vector_store %arg8[%parallel_loop3A_439], %parallel_loop3A_438 {strides = array<i32>} : memref<384xf32, #tpu.memory_space<vmem>>, vector<16xf32>,
        %parallel_loop3A_441 = arith.index_cast %parallel_loop3A_78 : i32 to index
        %parallel_loop3A_442 = tpu.vector_load %arg9[%parallel_loop3A_441] {strides = array<i32>} : memref<384xf32, #tpu.memory_space<vmem>>, vector<16xf32>,
        %parallel_loop3A_443 = arith.addf %parallel_loop3A_425, %parallel_loop3A_434 : vector<16xf32>
        %parallel_loop3A_444 = arith.addf %parallel_loop3A_442, %parallel_loop3A_443 : vector<16xf32>
        %parallel_loop3A_445 = arith.index_cast %parallel_loop3A_78 : i32 to index
        %parallel_loop3A_446 = tpu.vector_load %arg9[%parallel_loop3A_445] {strides = array<i32>} : memref<384xf32, #tpu.memory_space<vmem>>, vector<16xf32>,
        tpu.vector_store %arg9[%parallel_loop3A_445], %parallel_loop3A_444 {strides = array<i32>} : memref<384xf32, #tpu.memory_space<vmem>>, vector<16xf32>,
      } {sc.loop_unroll_factor = 2 : i64, sc.parallel_access}
      %eq3A = arith.constant 4 : i32
      %eq3A_39 = arith.cmpi eq, %scan3A_21, %eq3A : i32
      %convert_element_type3A = arith.extui %eq3A_39 : i1 to i32
      %cond3A = arith.constant 0 : i32
      %cond3A_40 = arith.cmpi ne, %convert_element_type3A, %cond3A : i32
      scf.if %cond3A_40 {
        %scan3A_76 = arith.constant 0 : i32
        %scan3A_77 = arith.constant 0 : i32
        %scan3A_78 = arith.constant 24 : i32
        %scan3A_79 = arith.addi %scan3A_77, %scan3A_78 : i32
        %scan3A_80 = arith.constant 1 : i32
        %scan3A_81 = scf.for %scan3A_85 = %scan3A_77 to %scan3A_79 step %scan3A_80 iter_args(%scan3A_86 = %scan3A_76) -> (i32)  : i32 {
          %mul3A_87 = arith.constant 16 : i32
          %mul3A_88 = arith.muli %scan3A_85, %mul3A_87 : i32
          %get3A = arith.index_cast %mul3A_88 : i32 to index
          %get3A_89 = tpu.vector_load %arg8[%get3A] {strides = array<i32>} : memref<384xf32, #tpu.memory_space<vmem>>, vector<16xf32>,
          %mul3A_90 = arith.constant 5.000000e-03 : f32
          %mul3A_91 = vector.broadcast %mul3A_90 : f32 to vector<16xf32>
          %mul3A_92 = arith.mulf %get3A_89, %mul3A_91 : vector<16xf32>
          %swap3A = arith.index_cast %mul3A_88 : i32 to index
          %swap3A_93 = tpu.vector_load %arg10[%swap3A] {strides = array<i32>} : memref<768xf32, #tpu.memory_space<vmem>>, vector<16xf32>,
          tpu.vector_store %arg10[%swap3A], %mul3A_92 {strides = array<i32>} : memref<768xf32, #tpu.memory_space<vmem>>, vector<16xf32>,
          %get3A_94 = arith.index_cast %mul3A_88 : i32 to index
          %get3A_95 = tpu.vector_load %arg9[%get3A_94] {strides = array<i32>} : memref<384xf32, #tpu.memory_space<vmem>>, vector<16xf32>,
          %mul3A_96 = arith.constant 5.000000e-03 : f32
          %mul3A_97 = vector.broadcast %mul3A_96 : f32 to vector<16xf32>
          %mul3A_98 = arith.mulf %get3A_95, %mul3A_97 : vector<16xf32>
          %mul3A_99 = arith.constant 16 : i32
          %mul3A_100 = arith.muli %scan3A_85, %mul3A_99 : i32
          %add3A_101 = arith.constant 384 : i32
          %add3A_102 = arith.addi %add3A_101, %mul3A_100 : i32
          %swap3A_103 = arith.index_cast %add3A_102 : i32 to index
          %swap3A_104 = tpu.vector_load %arg10[%swap3A_103] {strides = array<i32>} : memref<768xf32, #tpu.memory_space<vmem>>, vector<16xf32>,
          tpu.vector_store %arg10[%swap3A_103], %mul3A_98 {strides = array<i32>} : memref<768xf32, #tpu.memory_space<vmem>>, vector<16xf32>,
          %broadcast_in_dim3A = arith.constant 0.000000e+00 : f32
          %broadcast_in_dim3A_105 = vector.broadcast %broadcast_in_dim3A : f32 to vector<16xf32>
          %swap3A_106 = arith.index_cast %mul3A_88 : i32 to index
          %swap3A_107 = tpu.vector_load %arg8[%swap3A_106] {strides = array<i32>} : memref<384xf32, #tpu.memory_space<vmem>>, vector<16xf32>,
          tpu.vector_store %arg8[%swap3A_106], %broadcast_in_dim3A_105 {strides = array<i32>} : memref<384xf32, #tpu.memory_space<vmem>>, vector<16xf32>,
          %broadcast_in_dim3A_108 = arith.constant 0.000000e+00 : f32
          %broadcast_in_dim3A_109 = vector.broadcast %broadcast_in_dim3A_108 : f32 to vector<16xf32>
          %swap3A_110 = arith.index_cast %mul3A_88 : i32 to index
          %swap3A_111 = tpu.vector_load %arg9[%swap3A_110] {strides = array<i32>} : memref<384xf32, #tpu.memory_space<vmem>>, vector<16xf32>,
          tpu.vector_store %arg9[%swap3A_110], %broadcast_in_dim3A_109 {strides = array<i32>} : memref<384xf32, #tpu.memory_space<vmem>>, vector<16xf32>,
          %scan3A_112 = arith.constant 0 : i32
          scf.yield %scan3A_112 : i32
        }
        %scan3A_82 = arith.constant 24 : i32
        %mul3A_83 = arith.constant 768 : i32
        %mul3A_84 = arith.muli %scan3A_22, %mul3A_83 : i32
        "tpu.region"() ({
          %run_scoped3A = tpu.sem_alloc : memref<!tpu.dma_semaphore, #tpu.memory_space<semaphore_mem>>
          %dma_start3A_85 = tpu.memref_slice %arg4[%mul3A_84] : memref<3145728xf32, #tpu.memory_space<hbm>> -> memref<768xf32, #tpu.memory_space<hbm>>
          %dma_start3A_86 = tpu.memref_slice %arg4[%mul3A_84] : memref<3145728xf32, #tpu.memory_space<hbm>> -> memref<768xf32, #tpu.memory_space<hbm>>
          tpu.enqueue_dma source(%arg10 : memref<768xf32, #tpu.memory_space<vmem>>) target(%dma_start3A_86 : memref<768xf32, #tpu.memory_space<hbm>>) target_semaphore(%run_scoped3A : memref<!tpu.dma_semaphore, #tpu.memory_space<semaphore_mem>>)
          %dma_wait3A_87 = tpu.memref_slice %arg4[%mul3A_84] : memref<3145728xf32, #tpu.memory_space<hbm>> -> memref<768xf32, #tpu.memory_space<hbm>>
          %dma_wait3A_88 = tpu.memref_slice %arg4[%mul3A_84] : memref<3145728xf32, #tpu.memory_space<hbm>> -> memref<768xf32, #tpu.memory_space<hbm>>
          tpu.wait_dma2 semaphore(%run_scoped3A : memref<!tpu.dma_semaphore, #tpu.memory_space<semaphore_mem>>) src(%arg10 : memref<768xf32, #tpu.memory_space<vmem>>) dst(%dma_wait3A_88 : memref<768xf32, #tpu.memory_space<hbm>>)
          tpu.yield
        }) : () -> ()
      } else {
      }
      %eq3A_41 = arith.constant 4 : i32
      %eq3A_42 = arith.cmpi eq, %scan3A_21, %eq3A_41 : i32
      %add3A_43 = arith.constant 1 : i32
      %add3A_44 = arith.addi %scan3A_21, %add3A_43 : i32
      %jit3A = arith.constant 0 : i32
      %select_n3A = arith.select %eq3A_42, %jit3A, %add3A_44 : i32
      %add3A_45 = arith.constant 1 : i32
      %add3A_46 = arith.addi %scan3A_22, %add3A_45 : i32
      %select_n3A_47 = arith.select %eq3A_42, %add3A_46, %scan3A_22 : i32
      %add3A_48 = arith.constant 2 : i32
      %add3A_49 = arith.addi %mul3A_24, %add3A_48 : i32
      %lt3A = arith.constant 640 : i32
      %lt3A_50 = arith.cmpi slt, %add3A_49, %lt3A : i32
      %convert_element_type3A_51 = arith.extui %lt3A_50 : i1 to i32
      %cond3A_52 = arith.constant 0 : i32
      %cond3A_53 = arith.cmpi ne, %convert_element_type3A_51, %cond3A_52 : i32
      scf.if %cond3A_53 {
        %add3A_76 = arith.constant 2 : i32
        %add3A_77 = arith.addi %mul3A_24, %add3A_76 : i32
        %mul3A_78 = arith.constant 40 : i32
        %mul3A_79 = arith.muli %add3A_77, %mul3A_78 : i32
        %dma_start3A_80 = tpu.memref_slice %arg5[%mul3A_79] : memref<25600xi32, #tpu.memory_space<vmem>> -> memref<40xi32, #tpu.memory_space<vmem>>
        %dma_start3A_81 = arith.constant 0 : i32
        %dma_start3A_82 = arith.constant 0 : i32
        %dma_start3A_83 = tpu.memref_slice %arg3[%dma_start3A_81, %dma_start3A_82] : memref<119547x384xi32, #tpu.memory_space<hbm>> -> memref<119547x384xi32, #tpu.memory_space<hbm>>
        tpu.enqueue_indirect_dma source(%dma_start3A_83 : memref<119547x384xi32, #tpu.memory_space<hbm>>) target(%arg6 : memref<40x384xi32, #tpu.memory_space<vmem>>) offsets(%dma_start3A_80 : memref<40xi32, #tpu.memory_space<vmem>>) semaphore(%arg11 : memref<!tpu.dma_semaphore, #tpu.memory_space<semaphore_mem>>)
      } else {
      }
      %dma_wait3A_54 = arith.constant 0 : i32
      %dma_wait3A_55 = tpu.memref_slice %arg5[%dma_wait3A_54] : memref<25600xi32, #tpu.memory_space<vmem>> -> memref<40xi32, #tpu.memory_space<vmem>>
      %dma_wait3A_56 = arith.constant 0 : i32
      %dma_wait3A_57 = arith.constant 0 : i32
      %dma_wait3A_58 = tpu.memref_slice %arg3[%dma_wait3A_56, %dma_wait3A_57] : memref<119547x384xi32, #tpu.memory_space<hbm>> -> memref<119547x384xi32, #tpu.memory_space<hbm>>
      tpu.wait_indirect_dma semaphore(%arg12 : memref<!tpu.dma_semaphore, #tpu.memory_space<semaphore_mem>>) src(%dma_wait3A_58 : memref<119547x384xi32, #tpu.memory_space<hbm>>) dst(%arg7 : memref<40x384xi32, #tpu.memory_space<vmem>>)
      %parallel_loop3A_59 = arith.constant 0 : i32
      %parallel_loop3A_60 = arith.constant 24 : i32
      %parallel_loop3A_61 = arith.constant 1 : i32
      scf.for %parallel_loop3A_76 = %parallel_loop3A_59 to %parallel_loop3A_60 step %parallel_loop3A_61  : i32 {
        %parallel_loop3A_77 = arith.constant 16 : i32
        %parallel_loop3A_78 = arith.muli %parallel_loop3A_76, %parallel_loop3A_77 : i32
        %parallel_loop3A_79 = arith.constant 0 : i32
        %parallel_loop3A_80 = arith.index_cast %parallel_loop3A_79 : i32 to index
        %parallel_loop3A_81 = arith.index_cast %parallel_loop3A_78 : i32 to index
        %parallel_loop3A_82 = tpu.vector_load %arg7[%parallel_loop3A_80, %parallel_loop3A_81] {strides = array<i32>} : memref<40x384xi32, #tpu.memory_space<vmem>>, vector<16xi32>,
        %parallel_loop3A_83 = vector.bitcast %parallel_loop3A_82 : vector<16xi32> to vector<32xbf16>
        %parallel_loop3A_84 = tpu.unpack_subelements %parallel_loop3A_83, 0 {pack_format = #tpu.pack_format<interleaved>} : vector<32xbf16> -> vector<16xf32>
        %parallel_loop3A_85 = tpu.unpack_subelements %parallel_loop3A_83, 1 {pack_format = #tpu.pack_format<interleaved>} : vector<32xbf16> -> vector<16xf32>
        %parallel_loop3A_86 = arith.constant 1 : i32
        %parallel_loop3A_87 = arith.index_cast %parallel_loop3A_86 : i32 to index
        %parallel_loop3A_88 = arith.index_cast %parallel_loop3A_78 : i32 to index
        %parallel_loop3A_89 = tpu.vector_load %arg7[%parallel_loop3A_87, %parallel_loop3A_88] {strides = array<i32>} : memref<40x384xi32, #tpu.memory_space<vmem>>, vector<16xi32>,
        %parallel_loop3A_90 = vector.bitcast %parallel_loop3A_89 : vector<16xi32> to vector<32xbf16>
        %parallel_loop3A_91 = tpu.unpack_subelements %parallel_loop3A_90, 0 {pack_format = #tpu.pack_format<interleaved>} : vector<32xbf16> -> vector<16xf32>
        %parallel_loop3A_92 = tpu.unpack_subelements %parallel_loop3A_90, 1 {pack_format = #tpu.pack_format<interleaved>} : vector<32xbf16> -> vector<16xf32>
        %parallel_loop3A_93 = arith.constant 2 : i32
        %parallel_loop3A_94 = arith.index_cast %parallel_loop3A_93 : i32 to index
        %parallel_loop3A_95 = arith.index_cast %parallel_loop3A_78 : i32 to index
        %parallel_loop3A_96 = tpu.vector_load %arg7[%parallel_loop3A_94, %parallel_loop3A_95] {strides = array<i32>} : memref<40x384xi32, #tpu.memory_space<vmem>>, vector<16xi32>,
        %parallel_loop3A_97 = vector.bitcast %parallel_loop3A_96 : vector<16xi32> to vector<32xbf16>
        %parallel_loop3A_98 = tpu.unpack_subelements %parallel_loop3A_97, 0 {pack_format = #tpu.pack_format<interleaved>} : vector<32xbf16> -> vector<16xf32>
        %parallel_loop3A_99 = tpu.unpack_subelements %parallel_loop3A_97, 1 {pack_format = #tpu.pack_format<interleaved>} : vector<32xbf16> -> vector<16xf32>
        %parallel_loop3A_100 = arith.addf %parallel_loop3A_84, %parallel_loop3A_98 : vector<16xf32>
        %parallel_loop3A_101 = arith.addf %parallel_loop3A_85, %parallel_loop3A_99 : vector<16xf32>
        %parallel_loop3A_102 = arith.constant 3 : i32
        %parallel_loop3A_103 = arith.index_cast %parallel_loop3A_102 : i32 to index
        %parallel_loop3A_104 = arith.index_cast %parallel_loop3A_78 : i32 to index
        %parallel_loop3A_105 = tpu.vector_load %arg7[%parallel_loop3A_103, %parallel_loop3A_104] {strides = array<i32>} : memref<40x384xi32, #tpu.memory_space<vmem>>, vector<16xi32>,
        %parallel_loop3A_106 = vector.bitcast %parallel_loop3A_105 : vector<16xi32> to vector<32xbf16>
        %parallel_loop3A_107 = tpu.unpack_subelements %parallel_loop3A_106, 0 {pack_format = #tpu.pack_format<interleaved>} : vector<32xbf16> -> vector<16xf32>
        %parallel_loop3A_108 = tpu.unpack_subelements %parallel_loop3A_106, 1 {pack_format = #tpu.pack_format<interleaved>} : vector<32xbf16> -> vector<16xf32>
        %parallel_loop3A_109 = arith.addf %parallel_loop3A_91, %parallel_loop3A_107 : vector<16xf32>
        %parallel_loop3A_110 = arith.addf %parallel_loop3A_92, %parallel_loop3A_108 : vector<16xf32>
        %parallel_loop3A_111 = arith.constant 4 : i32
        %parallel_loop3A_112 = arith.index_cast %parallel_loop3A_111 : i32 to index
        %parallel_loop3A_113 = arith.index_cast %parallel_loop3A_78 : i32 to index
        %parallel_loop3A_114 = tpu.vector_load %arg7[%parallel_loop3A_112, %parallel_loop3A_113] {strides = array<i32>} : memref<40x384xi32, #tpu.memory_space<vmem>>, vector<16xi32>,
        %parallel_loop3A_115 = vector.bitcast %parallel_loop3A_114 : vector<16xi32> to vector<32xbf16>
        %parallel_loop3A_116 = tpu.unpack_subelements %parallel_loop3A_115, 0 {pack_format = #tpu.pack_format<interleaved>} : vector<32xbf16> -> vector<16xf32>
        %parallel_loop3A_117 = tpu.unpack_subelements %parallel_loop3A_115, 1 {pack_format = #tpu.pack_format<interleaved>} : vector<32xbf16> -> vector<16xf32>
        %parallel_loop3A_118 = arith.addf %parallel_loop3A_100, %parallel_loop3A_116 : vector<16xf32>
        %parallel_loop3A_119 = arith.addf %parallel_loop3A_101, %parallel_loop3A_117 : vector<16xf32>
        %parallel_loop3A_120 = arith.constant 5 : i32
        %parallel_loop3A_121 = arith.index_cast %parallel_loop3A_120 : i32 to index
        %parallel_loop3A_122 = arith.index_cast %parallel_loop3A_78 : i32 to index
        %parallel_loop3A_123 = tpu.vector_load %arg7[%parallel_loop3A_121, %parallel_loop3A_122] {strides = array<i32>} : memref<40x384xi32, #tpu.memory_space<vmem>>, vector<16xi32>,
        %parallel_loop3A_124 = vector.bitcast %parallel_loop3A_123 : vector<16xi32> to vector<32xbf16>
        %parallel_loop3A_125 = tpu.unpack_subelements %parallel_loop3A_124, 0 {pack_format = #tpu.pack_format<interleaved>} : vector<32xbf16> -> vector<16xf32>
        %parallel_loop3A_126 = tpu.unpack_subelements %parallel_loop3A_124, 1 {pack_format = #tpu.pack_format<interleaved>} : vector<32xbf16> -> vector<16xf32>
        %parallel_loop3A_127 = arith.addf %parallel_loop3A_109, %parallel_loop3A_125 : vector<16xf32>
        %parallel_loop3A_128 = arith.addf %parallel_loop3A_110, %parallel_loop3A_126 : vector<16xf32>
        %parallel_loop3A_129 = arith.constant 6 : i32
        %parallel_loop3A_130 = arith.index_cast %parallel_loop3A_129 : i32 to index
        %parallel_loop3A_131 = arith.index_cast %parallel_loop3A_78 : i32 to index
        %parallel_loop3A_132 = tpu.vector_load %arg7[%parallel_loop3A_130, %parallel_loop3A_131] {strides = array<i32>} : memref<40x384xi32, #tpu.memory_space<vmem>>, vector<16xi32>,
        %parallel_loop3A_133 = vector.bitcast %parallel_loop3A_132 : vector<16xi32> to vector<32xbf16>
        %parallel_loop3A_134 = tpu.unpack_subelements %parallel_loop3A_133, 0 {pack_format = #tpu.pack_format<interleaved>} : vector<32xbf16> -> vector<16xf32>
        %parallel_loop3A_135 = tpu.unpack_subelements %parallel_loop3A_133, 1 {pack_format = #tpu.pack_format<interleaved>} : vector<32xbf16> -> vector<16xf32>
        %parallel_loop3A_136 = arith.addf %parallel_loop3A_118, %parallel_loop3A_134 : vector<16xf32>
        %parallel_loop3A_137 = arith.addf %parallel_loop3A_119, %parallel_loop3A_135 : vector<16xf32>
        %parallel_loop3A_138 = arith.constant 7 : i32
        %parallel_loop3A_139 = arith.index_cast %parallel_loop3A_138 : i32 to index
        %parallel_loop3A_140 = arith.index_cast %parallel_loop3A_78 : i32 to index
        %parallel_loop3A_141 = tpu.vector_load %arg7[%parallel_loop3A_139, %parallel_loop3A_140] {strides = array<i32>} : memref<40x384xi32, #tpu.memory_space<vmem>>, vector<16xi32>,
        %parallel_loop3A_142 = vector.bitcast %parallel_loop3A_141 : vector<16xi32> to vector<32xbf16>
        %parallel_loop3A_143 = tpu.unpack_subelements %parallel_loop3A_142, 0 {pack_format = #tpu.pack_format<interleaved>} : vector<32xbf16> -> vector<16xf32>
        %parallel_loop3A_144 = tpu.unpack_subelements %parallel_loop3A_142, 1 {pack_format = #tpu.pack_format<interleaved>} : vector<32xbf16> -> vector<16xf32>
        %parallel_loop3A_145 = arith.addf %parallel_loop3A_127, %parallel_loop3A_143 : vector<16xf32>
        %parallel_loop3A_146 = arith.addf %parallel_loop3A_128, %parallel_loop3A_144 : vector<16xf32>
        %parallel_loop3A_147 = arith.constant 8 : i32
        %parallel_loop3A_148 = arith.index_cast %parallel_loop3A_147 : i32 to index
        %parallel_loop3A_149 = arith.index_cast %parallel_loop3A_78 : i32 to index
        %parallel_loop3A_150 = tpu.vector_load %arg7[%parallel_loop3A_148, %parallel_loop3A_149] {strides = array<i32>} : memref<40x384xi32, #tpu.memory_space<vmem>>, vector<16xi32>,
        %parallel_loop3A_151 = vector.bitcast %parallel_loop3A_150 : vector<16xi32> to vector<32xbf16>
        %parallel_loop3A_152 = tpu.unpack_subelements %parallel_loop3A_151, 0 {pack_format = #tpu.pack_format<interleaved>} : vector<32xbf16> -> vector<16xf32>
        %parallel_loop3A_153 = tpu.unpack_subelements %parallel_loop3A_151, 1 {pack_format = #tpu.pack_format<interleaved>} : vector<32xbf16> -> vector<16xf32>
        %parallel_loop3A_154 = arith.addf %parallel_loop3A_136, %parallel_loop3A_152 : vector<16xf32>
        %parallel_loop3A_155 = arith.addf %parallel_loop3A_137, %parallel_loop3A_153 : vector<16xf32>
        %parallel_loop3A_156 = arith.constant 9 : i32
        %parallel_loop3A_157 = arith.index_cast %parallel_loop3A_156 : i32 to index
        %parallel_loop3A_158 = arith.index_cast %parallel_loop3A_78 : i32 to index
        %parallel_loop3A_159 = tpu.vector_load %arg7[%parallel_loop3A_157, %parallel_loop3A_158] {strides = array<i32>} : memref<40x384xi32, #tpu.memory_space<vmem>>, vector<16xi32>,
        %parallel_loop3A_160 = vector.bitcast %parallel_loop3A_159 : vector<16xi32> to vector<32xbf16>
        %parallel_loop3A_161 = tpu.unpack_subelements %parallel_loop3A_160, 0 {pack_format = #tpu.pack_format<interleaved>} : vector<32xbf16> -> vector<16xf32>
        %parallel_loop3A_162 = tpu.unpack_subelements %parallel_loop3A_160, 1 {pack_format = #tpu.pack_format<interleaved>} : vector<32xbf16> -> vector<16xf32>
        %parallel_loop3A_163 = arith.addf %parallel_loop3A_145, %parallel_loop3A_161 : vector<16xf32>
        %parallel_loop3A_164 = arith.addf %parallel_loop3A_146, %parallel_loop3A_162 : vector<16xf32>
        %parallel_loop3A_165 = arith.constant 10 : i32
        %parallel_loop3A_166 = arith.index_cast %parallel_loop3A_165 : i32 to index
        %parallel_loop3A_167 = arith.index_cast %parallel_loop3A_78 : i32 to index
        %parallel_loop3A_168 = tpu.vector_load %arg7[%parallel_loop3A_166, %parallel_loop3A_167] {strides = array<i32>} : memref<40x384xi32, #tpu.memory_space<vmem>>, vector<16xi32>,
        %parallel_loop3A_169 = vector.bitcast %parallel_loop3A_168 : vector<16xi32> to vector<32xbf16>
        %parallel_loop3A_170 = tpu.unpack_subelements %parallel_loop3A_169, 0 {pack_format = #tpu.pack_format<interleaved>} : vector<32xbf16> -> vector<16xf32>
        %parallel_loop3A_171 = tpu.unpack_subelements %parallel_loop3A_169, 1 {pack_format = #tpu.pack_format<interleaved>} : vector<32xbf16> -> vector<16xf32>
        %parallel_loop3A_172 = arith.addf %parallel_loop3A_154, %parallel_loop3A_170 : vector<16xf32>
        %parallel_loop3A_173 = arith.addf %parallel_loop3A_155, %parallel_loop3A_171 : vector<16xf32>
        %parallel_loop3A_174 = arith.constant 11 : i32
        %parallel_loop3A_175 = arith.index_cast %parallel_loop3A_174 : i32 to index
        %parallel_loop3A_176 = arith.index_cast %parallel_loop3A_78 : i32 to index
        %parallel_loop3A_177 = tpu.vector_load %arg7[%parallel_loop3A_175, %parallel_loop3A_176] {strides = array<i32>} : memref<40x384xi32, #tpu.memory_space<vmem>>, vector<16xi32>,
        %parallel_loop3A_178 = vector.bitcast %parallel_loop3A_177 : vector<16xi32> to vector<32xbf16>
        %parallel_loop3A_179 = tpu.unpack_subelements %parallel_loop3A_178, 0 {pack_format = #tpu.pack_format<interleaved>} : vector<32xbf16> -> vector<16xf32>
        %parallel_loop3A_180 = tpu.unpack_subelements %parallel_loop3A_178, 1 {pack_format = #tpu.pack_format<interleaved>} : vector<32xbf16> -> vector<16xf32>
        %parallel_loop3A_181 = arith.addf %parallel_loop3A_163, %parallel_loop3A_179 : vector<16xf32>
        %parallel_loop3A_182 = arith.addf %parallel_loop3A_164, %parallel_loop3A_180 : vector<16xf32>
        %parallel_loop3A_183 = arith.constant 12 : i32
        %parallel_loop3A_184 = arith.index_cast %parallel_loop3A_183 : i32 to index
        %parallel_loop3A_185 = arith.index_cast %parallel_loop3A_78 : i32 to index
        %parallel_loop3A_186 = tpu.vector_load %arg7[%parallel_loop3A_184, %parallel_loop3A_185] {strides = array<i32>} : memref<40x384xi32, #tpu.memory_space<vmem>>, vector<16xi32>,
        %parallel_loop3A_187 = vector.bitcast %parallel_loop3A_186 : vector<16xi32> to vector<32xbf16>
        %parallel_loop3A_188 = tpu.unpack_subelements %parallel_loop3A_187, 0 {pack_format = #tpu.pack_format<interleaved>} : vector<32xbf16> -> vector<16xf32>
        %parallel_loop3A_189 = tpu.unpack_subelements %parallel_loop3A_187, 1 {pack_format = #tpu.pack_format<interleaved>} : vector<32xbf16> -> vector<16xf32>
        %parallel_loop3A_190 = arith.addf %parallel_loop3A_172, %parallel_loop3A_188 : vector<16xf32>
        %parallel_loop3A_191 = arith.addf %parallel_loop3A_173, %parallel_loop3A_189 : vector<16xf32>
        %parallel_loop3A_192 = arith.constant 13 : i32
        %parallel_loop3A_193 = arith.index_cast %parallel_loop3A_192 : i32 to index
        %parallel_loop3A_194 = arith.index_cast %parallel_loop3A_78 : i32 to index
        %parallel_loop3A_195 = tpu.vector_load %arg7[%parallel_loop3A_193, %parallel_loop3A_194] {strides = array<i32>} : memref<40x384xi32, #tpu.memory_space<vmem>>, vector<16xi32>,
        %parallel_loop3A_196 = vector.bitcast %parallel_loop3A_195 : vector<16xi32> to vector<32xbf16>
        %parallel_loop3A_197 = tpu.unpack_subelements %parallel_loop3A_196, 0 {pack_format = #tpu.pack_format<interleaved>} : vector<32xbf16> -> vector<16xf32>
        %parallel_loop3A_198 = tpu.unpack_subelements %parallel_loop3A_196, 1 {pack_format = #tpu.pack_format<interleaved>} : vector<32xbf16> -> vector<16xf32>
        %parallel_loop3A_199 = arith.addf %parallel_loop3A_181, %parallel_loop3A_197 : vector<16xf32>
        %parallel_loop3A_200 = arith.addf %parallel_loop3A_182, %parallel_loop3A_198 : vector<16xf32>
        %parallel_loop3A_201 = arith.constant 14 : i32
        %parallel_loop3A_202 = arith.index_cast %parallel_loop3A_201 : i32 to index
        %parallel_loop3A_203 = arith.index_cast %parallel_loop3A_78 : i32 to index
        %parallel_loop3A_204 = tpu.vector_load %arg7[%parallel_loop3A_202, %parallel_loop3A_203] {strides = array<i32>} : memref<40x384xi32, #tpu.memory_space<vmem>>, vector<16xi32>,
        %parallel_loop3A_205 = vector.bitcast %parallel_loop3A_204 : vector<16xi32> to vector<32xbf16>
        %parallel_loop3A_206 = tpu.unpack_subelements %parallel_loop3A_205, 0 {pack_format = #tpu.pack_format<interleaved>} : vector<32xbf16> -> vector<16xf32>
        %parallel_loop3A_207 = tpu.unpack_subelements %parallel_loop3A_205, 1 {pack_format = #tpu.pack_format<interleaved>} : vector<32xbf16> -> vector<16xf32>
        %parallel_loop3A_208 = arith.addf %parallel_loop3A_190, %parallel_loop3A_206 : vector<16xf32>
        %parallel_loop3A_209 = arith.addf %parallel_loop3A_191, %parallel_loop3A_207 : vector<16xf32>
        %parallel_loop3A_210 = arith.constant 15 : i32
        %parallel_loop3A_211 = arith.index_cast %parallel_loop3A_210 : i32 to index
        %parallel_loop3A_212 = arith.index_cast %parallel_loop3A_78 : i32 to index
        %parallel_loop3A_213 = tpu.vector_load %arg7[%parallel_loop3A_211, %parallel_loop3A_212] {strides = array<i32>} : memref<40x384xi32, #tpu.memory_space<vmem>>, vector<16xi32>,
        %parallel_loop3A_214 = vector.bitcast %parallel_loop3A_213 : vector<16xi32> to vector<32xbf16>
        %parallel_loop3A_215 = tpu.unpack_subelements %parallel_loop3A_214, 0 {pack_format = #tpu.pack_format<interleaved>} : vector<32xbf16> -> vector<16xf32>
        %parallel_loop3A_216 = tpu.unpack_subelements %parallel_loop3A_214, 1 {pack_format = #tpu.pack_format<interleaved>} : vector<32xbf16> -> vector<16xf32>
        %parallel_loop3A_217 = arith.addf %parallel_loop3A_199, %parallel_loop3A_215 : vector<16xf32>
        %parallel_loop3A_218 = arith.addf %parallel_loop3A_200, %parallel_loop3A_216 : vector<16xf32>
        %parallel_loop3A_219 = arith.constant 16 : i32
        %parallel_loop3A_220 = arith.index_cast %parallel_loop3A_219 : i32 to index
        %parallel_loop3A_221 = arith.index_cast %parallel_loop3A_78 : i32 to index
        %parallel_loop3A_222 = tpu.vector_load %arg7[%parallel_loop3A_220, %parallel_loop3A_221] {strides = array<i32>} : memref<40x384xi32, #tpu.memory_space<vmem>>, vector<16xi32>,
        %parallel_loop3A_223 = vector.bitcast %parallel_loop3A_222 : vector<16xi32> to vector<32xbf16>
        %parallel_loop3A_224 = tpu.unpack_subelements %parallel_loop3A_223, 0 {pack_format = #tpu.pack_format<interleaved>} : vector<32xbf16> -> vector<16xf32>
        %parallel_loop3A_225 = tpu.unpack_subelements %parallel_loop3A_223, 1 {pack_format = #tpu.pack_format<interleaved>} : vector<32xbf16> -> vector<16xf32>
        %parallel_loop3A_226 = arith.addf %parallel_loop3A_208, %parallel_loop3A_224 : vector<16xf32>
        %parallel_loop3A_227 = arith.addf %parallel_loop3A_209, %parallel_loop3A_225 : vector<16xf32>
        %parallel_loop3A_228 = arith.constant 17 : i32
        %parallel_loop3A_229 = arith.index_cast %parallel_loop3A_228 : i32 to index
        %parallel_loop3A_230 = arith.index_cast %parallel_loop3A_78 : i32 to index
        %parallel_loop3A_231 = tpu.vector_load %arg7[%parallel_loop3A_229, %parallel_loop3A_230] {strides = array<i32>} : memref<40x384xi32, #tpu.memory_space<vmem>>, vector<16xi32>,
        %parallel_loop3A_232 = vector.bitcast %parallel_loop3A_231 : vector<16xi32> to vector<32xbf16>
        %parallel_loop3A_233 = tpu.unpack_subelements %parallel_loop3A_232, 0 {pack_format = #tpu.pack_format<interleaved>} : vector<32xbf16> -> vector<16xf32>
        %parallel_loop3A_234 = tpu.unpack_subelements %parallel_loop3A_232, 1 {pack_format = #tpu.pack_format<interleaved>} : vector<32xbf16> -> vector<16xf32>
        %parallel_loop3A_235 = arith.addf %parallel_loop3A_217, %parallel_loop3A_233 : vector<16xf32>
        %parallel_loop3A_236 = arith.addf %parallel_loop3A_218, %parallel_loop3A_234 : vector<16xf32>
        %parallel_loop3A_237 = arith.constant 18 : i32
        %parallel_loop3A_238 = arith.index_cast %parallel_loop3A_237 : i32 to index
        %parallel_loop3A_239 = arith.index_cast %parallel_loop3A_78 : i32 to index
        %parallel_loop3A_240 = tpu.vector_load %arg7[%parallel_loop3A_238, %parallel_loop3A_239] {strides = array<i32>} : memref<40x384xi32, #tpu.memory_space<vmem>>, vector<16xi32>,
        %parallel_loop3A_241 = vector.bitcast %parallel_loop3A_240 : vector<16xi32> to vector<32xbf16>
        %parallel_loop3A_242 = tpu.unpack_subelements %parallel_loop3A_241, 0 {pack_format = #tpu.pack_format<interleaved>} : vector<32xbf16> -> vector<16xf32>
        %parallel_loop3A_243 = tpu.unpack_subelements %parallel_loop3A_241, 1 {pack_format = #tpu.pack_format<interleaved>} : vector<32xbf16> -> vector<16xf32>
        %parallel_loop3A_244 = arith.addf %parallel_loop3A_226, %parallel_loop3A_242 : vector<16xf32>
        %parallel_loop3A_245 = arith.addf %parallel_loop3A_227, %parallel_loop3A_243 : vector<16xf32>
        %parallel_loop3A_246 = arith.constant 19 : i32
        %parallel_loop3A_247 = arith.index_cast %parallel_loop3A_246 : i32 to index
        %parallel_loop3A_248 = arith.index_cast %parallel_loop3A_78 : i32 to index
        %parallel_loop3A_249 = tpu.vector_load %arg7[%parallel_loop3A_247, %parallel_loop3A_248] {strides = array<i32>} : memref<40x384xi32, #tpu.memory_space<vmem>>, vector<16xi32>,
        %parallel_loop3A_250 = vector.bitcast %parallel_loop3A_249 : vector<16xi32> to vector<32xbf16>
        %parallel_loop3A_251 = tpu.unpack_subelements %parallel_loop3A_250, 0 {pack_format = #tpu.pack_format<interleaved>} : vector<32xbf16> -> vector<16xf32>
        %parallel_loop3A_252 = tpu.unpack_subelements %parallel_loop3A_250, 1 {pack_format = #tpu.pack_format<interleaved>} : vector<32xbf16> -> vector<16xf32>
        %parallel_loop3A_253 = arith.addf %parallel_loop3A_235, %parallel_loop3A_251 : vector<16xf32>
        %parallel_loop3A_254 = arith.addf %parallel_loop3A_236, %parallel_loop3A_252 : vector<16xf32>
        %parallel_loop3A_255 = arith.constant 20 : i32
        %parallel_loop3A_256 = arith.index_cast %parallel_loop3A_255 : i32 to index
        %parallel_loop3A_257 = arith.index_cast %parallel_loop3A_78 : i32 to index
        %parallel_loop3A_258 = tpu.vector_load %arg7[%parallel_loop3A_256, %parallel_loop3A_257] {strides = array<i32>} : memref<40x384xi32, #tpu.memory_space<vmem>>, vector<16xi32>,
        %parallel_loop3A_259 = vector.bitcast %parallel_loop3A_258 : vector<16xi32> to vector<32xbf16>
        %parallel_loop3A_260 = tpu.unpack_subelements %parallel_loop3A_259, 0 {pack_format = #tpu.pack_format<interleaved>} : vector<32xbf16> -> vector<16xf32>
        %parallel_loop3A_261 = tpu.unpack_subelements %parallel_loop3A_259, 1 {pack_format = #tpu.pack_format<interleaved>} : vector<32xbf16> -> vector<16xf32>
        %parallel_loop3A_262 = arith.addf %parallel_loop3A_244, %parallel_loop3A_260 : vector<16xf32>
        %parallel_loop3A_263 = arith.addf %parallel_loop3A_245, %parallel_loop3A_261 : vector<16xf32>
        %parallel_loop3A_264 = arith.constant 21 : i32
        %parallel_loop3A_265 = arith.index_cast %parallel_loop3A_264 : i32 to index
        %parallel_loop3A_266 = arith.index_cast %parallel_loop3A_78 : i32 to index
        %parallel_loop3A_267 = tpu.vector_load %arg7[%parallel_loop3A_265, %parallel_loop3A_266] {strides = array<i32>} : memref<40x384xi32, #tpu.memory_space<vmem>>, vector<16xi32>,
        %parallel_loop3A_268 = vector.bitcast %parallel_loop3A_267 : vector<16xi32> to vector<32xbf16>
        %parallel_loop3A_269 = tpu.unpack_subelements %parallel_loop3A_268, 0 {pack_format = #tpu.pack_format<interleaved>} : vector<32xbf16> -> vector<16xf32>
        %parallel_loop3A_270 = tpu.unpack_subelements %parallel_loop3A_268, 1 {pack_format = #tpu.pack_format<interleaved>} : vector<32xbf16> -> vector<16xf32>
        %parallel_loop3A_271 = arith.addf %parallel_loop3A_253, %parallel_loop3A_269 : vector<16xf32>
        %parallel_loop3A_272 = arith.addf %parallel_loop3A_254, %parallel_loop3A_270 : vector<16xf32>
        %parallel_loop3A_273 = arith.constant 22 : i32
        %parallel_loop3A_274 = arith.index_cast %parallel_loop3A_273 : i32 to index
        %parallel_loop3A_275 = arith.index_cast %parallel_loop3A_78 : i32 to index
        %parallel_loop3A_276 = tpu.vector_load %arg7[%parallel_loop3A_274, %parallel_loop3A_275] {strides = array<i32>} : memref<40x384xi32, #tpu.memory_space<vmem>>, vector<16xi32>,
        %parallel_loop3A_277 = vector.bitcast %parallel_loop3A_276 : vector<16xi32> to vector<32xbf16>
        %parallel_loop3A_278 = tpu.unpack_subelements %parallel_loop3A_277, 0 {pack_format = #tpu.pack_format<interleaved>} : vector<32xbf16> -> vector<16xf32>
        %parallel_loop3A_279 = tpu.unpack_subelements %parallel_loop3A_277, 1 {pack_format = #tpu.pack_format<interleaved>} : vector<32xbf16> -> vector<16xf32>
        %parallel_loop3A_280 = arith.addf %parallel_loop3A_262, %parallel_loop3A_278 : vector<16xf32>
        %parallel_loop3A_281 = arith.addf %parallel_loop3A_263, %parallel_loop3A_279 : vector<16xf32>
        %parallel_loop3A_282 = arith.constant 23 : i32
        %parallel_loop3A_283 = arith.index_cast %parallel_loop3A_282 : i32 to index
        %parallel_loop3A_284 = arith.index_cast %parallel_loop3A_78 : i32 to index
        %parallel_loop3A_285 = tpu.vector_load %arg7[%parallel_loop3A_283, %parallel_loop3A_284] {strides = array<i32>} : memref<40x384xi32, #tpu.memory_space<vmem>>, vector<16xi32>,
        %parallel_loop3A_286 = vector.bitcast %parallel_loop3A_285 : vector<16xi32> to vector<32xbf16>
        %parallel_loop3A_287 = tpu.unpack_subelements %parallel_loop3A_286, 0 {pack_format = #tpu.pack_format<interleaved>} : vector<32xbf16> -> vector<16xf32>
        %parallel_loop3A_288 = tpu.unpack_subelements %parallel_loop3A_286, 1 {pack_format = #tpu.pack_format<interleaved>} : vector<32xbf16> -> vector<16xf32>
        %parallel_loop3A_289 = arith.addf %parallel_loop3A_271, %parallel_loop3A_287 : vector<16xf32>
        %parallel_loop3A_290 = arith.addf %parallel_loop3A_272, %parallel_loop3A_288 : vector<16xf32>
        %parallel_loop3A_291 = arith.constant 24 : i32
        %parallel_loop3A_292 = arith.index_cast %parallel_loop3A_291 : i32 to index
        %parallel_loop3A_293 = arith.index_cast %parallel_loop3A_78 : i32 to index
        %parallel_loop3A_294 = tpu.vector_load %arg7[%parallel_loop3A_292, %parallel_loop3A_293] {strides = array<i32>} : memref<40x384xi32, #tpu.memory_space<vmem>>, vector<16xi32>,
        %parallel_loop3A_295 = vector.bitcast %parallel_loop3A_294 : vector<16xi32> to vector<32xbf16>
        %parallel_loop3A_296 = tpu.unpack_subelements %parallel_loop3A_295, 0 {pack_format = #tpu.pack_format<interleaved>} : vector<32xbf16> -> vector<16xf32>
        %parallel_loop3A_297 = tpu.unpack_subelements %parallel_loop3A_295, 1 {pack_format = #tpu.pack_format<interleaved>} : vector<32xbf16> -> vector<16xf32>
        %parallel_loop3A_298 = arith.addf %parallel_loop3A_280, %parallel_loop3A_296 : vector<16xf32>
        %parallel_loop3A_299 = arith.addf %parallel_loop3A_281, %parallel_loop3A_297 : vector<16xf32>
        %parallel_loop3A_300 = arith.constant 25 : i32
        %parallel_loop3A_301 = arith.index_cast %parallel_loop3A_300 : i32 to index
        %parallel_loop3A_302 = arith.index_cast %parallel_loop3A_78 : i32 to index
        %parallel_loop3A_303 = tpu.vector_load %arg7[%parallel_loop3A_301, %parallel_loop3A_302] {strides = array<i32>} : memref<40x384xi32, #tpu.memory_space<vmem>>, vector<16xi32>,
        %parallel_loop3A_304 = vector.bitcast %parallel_loop3A_303 : vector<16xi32> to vector<32xbf16>
        %parallel_loop3A_305 = tpu.unpack_subelements %parallel_loop3A_304, 0 {pack_format = #tpu.pack_format<interleaved>} : vector<32xbf16> -> vector<16xf32>
        %parallel_loop3A_306 = tpu.unpack_subelements %parallel_loop3A_304, 1 {pack_format = #tpu.pack_format<interleaved>} : vector<32xbf16> -> vector<16xf32>
        %parallel_loop3A_307 = arith.addf %parallel_loop3A_289, %parallel_loop3A_305 : vector<16xf32>
        %parallel_loop3A_308 = arith.addf %parallel_loop3A_290, %parallel_loop3A_306 : vector<16xf32>
        %parallel_loop3A_309 = arith.constant 26 : i32
        %parallel_loop3A_310 = arith.index_cast %parallel_loop3A_309 : i32 to index
        %parallel_loop3A_311 = arith.index_cast %parallel_loop3A_78 : i32 to index
        %parallel_loop3A_312 = tpu.vector_load %arg7[%parallel_loop3A_310, %parallel_loop3A_311] {strides = array<i32>} : memref<40x384xi32, #tpu.memory_space<vmem>>, vector<16xi32>,
        %parallel_loop3A_313 = vector.bitcast %parallel_loop3A_312 : vector<16xi32> to vector<32xbf16>
        %parallel_loop3A_314 = tpu.unpack_subelements %parallel_loop3A_313, 0 {pack_format = #tpu.pack_format<interleaved>} : vector<32xbf16> -> vector<16xf32>
        %parallel_loop3A_315 = tpu.unpack_subelements %parallel_loop3A_313, 1 {pack_format = #tpu.pack_format<interleaved>} : vector<32xbf16> -> vector<16xf32>
        %parallel_loop3A_316 = arith.addf %parallel_loop3A_298, %parallel_loop3A_314 : vector<16xf32>
        %parallel_loop3A_317 = arith.addf %parallel_loop3A_299, %parallel_loop3A_315 : vector<16xf32>
        %parallel_loop3A_318 = arith.constant 27 : i32
        %parallel_loop3A_319 = arith.index_cast %parallel_loop3A_318 : i32 to index
        %parallel_loop3A_320 = arith.index_cast %parallel_loop3A_78 : i32 to index
        %parallel_loop3A_321 = tpu.vector_load %arg7[%parallel_loop3A_319, %parallel_loop3A_320] {strides = array<i32>} : memref<40x384xi32, #tpu.memory_space<vmem>>, vector<16xi32>,
        %parallel_loop3A_322 = vector.bitcast %parallel_loop3A_321 : vector<16xi32> to vector<32xbf16>
        %parallel_loop3A_323 = tpu.unpack_subelements %parallel_loop3A_322, 0 {pack_format = #tpu.pack_format<interleaved>} : vector<32xbf16> -> vector<16xf32>
        %parallel_loop3A_324 = tpu.unpack_subelements %parallel_loop3A_322, 1 {pack_format = #tpu.pack_format<interleaved>} : vector<32xbf16> -> vector<16xf32>
        %parallel_loop3A_325 = arith.addf %parallel_loop3A_307, %parallel_loop3A_323 : vector<16xf32>
        %parallel_loop3A_326 = arith.addf %parallel_loop3A_308, %parallel_loop3A_324 : vector<16xf32>
        %parallel_loop3A_327 = arith.constant 28 : i32
        %parallel_loop3A_328 = arith.index_cast %parallel_loop3A_327 : i32 to index
        %parallel_loop3A_329 = arith.index_cast %parallel_loop3A_78 : i32 to index
        %parallel_loop3A_330 = tpu.vector_load %arg7[%parallel_loop3A_328, %parallel_loop3A_329] {strides = array<i32>} : memref<40x384xi32, #tpu.memory_space<vmem>>, vector<16xi32>,
        %parallel_loop3A_331 = vector.bitcast %parallel_loop3A_330 : vector<16xi32> to vector<32xbf16>
        %parallel_loop3A_332 = tpu.unpack_subelements %parallel_loop3A_331, 0 {pack_format = #tpu.pack_format<interleaved>} : vector<32xbf16> -> vector<16xf32>
        %parallel_loop3A_333 = tpu.unpack_subelements %parallel_loop3A_331, 1 {pack_format = #tpu.pack_format<interleaved>} : vector<32xbf16> -> vector<16xf32>
        %parallel_loop3A_334 = arith.addf %parallel_loop3A_316, %parallel_loop3A_332 : vector<16xf32>
        %parallel_loop3A_335 = arith.addf %parallel_loop3A_317, %parallel_loop3A_333 : vector<16xf32>
        %parallel_loop3A_336 = arith.constant 29 : i32
        %parallel_loop3A_337 = arith.index_cast %parallel_loop3A_336 : i32 to index
        %parallel_loop3A_338 = arith.index_cast %parallel_loop3A_78 : i32 to index
        %parallel_loop3A_339 = tpu.vector_load %arg7[%parallel_loop3A_337, %parallel_loop3A_338] {strides = array<i32>} : memref<40x384xi32, #tpu.memory_space<vmem>>, vector<16xi32>,
        %parallel_loop3A_340 = vector.bitcast %parallel_loop3A_339 : vector<16xi32> to vector<32xbf16>
        %parallel_loop3A_341 = tpu.unpack_subelements %parallel_loop3A_340, 0 {pack_format = #tpu.pack_format<interleaved>} : vector<32xbf16> -> vector<16xf32>
        %parallel_loop3A_342 = tpu.unpack_subelements %parallel_loop3A_340, 1 {pack_format = #tpu.pack_format<interleaved>} : vector<32xbf16> -> vector<16xf32>
        %parallel_loop3A_343 = arith.addf %parallel_loop3A_325, %parallel_loop3A_341 : vector<16xf32>
        %parallel_loop3A_344 = arith.addf %parallel_loop3A_326, %parallel_loop3A_342 : vector<16xf32>
        %parallel_loop3A_345 = arith.constant 30 : i32
        %parallel_loop3A_346 = arith.index_cast %parallel_loop3A_345 : i32 to index
        %parallel_loop3A_347 = arith.index_cast %parallel_loop3A_78 : i32 to index
        %parallel_loop3A_348 = tpu.vector_load %arg7[%parallel_loop3A_346, %parallel_loop3A_347] {strides = array<i32>} : memref<40x384xi32, #tpu.memory_space<vmem>>, vector<16xi32>,
        %parallel_loop3A_349 = vector.bitcast %parallel_loop3A_348 : vector<16xi32> to vector<32xbf16>
        %parallel_loop3A_350 = tpu.unpack_subelements %parallel_loop3A_349, 0 {pack_format = #tpu.pack_format<interleaved>} : vector<32xbf16> -> vector<16xf32>
        %parallel_loop3A_351 = tpu.unpack_subelements %parallel_loop3A_349, 1 {pack_format = #tpu.pack_format<interleaved>} : vector<32xbf16> -> vector<16xf32>
        %parallel_loop3A_352 = arith.addf %parallel_loop3A_334, %parallel_loop3A_350 : vector<16xf32>
        %parallel_loop3A_353 = arith.addf %parallel_loop3A_335, %parallel_loop3A_351 : vector<16xf32>
        %parallel_loop3A_354 = arith.constant 31 : i32
        %parallel_loop3A_355 = arith.index_cast %parallel_loop3A_354 : i32 to index
        %parallel_loop3A_356 = arith.index_cast %parallel_loop3A_78 : i32 to index
        %parallel_loop3A_357 = tpu.vector_load %arg7[%parallel_loop3A_355, %parallel_loop3A_356] {strides = array<i32>} : memref<40x384xi32, #tpu.memory_space<vmem>>, vector<16xi32>,
        %parallel_loop3A_358 = vector.bitcast %parallel_loop3A_357 : vector<16xi32> to vector<32xbf16>
        %parallel_loop3A_359 = tpu.unpack_subelements %parallel_loop3A_358, 0 {pack_format = #tpu.pack_format<interleaved>} : vector<32xbf16> -> vector<16xf32>
        %parallel_loop3A_360 = tpu.unpack_subelements %parallel_loop3A_358, 1 {pack_format = #tpu.pack_format<interleaved>} : vector<32xbf16> -> vector<16xf32>
        %parallel_loop3A_361 = arith.addf %parallel_loop3A_343, %parallel_loop3A_359 : vector<16xf32>
        %parallel_loop3A_362 = arith.addf %parallel_loop3A_344, %parallel_loop3A_360 : vector<16xf32>
        %parallel_loop3A_363 = arith.constant 32 : i32
        %parallel_loop3A_364 = arith.index_cast %parallel_loop3A_363 : i32 to index
        %parallel_loop3A_365 = arith.index_cast %parallel_loop3A_78 : i32 to index
        %parallel_loop3A_366 = tpu.vector_load %arg7[%parallel_loop3A_364, %parallel_loop3A_365] {strides = array<i32>} : memref<40x384xi32, #tpu.memory_space<vmem>>, vector<16xi32>,
        %parallel_loop3A_367 = vector.bitcast %parallel_loop3A_366 : vector<16xi32> to vector<32xbf16>
        %parallel_loop3A_368 = tpu.unpack_subelements %parallel_loop3A_367, 0 {pack_format = #tpu.pack_format<interleaved>} : vector<32xbf16> -> vector<16xf32>
        %parallel_loop3A_369 = tpu.unpack_subelements %parallel_loop3A_367, 1 {pack_format = #tpu.pack_format<interleaved>} : vector<32xbf16> -> vector<16xf32>
        %parallel_loop3A_370 = arith.addf %parallel_loop3A_352, %parallel_loop3A_368 : vector<16xf32>
        %parallel_loop3A_371 = arith.addf %parallel_loop3A_353, %parallel_loop3A_369 : vector<16xf32>
        %parallel_loop3A_372 = arith.constant 33 : i32
        %parallel_loop3A_373 = arith.index_cast %parallel_loop3A_372 : i32 to index
        %parallel_loop3A_374 = arith.index_cast %parallel_loop3A_78 : i32 to index
        %parallel_loop3A_375 = tpu.vector_load %arg7[%parallel_loop3A_373, %parallel_loop3A_374] {strides = array<i32>} : memref<40x384xi32, #tpu.memory_space<vmem>>, vector<16xi32>,
        %parallel_loop3A_376 = vector.bitcast %parallel_loop3A_375 : vector<16xi32> to vector<32xbf16>
        %parallel_loop3A_377 = tpu.unpack_subelements %parallel_loop3A_376, 0 {pack_format = #tpu.pack_format<interleaved>} : vector<32xbf16> -> vector<16xf32>
        %parallel_loop3A_378 = tpu.unpack_subelements %parallel_loop3A_376, 1 {pack_format = #tpu.pack_format<interleaved>} : vector<32xbf16> -> vector<16xf32>
        %parallel_loop3A_379 = arith.addf %parallel_loop3A_361, %parallel_loop3A_377 : vector<16xf32>
        %parallel_loop3A_380 = arith.addf %parallel_loop3A_362, %parallel_loop3A_378 : vector<16xf32>
        %parallel_loop3A_381 = arith.constant 34 : i32
        %parallel_loop3A_382 = arith.index_cast %parallel_loop3A_381 : i32 to index
        %parallel_loop3A_383 = arith.index_cast %parallel_loop3A_78 : i32 to index
        %parallel_loop3A_384 = tpu.vector_load %arg7[%parallel_loop3A_382, %parallel_loop3A_383] {strides = array<i32>} : memref<40x384xi32, #tpu.memory_space<vmem>>, vector<16xi32>,
        %parallel_loop3A_385 = vector.bitcast %parallel_loop3A_384 : vector<16xi32> to vector<32xbf16>
        %parallel_loop3A_386 = tpu.unpack_subelements %parallel_loop3A_385, 0 {pack_format = #tpu.pack_format<interleaved>} : vector<32xbf16> -> vector<16xf32>
        %parallel_loop3A_387 = tpu.unpack_subelements %parallel_loop3A_385, 1 {pack_format = #tpu.pack_format<interleaved>} : vector<32xbf16> -> vector<16xf32>
        %parallel_loop3A_388 = arith.addf %parallel_loop3A_370, %parallel_loop3A_386 : vector<16xf32>
        %parallel_loop3A_389 = arith.addf %parallel_loop3A_371, %parallel_loop3A_387 : vector<16xf32>
        %parallel_loop3A_390 = arith.constant 35 : i32
        %parallel_loop3A_391 = arith.index_cast %parallel_loop3A_390 : i32 to index
        %parallel_loop3A_392 = arith.index_cast %parallel_loop3A_78 : i32 to index
        %parallel_loop3A_393 = tpu.vector_load %arg7[%parallel_loop3A_391, %parallel_loop3A_392] {strides = array<i32>} : memref<40x384xi32, #tpu.memory_space<vmem>>, vector<16xi32>,
        %parallel_loop3A_394 = vector.bitcast %parallel_loop3A_393 : vector<16xi32> to vector<32xbf16>
        %parallel_loop3A_395 = tpu.unpack_subelements %parallel_loop3A_394, 0 {pack_format = #tpu.pack_format<interleaved>} : vector<32xbf16> -> vector<16xf32>
        %parallel_loop3A_396 = tpu.unpack_subelements %parallel_loop3A_394, 1 {pack_format = #tpu.pack_format<interleaved>} : vector<32xbf16> -> vector<16xf32>
        %parallel_loop3A_397 = arith.addf %parallel_loop3A_379, %parallel_loop3A_395 : vector<16xf32>
        %parallel_loop3A_398 = arith.addf %parallel_loop3A_380, %parallel_loop3A_396 : vector<16xf32>
        %parallel_loop3A_399 = arith.constant 36 : i32
        %parallel_loop3A_400 = arith.index_cast %parallel_loop3A_399 : i32 to index
        %parallel_loop3A_401 = arith.index_cast %parallel_loop3A_78 : i32 to index
        %parallel_loop3A_402 = tpu.vector_load %arg7[%parallel_loop3A_400, %parallel_loop3A_401] {strides = array<i32>} : memref<40x384xi32, #tpu.memory_space<vmem>>, vector<16xi32>,
        %parallel_loop3A_403 = vector.bitcast %parallel_loop3A_402 : vector<16xi32> to vector<32xbf16>
        %parallel_loop3A_404 = tpu.unpack_subelements %parallel_loop3A_403, 0 {pack_format = #tpu.pack_format<interleaved>} : vector<32xbf16> -> vector<16xf32>
        %parallel_loop3A_405 = tpu.unpack_subelements %parallel_loop3A_403, 1 {pack_format = #tpu.pack_format<interleaved>} : vector<32xbf16> -> vector<16xf32>
        %parallel_loop3A_406 = arith.addf %parallel_loop3A_388, %parallel_loop3A_404 : vector<16xf32>
        %parallel_loop3A_407 = arith.addf %parallel_loop3A_389, %parallel_loop3A_405 : vector<16xf32>
        %parallel_loop3A_408 = arith.constant 37 : i32
        %parallel_loop3A_409 = arith.index_cast %parallel_loop3A_408 : i32 to index
        %parallel_loop3A_410 = arith.index_cast %parallel_loop3A_78 : i32 to index
        %parallel_loop3A_411 = tpu.vector_load %arg7[%parallel_loop3A_409, %parallel_loop3A_410] {strides = array<i32>} : memref<40x384xi32, #tpu.memory_space<vmem>>, vector<16xi32>,
        %parallel_loop3A_412 = vector.bitcast %parallel_loop3A_411 : vector<16xi32> to vector<32xbf16>
        %parallel_loop3A_413 = tpu.unpack_subelements %parallel_loop3A_412, 0 {pack_format = #tpu.pack_format<interleaved>} : vector<32xbf16> -> vector<16xf32>
        %parallel_loop3A_414 = tpu.unpack_subelements %parallel_loop3A_412, 1 {pack_format = #tpu.pack_format<interleaved>} : vector<32xbf16> -> vector<16xf32>
        %parallel_loop3A_415 = arith.addf %parallel_loop3A_397, %parallel_loop3A_413 : vector<16xf32>
        %parallel_loop3A_416 = arith.addf %parallel_loop3A_398, %parallel_loop3A_414 : vector<16xf32>
        %parallel_loop3A_417 = arith.constant 38 : i32
        %parallel_loop3A_418 = arith.index_cast %parallel_loop3A_417 : i32 to index
        %parallel_loop3A_419 = arith.index_cast %parallel_loop3A_78 : i32 to index
        %parallel_loop3A_420 = tpu.vector_load %arg7[%parallel_loop3A_418, %parallel_loop3A_419] {strides = array<i32>} : memref<40x384xi32, #tpu.memory_space<vmem>>, vector<16xi32>,
        %parallel_loop3A_421 = vector.bitcast %parallel_loop3A_420 : vector<16xi32> to vector<32xbf16>
        %parallel_loop3A_422 = tpu.unpack_subelements %parallel_loop3A_421, 0 {pack_format = #tpu.pack_format<interleaved>} : vector<32xbf16> -> vector<16xf32>
        %parallel_loop3A_423 = tpu.unpack_subelements %parallel_loop3A_421, 1 {pack_format = #tpu.pack_format<interleaved>} : vector<32xbf16> -> vector<16xf32>
        %parallel_loop3A_424 = arith.addf %parallel_loop3A_406, %parallel_loop3A_422 : vector<16xf32>
        %parallel_loop3A_425 = arith.addf %parallel_loop3A_407, %parallel_loop3A_423 : vector<16xf32>
        %parallel_loop3A_426 = arith.constant 39 : i32
        %parallel_loop3A_427 = arith.index_cast %parallel_loop3A_426 : i32 to index
        %parallel_loop3A_428 = arith.index_cast %parallel_loop3A_78 : i32 to index
        %parallel_loop3A_429 = tpu.vector_load %arg7[%parallel_loop3A_427, %parallel_loop3A_428] {strides = array<i32>} : memref<40x384xi32, #tpu.memory_space<vmem>>, vector<16xi32>,
        %parallel_loop3A_430 = vector.bitcast %parallel_loop3A_429 : vector<16xi32> to vector<32xbf16>
        %parallel_loop3A_431 = tpu.unpack_subelements %parallel_loop3A_430, 0 {pack_format = #tpu.pack_format<interleaved>} : vector<32xbf16> -> vector<16xf32>
        %parallel_loop3A_432 = tpu.unpack_subelements %parallel_loop3A_430, 1 {pack_format = #tpu.pack_format<interleaved>} : vector<32xbf16> -> vector<16xf32>
        %parallel_loop3A_433 = arith.addf %parallel_loop3A_415, %parallel_loop3A_431 : vector<16xf32>
        %parallel_loop3A_434 = arith.addf %parallel_loop3A_416, %parallel_loop3A_432 : vector<16xf32>
        %parallel_loop3A_435 = arith.index_cast %parallel_loop3A_78 : i32 to index
        %parallel_loop3A_436 = tpu.vector_load %arg8[%parallel_loop3A_435] {strides = array<i32>} : memref<384xf32, #tpu.memory_space<vmem>>, vector<16xf32>,
        %parallel_loop3A_437 = arith.addf %parallel_loop3A_424, %parallel_loop3A_433 : vector<16xf32>
        %parallel_loop3A_438 = arith.addf %parallel_loop3A_436, %parallel_loop3A_437 : vector<16xf32>
        %parallel_loop3A_439 = arith.index_cast %parallel_loop3A_78 : i32 to index
        %parallel_loop3A_440 = tpu.vector_load %arg8[%parallel_loop3A_439] {strides = array<i32>} : memref<384xf32, #tpu.memory_space<vmem>>, vector<16xf32>,
        tpu.vector_store %arg8[%parallel_loop3A_439], %parallel_loop3A_438 {strides = array<i32>} : memref<384xf32, #tpu.memory_space<vmem>>, vector<16xf32>,
        %parallel_loop3A_441 = arith.index_cast %parallel_loop3A_78 : i32 to index
        %parallel_loop3A_442 = tpu.vector_load %arg9[%parallel_loop3A_441] {strides = array<i32>} : memref<384xf32, #tpu.memory_space<vmem>>, vector<16xf32>,
        %parallel_loop3A_443 = arith.addf %parallel_loop3A_425, %parallel_loop3A_434 : vector<16xf32>
        %parallel_loop3A_444 = arith.addf %parallel_loop3A_442, %parallel_loop3A_443 : vector<16xf32>
        %parallel_loop3A_445 = arith.index_cast %parallel_loop3A_78 : i32 to index
        %parallel_loop3A_446 = tpu.vector_load %arg9[%parallel_loop3A_445] {strides = array<i32>} : memref<384xf32, #tpu.memory_space<vmem>>, vector<16xf32>,
        tpu.vector_store %arg9[%parallel_loop3A_445], %parallel_loop3A_444 {strides = array<i32>} : memref<384xf32, #tpu.memory_space<vmem>>, vector<16xf32>,
      } {sc.loop_unroll_factor = 2 : i64, sc.parallel_access}
      %eq3A_62 = arith.constant 4 : i32
      %eq3A_63 = arith.cmpi eq, %select_n3A, %eq3A_62 : i32
      %convert_element_type3A_64 = arith.extui %eq3A_63 : i1 to i32
      %cond3A_65 = arith.constant 0 : i32
      %cond3A_66 = arith.cmpi ne, %convert_element_type3A_64, %cond3A_65 : i32
      scf.if %cond3A_66 {
        %scan3A_76 = arith.constant 0 : i32
        %scan3A_77 = arith.constant 0 : i32
        %scan3A_78 = arith.constant 24 : i32
        %scan3A_79 = arith.addi %scan3A_77, %scan3A_78 : i32
        %scan3A_80 = arith.constant 1 : i32
        %scan3A_81 = scf.for %scan3A_85 = %scan3A_77 to %scan3A_79 step %scan3A_80 iter_args(%scan3A_86 = %scan3A_76) -> (i32)  : i32 {
          %mul3A_87 = arith.constant 16 : i32
          %mul3A_88 = arith.muli %scan3A_85, %mul3A_87 : i32
          %get3A = arith.index_cast %mul3A_88 : i32 to index
          %get3A_89 = tpu.vector_load %arg8[%get3A] {strides = array<i32>} : memref<384xf32, #tpu.memory_space<vmem>>, vector<16xf32>,
          %mul3A_90 = arith.constant 5.000000e-03 : f32
          %mul3A_91 = vector.broadcast %mul3A_90 : f32 to vector<16xf32>
          %mul3A_92 = arith.mulf %get3A_89, %mul3A_91 : vector<16xf32>
          %swap3A = arith.index_cast %mul3A_88 : i32 to index
          %swap3A_93 = tpu.vector_load %arg10[%swap3A] {strides = array<i32>} : memref<768xf32, #tpu.memory_space<vmem>>, vector<16xf32>,
          tpu.vector_store %arg10[%swap3A], %mul3A_92 {strides = array<i32>} : memref<768xf32, #tpu.memory_space<vmem>>, vector<16xf32>,
          %get3A_94 = arith.index_cast %mul3A_88 : i32 to index
          %get3A_95 = tpu.vector_load %arg9[%get3A_94] {strides = array<i32>} : memref<384xf32, #tpu.memory_space<vmem>>, vector<16xf32>,
          %mul3A_96 = arith.constant 5.000000e-03 : f32
          %mul3A_97 = vector.broadcast %mul3A_96 : f32 to vector<16xf32>
          %mul3A_98 = arith.mulf %get3A_95, %mul3A_97 : vector<16xf32>
          %mul3A_99 = arith.constant 16 : i32
          %mul3A_100 = arith.muli %scan3A_85, %mul3A_99 : i32
          %add3A_101 = arith.constant 384 : i32
          %add3A_102 = arith.addi %add3A_101, %mul3A_100 : i32
          %swap3A_103 = arith.index_cast %add3A_102 : i32 to index
          %swap3A_104 = tpu.vector_load %arg10[%swap3A_103] {strides = array<i32>} : memref<768xf32, #tpu.memory_space<vmem>>, vector<16xf32>,
          tpu.vector_store %arg10[%swap3A_103], %mul3A_98 {strides = array<i32>} : memref<768xf32, #tpu.memory_space<vmem>>, vector<16xf32>,
          %broadcast_in_dim3A = arith.constant 0.000000e+00 : f32
          %broadcast_in_dim3A_105 = vector.broadcast %broadcast_in_dim3A : f32 to vector<16xf32>
          %swap3A_106 = arith.index_cast %mul3A_88 : i32 to index
          %swap3A_107 = tpu.vector_load %arg8[%swap3A_106] {strides = array<i32>} : memref<384xf32, #tpu.memory_space<vmem>>, vector<16xf32>,
          tpu.vector_store %arg8[%swap3A_106], %broadcast_in_dim3A_105 {strides = array<i32>} : memref<384xf32, #tpu.memory_space<vmem>>, vector<16xf32>,
          %broadcast_in_dim3A_108 = arith.constant 0.000000e+00 : f32
          %broadcast_in_dim3A_109 = vector.broadcast %broadcast_in_dim3A_108 : f32 to vector<16xf32>
          %swap3A_110 = arith.index_cast %mul3A_88 : i32 to index
          %swap3A_111 = tpu.vector_load %arg9[%swap3A_110] {strides = array<i32>} : memref<384xf32, #tpu.memory_space<vmem>>, vector<16xf32>,
          tpu.vector_store %arg9[%swap3A_110], %broadcast_in_dim3A_109 {strides = array<i32>} : memref<384xf32, #tpu.memory_space<vmem>>, vector<16xf32>,
          %scan3A_112 = arith.constant 0 : i32
          scf.yield %scan3A_112 : i32
        }
        %scan3A_82 = arith.constant 24 : i32
        %mul3A_83 = arith.constant 768 : i32
        %mul3A_84 = arith.muli %select_n3A_47, %mul3A_83 : i32
        "tpu.region"() ({
          %run_scoped3A = tpu.sem_alloc : memref<!tpu.dma_semaphore, #tpu.memory_space<semaphore_mem>>
          %dma_start3A_85 = tpu.memref_slice %arg4[%mul3A_84] : memref<3145728xf32, #tpu.memory_space<hbm>> -> memref<768xf32, #tpu.memory_space<hbm>>
          %dma_start3A_86 = tpu.memref_slice %arg4[%mul3A_84] : memref<3145728xf32, #tpu.memory_space<hbm>> -> memref<768xf32, #tpu.memory_space<hbm>>
          tpu.enqueue_dma source(%arg10 : memref<768xf32, #tpu.memory_space<vmem>>) target(%dma_start3A_86 : memref<768xf32, #tpu.memory_space<hbm>>) target_semaphore(%run_scoped3A : memref<!tpu.dma_semaphore, #tpu.memory_space<semaphore_mem>>)
          %dma_wait3A_87 = tpu.memref_slice %arg4[%mul3A_84] : memref<3145728xf32, #tpu.memory_space<hbm>> -> memref<768xf32, #tpu.memory_space<hbm>>
          %dma_wait3A_88 = tpu.memref_slice %arg4[%mul3A_84] : memref<3145728xf32, #tpu.memory_space<hbm>> -> memref<768xf32, #tpu.memory_space<hbm>>
          tpu.wait_dma2 semaphore(%run_scoped3A : memref<!tpu.dma_semaphore, #tpu.memory_space<semaphore_mem>>) src(%arg10 : memref<768xf32, #tpu.memory_space<vmem>>) dst(%dma_wait3A_88 : memref<768xf32, #tpu.memory_space<hbm>>)
          tpu.yield
        }) : () -> ()
      } else {
      }
      %eq3A_67 = arith.constant 4 : i32
      %eq3A_68 = arith.cmpi eq, %select_n3A, %eq3A_67 : i32
      %add3A_69 = arith.constant 1 : i32
      %add3A_70 = arith.addi %select_n3A, %add3A_69 : i32
      %jit3A_71 = arith.constant 0 : i32
      %select_n3A_72 = arith.select %eq3A_68, %jit3A_71, %add3A_70 : i32
      %add3A_73 = arith.constant 1 : i32
      %add3A_74 = arith.addi %select_n3A_47, %add3A_73 : i32
      %select_n3A_75 = arith.select %eq3A_68, %add3A_74, %select_n3A_47 : i32
      scf.yield %select_n3A_72, %select_n3A_75 : i32, i32
    }
    %scan3A_19 = arith.constant 320 : i32
    return
  }
}

module attributes {stable_mosaic.version = 14 : i64} {
  func.func @_conv_body(%arg0: i32, %arg1: memref<1024x768xf32, #tpu.memory_space<vmem>>, %arg2: memref<1024x384xi32, #tpu.memory_space<vmem>>) attributes {dimension_semantics = [#tpu.dimension_semantics<arbitrary>], iteration_bounds = array<i64: 117>, scalar_prefetch = 0 : i64, scratch_operands = 0 : i64, tpu.core_type = #tpu.core_type<tc>, window_params = [{transform_indices = @transform_0, window_bounds = array<i64: 1024, 768>}, {transform_indices = @transform_1, window_bounds = array<i64: 1024, 384>}]} {
    %get3A = arith.constant 0 : index
    %get3A_0 = arith.constant 0 : index
    %get3A_1 = vector.load %arg1[%get3A, %get3A_0] : memref<1024x768xf32, #tpu.memory_space<vmem>>, vector<1024x384xf32>
    %bitcast_convert_type3A = tpu.bitcast %get3A_1 : vector<1024x384xf32> -> vector<1024x384xi32>
    %get3A_2 = arith.constant 0 : index
    %get3A_3 = arith.constant 384 : index
    %get3A_4 = vector.load %arg1[%get3A_2, %get3A_3] : memref<1024x768xf32, #tpu.memory_space<vmem>>, vector<1024x384xf32>
    %bitcast_convert_type3A_5 = tpu.bitcast %get3A_4 : vector<1024x384xf32> -> vector<1024x384xi32>
    %add3A = arith.constant 32767 : i32
    %add3A_6 = vector.broadcast %add3A : i32 to vector<1024x384xi32>
    %add3A_7 = arith.addi %bitcast_convert_type3A, %add3A_6 : vector<1024x384xi32>
    %shift_right_arithmetic3A = arith.constant 16 : i32
    %shift_right_arithmetic3A_8 = vector.broadcast %shift_right_arithmetic3A : i32 to vector<1024x384xi32>
    %shift_right_arithmetic3A_9 = arith.shrsi %bitcast_convert_type3A, %shift_right_arithmetic3A_8 : vector<1024x384xi32>
    %and3A = arith.constant 1 : i32
    %and3A_10 = vector.broadcast %and3A : i32 to vector<1024x384xi32>
    %and3A_11 = arith.andi %shift_right_arithmetic3A_9, %and3A_10 : vector<1024x384xi32>
    %add3A_12 = arith.addi %add3A_7, %and3A_11 : vector<1024x384xi32>
    %add3A_13 = arith.constant 32767 : i32
    %add3A_14 = vector.broadcast %add3A_13 : i32 to vector<1024x384xi32>
    %add3A_15 = arith.addi %bitcast_convert_type3A_5, %add3A_14 : vector<1024x384xi32>
    %shift_right_arithmetic3A_16 = arith.constant 16 : i32
    %shift_right_arithmetic3A_17 = vector.broadcast %shift_right_arithmetic3A_16 : i32 to vector<1024x384xi32>
    %shift_right_arithmetic3A_18 = arith.shrsi %bitcast_convert_type3A_5, %shift_right_arithmetic3A_17 : vector<1024x384xi32>
    %and3A_19 = arith.constant 1 : i32
    %and3A_20 = vector.broadcast %and3A_19 : i32 to vector<1024x384xi32>
    %and3A_21 = arith.andi %shift_right_arithmetic3A_18, %and3A_20 : vector<1024x384xi32>
    %add3A_22 = arith.addi %add3A_15, %and3A_21 : vector<1024x384xi32>
    %shift_right_arithmetic3A_23 = arith.constant 16 : i32
    %shift_right_arithmetic3A_24 = vector.broadcast %shift_right_arithmetic3A_23 : i32 to vector<1024x384xi32>
    %shift_right_arithmetic3A_25 = arith.shrsi %add3A_12, %shift_right_arithmetic3A_24 : vector<1024x384xi32>
    %and3A_26 = arith.constant 65535 : i32
    %and3A_27 = vector.broadcast %and3A_26 : i32 to vector<1024x384xi32>
    %and3A_28 = arith.andi %shift_right_arithmetic3A_25, %and3A_27 : vector<1024x384xi32>
    %and3A_29 = arith.constant -65536 : i32
    %and3A_30 = vector.broadcast %and3A_29 : i32 to vector<1024x384xi32>
    %and3A_31 = arith.andi %add3A_22, %and3A_30 : vector<1024x384xi32>
    %or3A = arith.ori %and3A_28, %and3A_31 : vector<1024x384xi32>
    %swap3A = arith.constant 0 : index
    %swap3A_32 = arith.constant 0 : index
    %swap3A_33 = vector.load %arg2[%swap3A, %swap3A_32] : memref<1024x384xi32, #tpu.memory_space<vmem>>, vector<1024x384xi32>
    tpu.vector_store %arg2[%swap3A, %swap3A_32], %or3A {strides = array<i32>} : memref<1024x384xi32, #tpu.memory_space<vmem>>, vector<1024x384xi32>,
    return
  }
  func.func @transform_0(%arg0: i32) -> (i32, i32) {
    %c0_i32 = arith.constant 0 : i32
    %c0_i32_0 = arith.constant 0 : i32
    return %arg0, %c0_i32 : i32, i32
  }
  func.func @transform_1(%arg0: i32) -> (i32, i32) {
    %c0_i32 = arith.constant 0 : i32
    %c0_i32_0 = arith.constant 0 : i32
    return %arg0, %c0_i32 : i32, i32
  }
}

</mosaic_0001>

<sc_bundles>
// kernel: kernel.4.cloned.1.call-start
scs
__scs_entry_jumppad:
0x0: {  	(pc) =	sbr.rel $0x88, $3  }
0x1: {  	(tag) =	ssettag $0x0;
	lr =	simm.s32 $0x1  }
0x2: {  	[smem:$0x3F9F] =	sst lr;
	_ =	strace $0xD0000000  }
0x3: {  	_ = 	snop  }
0x4: {  	_ = 	snop  }
0x5: {  	_ = 	snop  }
0x6: {  	_ = 	snop  }
0x7: {  	_ = 	snop  }
__scs_overlays_trampoline_lowered:
0x8: {  	[smem:$0x3FAE] =	sst s0  }
0x9: {  	[smem:$0x3FAF] =	sst s1  }
0xa: {  	[smem:$0x3FB0] =	sst s2  }
0xb: {  	[smem:$0x3FB1] =	sst s3  }
0xc: {  	[smem:$0x3FB2] =	sst s4  }
0xd: {  	[smem:$0x3FB3] =	sst s5  }
0xe: {  	[smem:$0x3FB4] =	sst s6  }
0xf: {  	[smem:$0x3FB5] =	sst s7  }
0x10: {  	[smem:$0x3FB6] =	sst s8  }
0x11: {  	[smem:$0x3FB7] =	sst s9;
	s0 =	simm.s32 @!p0 $0x0  }
0x12: {  	s1 =	sld [smem:$0x3F9D];
	s0 =	simm.s32 @p0 $0x1  }
0x13: {  	[smem:$0x3FB8] =	sst s0;
	s0 =	simm.s32 @!p1 $0x0  }
0x14: {  	s2 =	sld [smem:$0x3F9C];
	s0 =	simm.s32 @p1 $0x1  }
0x15: {  	[smem:$0x3FB9] =	sst s0;
	s0 =	simm.s32 @!p2 $0x0  }
0x16: {  	s3 =	sld [smem:$0x3FDB];
	s0 =	simm.s32 @p2 $0x1  }
0x17: {  	s4 =	simm.s32 $0x1BF5;
	[smem:$0x3FBB] =	sst s0  }
0x18: {  	s0 =	sld [smem:$0x3F9E];
	_ =	swait.ge [sflag:s4], $0x0  }
0x19: {  	s7 =	sld [smem:$0x3F9F]  }
0x1a: {  	s8 =	sadd.s32 $0xFFFFE003, lr  }
0x1b: {  	s9 =	sadd.s32 $0xFFFFFEF7, lr;
	s5 =	simm.s32 $0xFFFFFFFF;
	p2 =	slt.u32 s8, $0xFFFFF086  }
0x1c: {  	p1 =	slt.u32 s9, $0xF7A;
	s5 =	simm.s32 @!p2 $0x0  }
0x1d: {  	s5 =	simm.s32 @p1 $0x1;
	p0 =	seq.s32 s7, s2  }
0x1e: {  	s7 =	smul.u32 @!p0 $0xF7A, s2;
	p2 =	seq.s32 @!p0 s5, $0x0  }
0x1f: {  	s9 =	smul.u32 $0xF7A, s1;
	s8 =	simm.s32 @!p0 $0x1BF5;
	p2 =	por !p2, p0  }
0x20: {  	[sflag:s8] =	ssyncset.s32 @!p0 $0xFFFFF086;
	s6 =	sadd.s32 @!p0 s3, s7;
	s7 =	simm.s32 @!p0 $0x108  }
0x21: {  	s3 =	sadd.s32 s3, s9;
	s6 =	sadd.s32 @!p0 $0x88, s6;
	s7 =	simm.s32 @p2 $0x1082  }
0x22: {  	[simem:s7], [sflag:s8] =	dma.local @!p0 [hbm:s6], $0xF7A  }
0x23: {  	s9 =	sor.u32 $0xD0000000, s2;
	s6 =	simm.s32 $0x108;
	_ =	swait.ge @!p0 [sflag:s8], $0x0  }
0x24: {  	s3 =	sadd.s32 $0x88, s3;
	s6 =	simm.s32 @!p1 $0x1082;
	[sflag:s4] =	ssyncset.s32 $0xFFFFF086  }
0x25: {  	[simem:s6], [sflag:s4] =	dma.local [hbm:s3], $0xF7A  }
0x26: {  	[smem:$0x3F9F] =	sst s1;
	(tag) =	ssettag s2;
	_ =	strace s9  }
0x27: {  	s1 =	sld [smem:$0x3FAF]  }
0x28: {  	s2 =	sld [smem:$0x3FB0]  }
0x29: {  	s4 =	sld [smem:$0x3FB2]  }
0x2a: {  	p0 =	seq.s32 s5, $0x0;
	s5 =	sld [smem:$0x3FB3]  }
0x2b: {  	s6 =	sld [smem:$0x3FB4]  }
0x2c: {  	s7 =	sld [smem:$0x3FB5]  }
0x2d: {  	s3 =	simm.s32 $0x108;
	s8 =	sld [smem:$0x3FB6]  }
0x2e: {  	s3 =	simm.s32 @!p0 $0x1082;
	s9 =	sld [smem:$0x3FB7]  }
0x2f: {  	lr =	sadd.s32 s0, s3;
	s0 =	sld [smem:$0x3FAE]  }
0x30: {  	s3 =	sld [smem:$0x3FB1]  }
0x31: {  	[smem:$0x3FBA] =	sst s10  }
0x32: {  	s10 =	sld [smem:$0x3FB8];
	_ =	sdelay $0x3  }
0x33: {  	p0 =	seq.s32 s10, $0x1;
	s10 =	sld [smem:$0x3FBA];
	_ =	sdelay $0x3  }
0x34: {  	[smem:$0x3FBA] =	sst s10  }
0x35: {  	s10 =	sld [smem:$0x3FB9];
	_ =	sdelay $0x3  }
0x36: {  	p1 =	seq.s32 s10, $0x1;
	s10 =	sld [smem:$0x3FBA];
	_ =	sdelay $0x3  }
0x37: {  	[smem:$0x3FBA] =	sst s10  }
0x38: {  	s10 =	sld [smem:$0x3FBB]  }
0x39: {  	_ = 	snop;
	(pc) =	sbr.ind lr, $3  }
0x3a: {  	_ = 	snop  }
0x3b: {  	_ = 	snop  }
0x3c: {  	p2 =	seq.s32 s10, $0x1;
	s10 =	sld [smem:$0x3FBA]  }
0x3d: {  	_ =	shalt  }
0x3e: {  	_ =	shalt  }
0x3f: {  	_ =	shalt  }
0x40: {  	_ =	shalt  }
0x41: {  	_ =	shalt  }
0x42: {  	_ =	shalt  }
0x43: {  	_ =	shalt  }
0x44: {  	_ =	shalt  }
0x45: {  	_ =	shalt  }
0x46: {  	_ =	shalt  }
0x47: {  	_ =	shalt  }
0x48: {  	_ =	shalt  }
0x49: {  	_ =	shalt  }
0x4a: {  	_ =	shalt  }
0x4b: {  	_ =	shalt  }
0x4c: {  	_ =	shalt  }
0x4d: {  	_ =	shalt  }
0x4e: {  	_ =	shalt  }
0x4f: {  	_ =	shalt  }
0x50: {  	_ =	shalt  }
0x51: {  	_ =	shalt  }
0x52: {  	_ =	shalt  }
0x53: {  	_ =	shalt  }
0x54: {  	_ =	shalt  }
0x55: {  	_ =	shalt  }
0x56: {  	_ =	shalt  }
0x57: {  	_ =	shalt  }
0x58: {  	_ =	shalt  }
0x59: {  	_ =	shalt  }
0x5a: {  	_ =	shalt  }
0x5b: {  	_ =	shalt  }
0x5c: {  	_ =	shalt  }
0x5d: {  	_ =	shalt  }
0x5e: {  	_ =	shalt  }
0x5f: {  	_ =	shalt  }
0x60: {  	_ =	shalt  }
0x61: {  	_ =	shalt  }
0x62: {  	_ =	shalt  }
0x63: {  	_ =	shalt  }
0x64: {  	_ =	shalt  }
0x65: {  	_ =	shalt  }
0x66: {  	_ =	shalt  }
0x67: {  	_ =	shalt  }
0x68: {  	_ =	shalt  }
0x69: {  	_ =	shalt  }
0x6a: {  	_ =	shalt  }
0x6b: {  	_ =	shalt  }
0x6c: {  	_ =	shalt  }
0x6d: {  	_ =	shalt  }
0x6e: {  	_ =	shalt  }
0x6f: {  	_ =	shalt  }
0x70: {  	_ =	shalt  }
0x71: {  	_ =	shalt  }
0x72: {  	_ =	shalt  }
0x73: {  	_ =	shalt  }
0x74: {  	_ =	shalt  }
0x75: {  	_ =	shalt  }
0x76: {  	_ =	shalt  }
0x77: {  	_ =	shalt  }
0x78: {  	_ =	shalt  }
0x79: {  	_ =	shalt  }
0x7a: {  	_ =	shalt  }
0x7b: {  	_ =	shalt  }
0x7c: {  	_ =	shalt  }
0x7d: {  	_ =	shalt  }
0x7e: {  	_ =	shalt  }
0x7f: {  	_ =	shalt  }
0x80: {  	_ =	shalt  }
0x81: {  	_ =	shalt  }
0x82: {  	_ =	shalt  }
0x83: {  	_ =	shalt  }
0x84: {  	_ =	shalt  }
0x85: {  	_ =	shalt  }
0x86: {  	_ =	shalt  }
0x87: {  	_ =	shalt  }
.Lfunc_end0:
.L_simem_size_0:
called_computation_lowered:
.L_overlay_start_0:
0x88: {  	s2 =	sld [smem:$0x3FD9]  }
0x89: {  	s3 =	sld [smem:$0x3FFE];
	_ =	sdelay $0x1  }
0x8a: {  	s1 =	srdreg.scid  }
0x8b: {  	s0 =	sand.u32 $0x1, s1  }
0x8c: {  	s17 =	sshll.u32 s0, $0xA;
	s2 =	sadd.s32 s3, s2  }
0x8d: {  	s2 =	sadd.s32 s2, s17  }
0x8e: {  	[smem:$0x3FC6] =	sst s2  }
0x8f: {  	_ = 	snop  }
0x90: {  	s2 =	sld [smem:$0x3FD0];
	(tm) =	ssettm $0x1  }
0x91: {  	s18 =	sld [smem:$0x3FFB];
	_ =	sdelay $0x3  }
0x92: {  	_ =	strace s18  }
0x93: {  	s3 =	sld [smem:$0x3FFC];
	_ =	sdelay $0x3  }
0x94: {  	_ =	strace s3  }
0x95: {  	s3 =	sld [smem:$0x3FFD];
	_ =	sdelay $0x3  }
0x96: {  	_ =	strace s3  }
0x97: {  	_ =	strace $0x8FFFFFFF  }
0x98: {  	s19 =	sld [smem:$0x3FDB];
	_ =	sdelay $0x1  }
0x99: {  	s4 =	simm.s32 $_scs_section_size  }
0x9a: {  	s5 =	simm.s32 $_size__tile_overlayer_lowered;
	s6 =	simm.s32 $_tile_overlayer_lowered  }
0x9b: {  	s22 =	simm.s32 $0x1BFF;
	s21 =	sshll.u32 s6, $0x1;
	s3 =	sadd.s32 s4, s19  }
0x9c: {  	s7 =	simm.s32 $0x0;
	s20 =	sshll.u32 s5, $0x1;
	s5 =	sadd.s32 s21, s3  }
0x9d: {  	[timem:s7], [sflag:s22] =	dma.local [hbm:s5], s20  }
0x9e: {  	_ =	swait.ge [sflag:s22], s20  }
0x9f: {  	s4 =	ssub.s32 $0x0, s20;
	[sflag:s22] =	ssyncset.done $0x0  }
0xa0: {  	[sflag:s22] =	ssyncadd.s32 s4;
	_ =	sdelay $0x1  }
0xa1: {  	s23 =	simm.s32 $0x1B8B  }
0xa2: {  	_ =	swait.ge [sflag:s23], $0x1  }
0xa3: {  	[sflag:s23] =	ssyncset.done $0x0  }
0xa4: {  	s25 =	simm.s32 $0x1B8E;
	s24 =	sld [smem:$0x3FFE];
	[sflag:s23] =	ssyncadd.s32 $0xFFFFFFFF  }
0xa5: {  	s26 =	simm.s32 $execute0_lowered;
	[smem:$0x3FD2] =	sst s25  }
0xa6: {  	s5 =	sshll.u32 s26, $0x1;
	_ =	strace $0x80000046;
	[dreg:$0x1] =	wrdreg $0xFFFFFFFF  }
0xa7: {  	s28 =	simm.s32 $_size_execute0_lowered;
	s3 =	sadd.s32 s3, s5;
	[dreg:$0x0] =	wrdreg $0x0  }
0xa8: {  	s5 =	sshll.u32 s28, $0x1;
	[dreg:$0x2] =	wrdreg s3  }
0xa9: {  	[dreg:$0x3] =	wrdreg s5  }
0xaa: {  	[dreg:$0x4] =	wrdreg $0xC0  }
0xab: {  	_ =	task [dreg:s7], $0x5FFFF  }
0xac: {  	[dreg:$0x1] =	wrdreg $0xFFFFFFFF  }
0xad: {  	[dreg:$0x0] =	wrdreg $0x60  }
0xae: {  	[dreg:$0x2] =	wrdreg s2  }
0xaf: {  	[dreg:$0x3] =	wrdreg s24  }
0xb0: {  	[dreg:$0x4] =	wrdreg $0x9  }
0xb1: {  	_ =	task.clear_ibuf [dreg:s7], $0x5FFFF;
	_ =	strace $0x90000046  }
0xb2: {  	s29 =	simm.s32 $0x9;
	_ =	strace $0x80000048  }
0xb3: {  	_ =	swait.ge [sflag:s29], $0x1  }
0xb4: {  	[sflag:s29] =	ssyncadd.s32 $0xFFFFFFFF  }
0xb5: {  	_ =	strace $0x90000048  }
0xb6: {  	_ =	sfence  }
0xb7: {  	s30 =	sld [smem:$0x0];
	_ =	sdelay $0x2  }
0xb8: {  	s31 =	sshll.u32 s1, $0xD;
	s1 =	sshrl.u32 s1, $0x2  }
0xb9: {  	s3 =	sand.u32 $0x4000, s31;
	s1 =	sadd.s32 s1, s30  }
0xba: {  	s0 =	sor.u32 s3, s0;
	s1 =	sshll.u32 s1, $0x11  }
0xbb: {  	s0 =	sor.u32 s1, s0  }
0xbc: {  	s0 =	sadd.s32 $0x8F2B, s0  }
0xbd: {  	[sflag:s0] =	ssyncadd.remote.s32 $0x1  }
0xbe: {  	_ =	sfence.sel $0xFFFF  }
0xbf: {  	[dreg:$0x0] =	wrdreg $0xFFFFFFFF;
	(pc) =	sbr.abs _section_cstart, $3  }
0xc0: {  	[dreg:$0x1] =	wrdreg $0xFFFFFFFF  }
0xc1: {  	_ =	task.clear_ibuf [dreg:s7], $0x2FFFF;
	_ =	strace $0x9FFFFFFF  }
0xc2: {  	(tm) =	ssettm $0x7FFFFFFF  }
0xc3: {  	_ =	shalt  }
tec
execute0_lowered:
.L_overlay_start_1:
0x0: {  	(tag) =	ssettag $0x1  }
0x1: {  	s0 =	rddreg [dreg:$0x0]  }
0x2: {  	s1 =	rddreg [dreg:$0x1]  }
0x3: {  	s2 =	srdreg.scid;
	s4 =	stileid.u32  }
0x4: {  	s6 =	simm.s32 $0x0;
	s2 =	sand.u32 $0x1, s2;
	s3 =	sshrl.u32 s4, $0x2  }
0x5: {  	s4 =	sshll.u32 s4, $0x8;
	[smem:$0x7FF] =	sst s6;
	s26 =	sadd.s32 $0x400, s1  }
0x6: {  	s29 =	sadd.s32 $0x579400, s1;
	s30 =	sadd.s32 $0x500, s1;
	s5 =	sshll.u32 s2, $0x7  }
0x7: {  	s3 =	smul.u32 $0x32000, s3;
	_ =	strace $0x80000047;
	s2 =	ssub.s32 $0x2, s2  }
0x8: {  	v3 =	vlaneseq.u32;
	[dreg:$0x12] =	wrdreg s26;
	s4 =	sor.u32 s5, s4;
	s28 =	sshrl.u32 s2, $0x1  }
.Ltmp0:
0x9: {  	v2 =	vshrl.u32 v3, $0x3;
	v1 =	vand.u32 $0x7, v3;
	[dreg:$0x11] =	wrdreg s4;
	s4 =	sand.u32 $0x380, s4;
	(pc) =	sbr.rel .LBB2_1-.Ltmp0, $4  }
0xa: {  	[dreg:$0x13] =	wrdreg s29;
	[tilespmem:$0x1FFD0] =	vst v1;
	v1 =	vmul.u32 $0x8, v2;
	s2 =	ssub.s32 s2, s28;
	s3 =	sor.u32 s3, s4  }
0xb: {  	[dreg:$0x15] =	wrdreg s30;
	s31 =	smax.u32 s2, $0x1;
	s3 =	sshrl.u32 s3, $0x3  }
0xc: {  	[tilespmem:$0x1FFE0] =	vst v1;
	v1 =	vor.u32 $0x8, v3;
	[dreg:$0x16] =	wrdreg s31;
	s0 =	sadd.s32 s0, s3  }
0xd: {  	v0 =	vimm.f32 $0.0e+00;
	vm0 =	vmmov $0xffff;
	vm1 =	vmmov $0xff;
	s1 =	simm.s32 $0x0;
	[tilespmem:$0x1FFF0] =	vst v1;
	[dreg:$0x14] =	wrdreg s0  }
.LBB2_15:
0xe: {  	s1 =	rddreg [dreg:$0x17]  }
0xf: {  	s0 =	rddreg [dreg:$0x16];
	s1 =	sadd.s32 $0x1, s1  }
0x10: {  	p0 =	sne.s32 s1, s0  }
.Ltmp1:
0x11: {  	_ = 	snop;
	(pc) =	sbr.rel @!p0 .LBB2_16-.Ltmp1, $2  }
0x12: {  	_ =	sdelay $0x2  }
0x13: {  	v0 =	vimm.f32 $0.0e+00  }
.LBB2_1:
0x14: {  	[dreg:$0x17] =	wrdreg s1  }
0x15: {  	s0 =	simm.s32 $0x0;
	s15 =	rddreg [dreg:$0x14]  }
0x16: {  	s2 =	simm.s32 $0x80;
	s3 =	simm.s32 $0x400;
	s16 =	simm.s32 $0x3  }
0x17: {  	[tilespmem:s0], [sflag:$0x3] =	stream.strided.gather [hbm4b:s15+s2], $0x6400, s3, s2, $0x38;
	[tilespmem:$0xE200] =	vst v63  }
0x18: {  	_ =	swait.ge [sflag:s16], $0x6400  }
0x19: {  	[sflag:s16] =	ssyncset.done $0x0  }
0x1a: {  	[sflag:s16] =	ssyncadd.s32 $0xFFFF9C00  }
0x1b: {  	[tilespmem:$0xDC00] =	vst v0  }
0x1c: {  	[tilespmem:$0xDD80] =	vst v0  }
0x1d: {  	[tilespmem:$0xDC10] =	vst v0  }
0x1e: {  	[tilespmem:$0xDD90] =	vst v0  }
0x1f: {  	[tilespmem:$0xDC20] =	vst v0  }
0x20: {  	[tilespmem:$0xDDA0] =	vst v0  }
0x21: {  	[tilespmem:$0xDC30] =	vst v0  }
0x22: {  	[tilespmem:$0xDDB0] =	vst v0  }
0x23: {  	[tilespmem:$0xDC40] =	vst v0  }
0x24: {  	[tilespmem:$0xDDC0] =	vst v0  }
0x25: {  	[tilespmem:$0xDC50] =	vst v0  }
0x26: {  	[tilespmem:$0xDDD0] =	vst v0  }
0x27: {  	[tilespmem:$0xDC60] =	vst v0  }
0x28: {  	[tilespmem:$0xDDE0] =	vst v0  }
0x29: {  	[tilespmem:$0xDC70] =	vst v0  }
0x2a: {  	[tilespmem:$0xDDF0] =	vst v0  }
0x2b: {  	[tilespmem:$0xDC80] =	vst v0  }
0x2c: {  	[tilespmem:$0xDE00] =	vst v0  }
0x2d: {  	[tilespmem:$0xDC90] =	vst v0  }
0x2e: {  	[tilespmem:$0xDE10] =	vst v0  }
0x2f: {  	[tilespmem:$0xDCA0] =	vst v0  }
0x30: {  	[tilespmem:$0xDE20] =	vst v0  }
0x31: {  	[tilespmem:$0xDCB0] =	vst v0  }
0x32: {  	[tilespmem:$0xDE30] =	vst v0  }
0x33: {  	[tilespmem:$0xDCC0] =	vst v0  }
0x34: {  	[tilespmem:$0xDE40] =	vst v0  }
0x35: {  	[tilespmem:$0xDCD0] =	vst v0  }
0x36: {  	[tilespmem:$0xDE50] =	vst v0  }
0x37: {  	[tilespmem:$0xDCE0] =	vst v0  }
0x38: {  	[tilespmem:$0xDE60] =	vst v0  }
0x39: {  	[tilespmem:$0xDCF0] =	vst v0  }
0x3a: {  	[tilespmem:$0xDE70] =	vst v0  }
0x3b: {  	v61 =	vimm.f32 $0.0e+00;
	[tilespmem:$0xDD00] =	vst v0;
	v4 =	vld [tilespmem:$0x0]  }
0x3c: {  	[tilespmem:$0xDE80] =	vst v61  }
0x3d: {  	[tilespmem:$0xDD10] =	vst v61  }
0x3e: {  	[tilespmem:$0xDE90] =	vst v61  }
0x3f: {  	v1 =	vld [tilespmem:$0x1FFD0];
	[tilespmem:$0xDD20] =	vst v61  }
0x40: {  	[tilespmem:$0xDEA0] =	vst v61;
	v5 =	vshrl.u32 v4, $0x3  }
0x41: {  	v2 =	vld [tilespmem:$0x1FFE0];
	[tilespmem:$0xDD30] =	vst v61;
	v5 =	vmul.u32 $0x18, v5  }
0x42: {  	[tilespmem:$0xDEB0] =	vst v61;
	v4 =	vand.u32 $0x7, v4  }
0x43: {  	v3 =	vld [tilespmem:$0x1FFF0];
	[tilespmem:$0xDD40] =	vst v61;
	v4 =	vor.u32 v4, v5  }
0x44: {  	[tilespmem:$0xDEC0] =	vst v61;
	v5 =	vperm.xlane v4, v1  }
0x45: {  	[tilespmem:$0xDD50] =	vst v61  }
0x46: {  	[tilespmem:$0xDED0] =	vst v61;
	v5 =	vadd.s32 v2, v5  }
0x47: {  	[tilespmem:$0xDD60] =	vst v61  }
0x48: {  	[tilespmem:$0xDEE0] =	vst v61;
	v4 =	vperm.xlane v4, v3  }
0x49: {  	[tilespmem:$0xDD70] =	vst v61  }
0x4a: {  	s18 =	simm.s32 $0x6400;
	s17 =	rddreg [dreg:$0x12];
	[tilespmem:$0xDEF0] =	vst v61;
	v4 =	vadd.s32 v2, v4  }
0x4b: {  	[tilespmem:s18], [sflag:$0x1] =	stream.indirect_vreg.gather [hbm4b:s17+s0], $0x80, v5, vm0, $0xb8;
	[tilespmem:$0xE200] =	vst v63  }
0x4c: {  	s20 =	simm.s32 $0x6C00;
	s19 =	rddreg [dreg:$0x15]  }
0x4d: {  	[tilespmem:s20], [sflag:$0x1] =	stream.indirect_vreg.gather [hbm4b:s19+s0], $0x80, v5, vm1, $0xb8;
	[tilespmem:$0xE200] =	vst v63  }
0x4e: {  	s21 =	simm.s32 $0x7000  }
0x4f: {  	[tilespmem:s21], [sflag:$0x1] =	stream.indirect_vreg.gather [hbm4b:s17+s0], $0x80, v4, vm0, $0xb8;
	[tilespmem:$0xE200] =	vst v63  }
0x50: {  	s22 =	simm.s32 $0x7800  }
0x51: {  	[tilespmem:s22], [sflag:$0x1] =	stream.indirect_vreg.gather [hbm4b:s19+s0], $0x80, v4, vm1, $0xb8;
	[tilespmem:$0xE200] =	vst v63  }
0x52: {  	v4 =	vld [tilespmem:$0x10];
	_ =	sdelay $0x4  }
0x53: {  	v62 =	vshrl.u32 v4, $0x3  }
0x54: {  	v5 =	vmul.u32 $0x18, v62  }
0x55: {  	v4 =	vand.u32 $0x7, v4  }
0x56: {  	v4 =	vor.u32 v4, v5  }
0x57: {  	v5 =	vperm.xlane v4, v1;
	_ =	sdelay $0x1  }
0x58: {  	v5 =	vadd.s32 v2, v5;
	_ =	sdelay $0x1  }
0x59: {  	v4 =	vperm.xlane v4, v3;
	_ =	sdelay $0x1  }
0x5a: {  	s23 =	simm.s32 $0x7C00;
	v4 =	vadd.s32 v2, v4  }
0x5b: {  	[tilespmem:s23], [sflag:$0x1] =	stream.indirect_vreg.gather [hbm4b:s17+s0], $0x80, v5, vm0, $0xb8;
	[tilespmem:$0xE200] =	vst v63  }
0x5c: {  	s24 =	simm.s32 $0x8400  }
0x5d: {  	[tilespmem:s24], [sflag:$0x1] =	stream.indirect_vreg.gather [hbm4b:s19+s0], $0x80, v5, vm1, $0xb8;
	[tilespmem:$0xE200] =	vst v63  }
0x5e: {  	s25 =	simm.s32 $0x8800  }
0x5f: {  	[tilespmem:s25], [sflag:$0x1] =	stream.indirect_vreg.gather [hbm4b:s17+s0], $0x80, v4, vm0, $0xb8;
	[tilespmem:$0xE200] =	vst v63  }
0x60: {  	s26 =	simm.s32 $0x9000  }
0x61: {  	[tilespmem:s26], [sflag:$0x1] =	stream.indirect_vreg.gather [hbm4b:s19+s0], $0x80, v4, vm1, $0xb8;
	[tilespmem:$0xE200] =	vst v63  }
0x62: {  	v4 =	vld.msk [tilespmem:$0x20], $0xff;
	_ =	sdelay $0x4  }
0x63: {  	v63 =	vshrl.u32 v4, $0x3  }
0x64: {  	v5 =	vmul.u32 $0x18, v63  }
0x65: {  	v4 =	vand.u32 $0x7, v4  }
0x66: {  	v4 =	vor.u32 v4, v5  }
0x67: {  	v4 =	vperm.xlane v4, v1;
	_ =	sdelay $0x1  }
0x68: {  	v4 =	vadd.s32 v2, v4;
	_ =	sdelay $0x1  }
0x69: {  	s31 =	simm.s32 $0x0  }
.Ltmp2:
0x6a: {  	[dreg:$0x1a] =	wrdreg s31;
	(pc) =	sbr.rel .LBB2_2-.Ltmp2, $4  }
0x6b: {  	s28 =	simm.s32 $0x9400;
	s30 =	rddreg [dreg:$0x11]  }
0x6c: {  	[tilespmem:s28], [sflag:$0x1] =	stream.indirect_vreg.gather [hbm4b:s17+s0], $0x80, v4, vm0, $0xb8;
	[tilespmem:$0xE200] =	vst v63  }
0x6d: {  	s29 =	simm.s32 $0x9C00;
	s1 =	simm.s32 $0x0;
	[dreg:$0x19] =	wrdreg s30  }
0x6e: {  	[tilespmem:s29], [sflag:$0x1] =	stream.indirect_vreg.gather [hbm4b:s19+s0], $0x80, v4, vm1, $0xb8;
	[tilespmem:$0xE200] =	vst v63  }
.LBB2_14:
0x6f: {  	s1 =	rddreg [dreg:$0x18]  }
0x70: {  	s1 =	sadd.s32 $0x1, s1  }
0x71: {  	p1 =	sne.s32 s1, $0x140  }
.Ltmp3:
0x72: {  	_ = 	snop;
	(pc) =	sbr.rel @!p1 .LBB2_15-.Ltmp3, $4  }
0x73: {  	p0 =	seq.s32 s5, $0x4;
	s0 =	simm.s32 $0x1;
	s2 =	sadd.s32 $0x1, s5  }
0x74: {  	s0 =	simm.s32 @!p0 $0x0;
	s2 =	simm.s32 @p0 $0x0  }
0x75: {  	[dreg:$0x1a] =	wrdreg s2;
	s0 =	sadd.s32 s0, s6  }
0x76: {  	[dreg:$0x19] =	wrdreg s0  }
.LBB2_2:
0x77: {  	s0 =	smul.u32 $0x140, s1;
	_ =	sdelay $0x1  }
0x78: {  	s3 =	sshra.s32 s0, $0x2  }
0x79: {  	v4 =	vld [tilespmem:s3+$0x28];
	_ =	sdelay $0x3  }
0x7a: {  	v0 =	vld [tilespmem:$0x1FFD0]  }
0x7b: {  	v5 =	vshrl.u32 v4, $0x3  }
0x7c: {  	v1 =	vld [tilespmem:$0x1FFE0];
	v5 =	vmul.u32 $0x18, v5  }
0x7d: {  	v4 =	vand.u32 $0x7, v4  }
0x7e: {  	v2 =	vld [tilespmem:$0x1FFF0];
	v4 =	vor.u32 v4, v5  }
0x7f: {  	v5 =	vperm.xlane v4, v0;
	_ =	sdelay $0x1  }
0x80: {  	v5 =	vadd.s32 v1, v5;
	_ =	sdelay $0x1  }
0x81: {  	v4 =	vperm.xlane v4, v2;
	_ =	sdelay $0x1  }
0x82: {  	s4 =	simm.s32 $0x0;
	s9 =	rddreg [dreg:$0x12];
	s10 =	simm.s32 $0xA000;
	v4 =	vadd.s32 v1, v4  }
0x83: {  	[tilespmem:s10], [sflag:$0x2] =	stream.indirect_vreg.gather [hbm4b:s9+s4], $0x80, v5, vm0, $0xb8;
	[tilespmem:$0xE200] =	vst v63  }
0x84: {  	s11 =	rddreg [dreg:$0x15];
	s2 =	simm.s32 $0xA800  }
0x85: {  	[tilespmem:s2], [sflag:$0x2] =	stream.indirect_vreg.gather [hbm4b:s11+s4], $0x80, v5, vm1, $0xb8;
	[tilespmem:$0xE200] =	vst v63  }
0x86: {  	s12 =	simm.s32 $0xAC00  }
0x87: {  	[tilespmem:s12], [sflag:$0x2] =	stream.indirect_vreg.gather [hbm4b:s9+s4], $0x80, v4, vm0, $0xb8;
	[tilespmem:$0xE200] =	vst v63  }
0x88: {  	s13 =	simm.s32 $0xB400  }
0x89: {  	[tilespmem:s13], [sflag:$0x2] =	stream.indirect_vreg.gather [hbm4b:s11+s4], $0x80, v4, vm1, $0xb8;
	[tilespmem:$0xE200] =	vst v63  }
0x8a: {  	v4 =	vld [tilespmem:s3+$0x38];
	_ =	sdelay $0x4  }
0x8b: {  	v57 =	vshrl.u32 v4, $0x3  }
0x8c: {  	v5 =	vmul.u32 $0x18, v57  }
0x8d: {  	v4 =	vand.u32 $0x7, v4  }
0x8e: {  	v4 =	vor.u32 v4, v5  }
0x8f: {  	v5 =	vperm.xlane v4, v0;
	_ =	sdelay $0x1  }
0x90: {  	v5 =	vadd.s32 v1, v5;
	_ =	sdelay $0x1  }
0x91: {  	v4 =	vperm.xlane v4, v2;
	_ =	sdelay $0x1  }
0x92: {  	s14 =	simm.s32 $0xB800;
	v4 =	vadd.s32 v1, v4  }
0x93: {  	[tilespmem:s14], [sflag:$0x2] =	stream.indirect_vreg.gather [hbm4b:s9+s4], $0x80, v5, vm0, $0xb8;
	[tilespmem:$0xE200] =	vst v63  }
0x94: {  	s15 =	simm.s32 $0xC000  }
0x95: {  	[tilespmem:s15], [sflag:$0x2] =	stream.indirect_vreg.gather [hbm4b:s11+s4], $0x80, v5, vm1, $0xb8;
	[tilespmem:$0xE200] =	vst v63  }
0x96: {  	s16 =	simm.s32 $0xC400  }
0x97: {  	[tilespmem:s16], [sflag:$0x2] =	stream.indirect_vreg.gather [hbm4b:s9+s4], $0x80, v4, vm0, $0xb8;
	[tilespmem:$0xE200] =	vst v63  }
0x98: {  	s17 =	simm.s32 $0xCC00  }
0x99: {  	[tilespmem:s17], [sflag:$0x2] =	stream.indirect_vreg.gather [hbm4b:s11+s4], $0x80, v4, vm1, $0xb8;
	[tilespmem:$0xE200] =	vst v63  }
0x9a: {  	v4 =	vld.msk [tilespmem:s3+$0x48], $0xff;
	_ =	sdelay $0x4  }
0x9b: {  	v58 =	vshrl.u32 v4, $0x3  }
0x9c: {  	v5 =	vmul.u32 $0x18, v58  }
0x9d: {  	v4 =	vand.u32 $0x7, v4  }
0x9e: {  	v4 =	vor.u32 v4, v5  }
0x9f: {  	v4 =	vperm.xlane v4, v0;
	_ =	sdelay $0x1  }
0xa0: {  	v4 =	vadd.s32 v1, v4;
	_ =	sdelay $0x2  }
0xa1: {  	[dreg:$0x18] =	wrdreg s1;
	s18 =	simm.s32 $0xD000;
	s19 =	simm.s32 $0xD800  }
0xa2: {  	s20 =	simm.s32 $0x1;
	s31 =	sand.u32 $0xC00, s4;
	s21 =	sand.u32 $0x60, s4  }
0xa3: {  	[tilespmem:s18], [sflag:$0x2] =	stream.indirect_vreg.gather [hbm4b:s9+s4], $0x80, v4, vm0, $0xb8;
	[tilespmem:$0xE200] =	vst v63  }
0xa4: {  	s22 =	sadd.s32 $0x8B00, s31;
	s24 =	sadd.s32 $0x8B80, s31;
	[dreg:$0x1b] =	wrdreg s3  }
0xa5: {  	[tilespmem:s19], [sflag:$0x2] =	stream.indirect_vreg.gather [hbm4b:s11+s4], $0x80, v4, vm1, $0xb8;
	[tilespmem:$0xE200] =	vst v63  }
0xa6: {  	s25 =	sadd.s32 $0x8A00, s31;
	_ =	swait.ge [sflag:s20], $0x3C00;
	[dreg:$0x1e] =	wrdreg s24  }
0xa7: {  	s29 =	sadd.s32 $0x8A80, s31;
	[sflag:s20] =	ssyncset.done $0x0;
	[smem:$0x7F7] =	sst s22  }
0xa8: {  	s23 =	sor.u32 s21, s22;
	[smem:$0x7F5] =	sst s25;
	[sflag:s20] =	ssyncadd.s32 $0xFFFFC400  }
0xa9: {  	s26 =	sor.u32 s21, s24;
	v8 =	vld [tilespmem:s23+$0x0];
	[smem:$0x7F6] =	sst s29  }
0xaa: {  	s28 =	sor.u32 s21, s25;
	v6 =	vld [tilespmem:s26+$0x0]  }
0xab: {  	s17 =	sadd.s32 $0x8900, s31;
	s3 =	sor.u32 s21, s29;
	v13 =	vld [tilespmem:s28+$0x0]  }
0xac: {  	s4 =	sor.u32 s21, s17;
	s19 =	sadd.s32 $0x8980, s31;
	v12 =	vld [tilespmem:s3+$0x0]  }
0xad: {  	s14 =	sor.u32 $0x7100, s31;
	s5 =	sor.u32 s21, s19;
	v15 =	vld [tilespmem:s4+$0x0]  }
0xae: {  	s6 =	sor.u32 s21, s14;
	s9 =	sor.u32 $0x7000, s31;
	v14 =	vld [tilespmem:s5+$0x0]  }
0xaf: {  	s7 =	sor.u32 s21, s9;
	s22 =	sor.u32 $0x7080, s31;
	v16 =	vld [tilespmem:s6+$0x0]  }
0xb0: {  	s0 =	sadd.s32 $0x6400, s31;
	s8 =	sor.u32 s21, s22;
	v17 =	vld [tilespmem:s7+$0x0]  }
0xb1: {  	s10 =	sor.u32 s21, s0;
	v18 =	vld [tilespmem:s8+$0x0]  }
0xb2: {  	v19 =	vld [tilespmem:s10+$0x300]  }
0xb3: {  	v20 =	vld [tilespmem:s10+$0x380]  }
0xb4: {  	v21 =	vld [tilespmem:s10+$0x0]  }
0xb5: {  	v22 =	vld [tilespmem:s10+$0x80]  }
0xb6: {  	v23 =	vld [tilespmem:s10+$0x100]  }
0xb7: {  	v24 =	vld [tilespmem:s10+$0x180]  }
0xb8: {  	v25 =	vld [tilespmem:s10+$0x200];
	v59 =	vunpack.i.u.bf16.f32 v8  }
0xb9: {  	v26 =	vld [tilespmem:s10+$0x280];
	v8 =	vunpack.i.l.bf16.f32 v8;
	v7 =	vunpack.i.u.bf16.f32 v13;
	v60 =	vunpack.i.u.bf16.f32 v6  }
0xba: {  	v10 =	vunpack.i.u.bf16.f32 v15;
	v11 =	vunpack.i.u.bf16.f32 v14;
	v9 =	vunpack.i.u.bf16.f32 v12  }
0xbb: {  	v27 =	vunpack.i.u.bf16.f32 v16;
	v28 =	vunpack.i.u.bf16.f32 v17;
	v29 =	vunpack.i.u.bf16.f32 v18  }
0xbc: {  	v30 =	vunpack.i.l.bf16.f32 v21;
	v31 =	vunpack.i.u.bf16.f32 v19;
	v32 =	vunpack.i.l.bf16.f32 v23  }
0xbd: {  	v33 =	vunpack.i.l.bf16.f32 v22;
	v34 =	vunpack.i.l.bf16.f32 v24;
	v61 =	vunpack.i.u.bf16.f32 v20  }
0xbe: {  	v62 =	vunpack.i.l.bf16.f32 v25;
	v25 =	vunpack.i.u.bf16.f32 v25;
	v35 =	vunpack.i.l.bf16.f32 v26  }
0xbf: {  	s30 =	sor.u32 $0x7180, s31;
	v26 =	vunpack.i.u.bf16.f32 v26;
	v19 =	vunpack.i.l.bf16.f32 v19;
	v21 =	vunpack.i.u.bf16.f32 v21  }
0xc0: {  	s11 =	sor.u32 s21, s30;
	v20 =	vunpack.i.l.bf16.f32 v20;
	v22 =	vunpack.i.u.bf16.f32 v22;
	v17 =	vunpack.i.l.bf16.f32 v17  }
0xc1: {  	s28 =	sor.u32 $0x7200, s31;
	v63 =	vld [tilespmem:s11+$0x0];
	v23 =	vunpack.i.u.bf16.f32 v23;
	v18 =	vunpack.i.l.bf16.f32 v18;
	v30 =	vadd.f32 v32, v30  }
0xc2: {  	s8 =	sor.u32 $0x7300, s31;
	s12 =	sor.u32 s21, s28;
	v24 =	vunpack.i.u.bf16.f32 v24;
	v16 =	vunpack.i.l.bf16.f32 v16;
	v33 =	vadd.f32 v34, v33  }
0xc3: {  	s15 =	sor.u32 s21, s8;
	v0 =	vld [tilespmem:s12+$0x0];
	v15 =	vunpack.i.l.bf16.f32 v15;
	v21 =	vadd.f32 v23, v21;
	v30 =	vadd.f32 v62, v30  }
0xc4: {  	s24 =	sadd.s32 $0x7C80, s31;
	v1 =	vld [tilespmem:s15+$0x0];
	v14 =	vunpack.i.l.bf16.f32 v14;
	v22 =	vadd.f32 v24, v22;
	v33 =	vadd.f32 v35, v33  }
0xc5: {  	s20 =	sor.u32 s21, s24;
	s29 =	sor.u32 $0x7280, s31;
	v13 =	vunpack.i.l.bf16.f32 v13;
	v21 =	vadd.f32 v25, v21;
	v19 =	vadd.f32 v19, v30  }
0xc6: {  	s13 =	sor.u32 s21, s29;
	s26 =	sor.u32 $0x7380, s31;
	v23 =	vunpack.i.l.bf16.f32 v63;
	v24 =	vld [tilespmem:s20+$0x0];
	v22 =	vadd.f32 v26, v22;
	v20 =	vadd.f32 v20, v33  }
0xc7: {  	s25 =	sadd.s32 $0x7C00, s31;
	s16 =	sor.u32 s21, s26;
	v34 =	vunpack.i.u.bf16.f32 v63;
	v30 =	vld [tilespmem:s13+$0x0];
	v21 =	vadd.f32 v31, v21;
	v17 =	vadd.f32 v17, v19  }
0xc8: {  	s18 =	sor.u32 s21, s25;
	v35 =	vunpack.i.u.bf16.f32 v0;
	v22 =	vadd.f32 v61, v22;
	v19 =	vld [tilespmem:s16+$0x0];
	v18 =	vadd.f32 v18, v20  }
0xc9: {  	s2 =	sadd.s32 $0x7E00, s31;
	v33 =	vunpack.i.u.bf16.f32 v1;
	v20 =	vld [tilespmem:s18+$0x0];
	v21 =	vadd.f32 v28, v21;
	v16 =	vadd.f32 v16, v17  }
0xca: {  	s6 =	sadd.s32 $0x7D00, s31;
	s11 =	sor.u32 s21, s2;
	v22 =	vadd.f32 v29, v22;
	v17 =	vadd.f32 v23, v18;
	v18 =	vunpack.i.l.bf16.f32 v0  }
0xcb: {  	s4 =	sadd.s32 $0x7D80, s31;
	s3 =	sor.u32 s21, s6;
	v28 =	vunpack.i.l.bf16.f32 v24;
	v29 =	vld [tilespmem:s11+$0x0];
	v21 =	vadd.f32 v27, v21;
	v16 =	vadd.f32 v18, v16  }
0xcc: {  	s5 =	sor.u32 s21, s4;
	v26 =	vld [tilespmem:s3+$0x0];
	v22 =	vadd.f32 v34, v22;
	v25 =	vunpack.i.l.bf16.f32 v30;
	v18 =	vunpack.i.l.bf16.f32 v1  }
0xcd: {  	s1 =	sadd.s32 $0x7E80, s31;
	v24 =	vunpack.i.u.bf16.f32 v24;
	v17 =	vadd.f32 v25, v17;
	v25 =	vld [tilespmem:s5+$0x0];
	v16 =	vadd.f32 v18, v16  }
0xce: {  	s12 =	sadd.s32 $0x7F00, s31;
	s5 =	sor.u32 s21, s1;
	v21 =	vadd.f32 v35, v21;
	v31 =	vunpack.i.l.bf16.f32 v19;
	v18 =	vunpack.i.l.bf16.f32 v20  }
0xcf: {  	s23 =	sor.u32 s21, s12;
	s3 =	sadd.s32 $0x7F80, s31;
	v30 =	vunpack.i.u.bf16.f32 v30;
	v17 =	vadd.f32 v31, v17;
	v16 =	vadd.f32 v18, v16;
	v18 =	vld [tilespmem:s5+$0x0]  }
0xd0: {  	s20 =	sadd.s32 $0x8800, s31;
	s13 =	sor.u32 s21, s3;
	v23 =	vld [tilespmem:s23+$0x0];
	v22 =	vadd.f32 v30, v22;
	v30 =	vunpack.i.u.bf16.f32 v29;
	v29 =	vunpack.i.l.bf16.f32 v29  }
0xd1: {  	s7 =	sor.u32 s21, s20;
	s23 =	sadd.s32 $0x8880, s31;
	v27 =	vld [tilespmem:s13+$0x0];
	v19 =	vunpack.i.u.bf16.f32 v19;
	v17 =	vadd.f32 v28, v17;
	v28 =	vunpack.i.l.bf16.f32 v26  }
0xd2: {  	v2 =	vld [tilespmem:s7+$0x0];
	s10 =	sor.u32 s21, s23;
	v21 =	vadd.f32 v33, v21;
	v16 =	vadd.f32 v28, v16;
	v28 =	vunpack.i.l.bf16.f32 v25  }
0xd3: {  	v31 =	vld [tilespmem:s10+$0x0];
	v20 =	vunpack.i.u.bf16.f32 v20;
	v19 =	vadd.f32 v19, v22;
	v17 =	vadd.f32 v28, v17  }
0xd4: {  	v16 =	vadd.f32 v29, v16;
	v29 =	vunpack.i.u.bf16.f32 v18;
	v18 =	vunpack.i.l.bf16.f32 v18  }
0xd5: {  	v3 =	vunpack.i.u.bf16.f32 v23;
	v23 =	vunpack.i.l.bf16.f32 v23;
	v17 =	vadd.f32 v18, v17  }
0xd6: {  	v22 =	vunpack.i.l.bf16.f32 v27;
	v26 =	vunpack.i.u.bf16.f32 v26;
	v16 =	vadd.f32 v23, v16  }
0xd7: {  	v20 =	vadd.f32 v20, v21;
	v17 =	vadd.f32 v22, v17;
	v22 =	vunpack.i.l.bf16.f32 v2  }
0xd8: {  	v19 =	vadd.f32 v24, v19;
	s5 =	sadd.s32 $0x9400, s31;
	v21 =	vunpack.i.l.bf16.f32 v31;
	v16 =	vadd.f32 v22, v16  }
0xd9: {  	s13 =	sadd.s32 $0x9480, s31;
	s7 =	sor.u32 s21, s5;
	v25 =	vunpack.i.u.bf16.f32 v25;
	v20 =	vadd.f32 v26, v20;
	v17 =	vadd.f32 v21, v17  }
0xda: {  	v12 =	vunpack.i.l.bf16.f32 v12;
	s10 =	sor.u32 s21, s13;
	v19 =	vadd.f32 v25, v19;
	v21 =	vld [tilespmem:s7+$0x0];
	s7 =	sadd.s32 $0x9500, s31;
	v15 =	vadd.f32 v15, v16  }
0xdb: {  	v6 =	vunpack.i.l.bf16.f32 v6;
	s16 =	sadd.s32 $0x9580, s31;
	v22 =	vld [tilespmem:s10+$0x0];
	s15 =	sor.u32 s21, s7;
	v14 =	vadd.f32 v14, v17;
	v17 =	vadd.f32 v30, v20  }
0xdc: {  	s18 =	sor.u32 s21, s16;
	v28 =	vunpack.i.u.bf16.f32 v2;
	v19 =	vadd.f32 v29, v19;
	v16 =	vld [tilespmem:s15+$0x0];
	s15 =	sadd.s32 $0x9600, s31;
	v13 =	vadd.f32 v13, v15  }
0xdd: {  	v18 =	vunpack.i.u.bf16.f32 v27;
	s10 =	sadd.s32 $0x9680, s31;
	v20 =	vld [tilespmem:s18+$0x0];
	s11 =	sor.u32 s21, s15;
	v12 =	vadd.f32 v12, v14;
	v15 =	vadd.f32 v3, v17  }
0xde: {  	v36 =	vunpack.i.u.bf16.f32 v31;
	s18 =	sor.u32 s21, s10;
	v14 =	vld [tilespmem:s11+$0x0];
	v17 =	vadd.f32 v18, v19;
	s11 =	sadd.s32 $0x9700, s31;
	v8 =	vadd.f32 v8, v13  }
0xdf: {  	v18 =	vld [tilespmem:s18+$0x0];
	s31 =	sadd.s32 $0x9780, s31;
	s18 =	sor.u32 s21, s11;
	v6 =	vadd.f32 v6, v12;
	v12 =	vunpack.i.l.bf16.f32 v21;
	v15 =	vadd.f32 v28, v15  }
0xe0: {  	v19 =	vunpack.i.l.bf16.f32 v22;
	v13 =	vld [tilespmem:s18+$0x0];
	v17 =	vadd.f32 v36, v17;
	s18 =	sor.u32 s21, s31;
	v8 =	vadd.f32 v12, v8  }
0xe1: {  	v23 =	vld [tilespmem:s18+$0x0];
	v12 =	vunpack.i.l.bf16.f32 v16;
	v6 =	vadd.f32 v19, v6;
	v10 =	vadd.f32 v10, v15  }
0xe2: {  	v11 =	vadd.f32 v11, v17;
	v15 =	vunpack.i.l.bf16.f32 v20;
	v8 =	vadd.f32 v12, v8  }
0xe3: {  	s21 =	sor.u32 $0x10, s21;
	v12 =	vunpack.i.l.bf16.f32 v14;
	v6 =	vadd.f32 v15, v6;
	v7 =	vadd.f32 v7, v10  }
0xe4: {  	s18 =	sor.u32 s21, s0;
	v9 =	vadd.f32 v9, v11;
	v10 =	vunpack.i.l.bf16.f32 v18;
	v15 =	vunpack.i.u.bf16.f32 v21  }
0xe5: {  	s0 =	simm.s32 $0xDC00;
	v11 =	vld [tilespmem:s18+$0x0];
	v8 =	vadd.f32 v12, v8;
	v6 =	vadd.f32 v10, v6;
	v10 =	vunpack.i.l.bf16.f32 v13  }
0xe6: {  	v4 =	vadd.f32 v59, v7;
	v5 =	vadd.f32 v60, v9;
	v7 =	vunpack.i.l.bf16.f32 v23;
	v9 =	vld [tilespmem:s0+$0x0]  }
0xe7: {  	v13 =	vunpack.i.u.bf16.f32 v13;
	v8 =	vadd.f32 v10, v8;
	v6 =	vadd.f32 v7, v6  }
0xe8: {  	v17 =	vunpack.i.u.bf16.f32 v23;
	v10 =	vld [tilespmem:s18+$0x100];
	v4 =	vadd.f32 v15, v4;
	v7 =	vunpack.i.u.bf16.f32 v22  }
0xe9: {  	v12 =	vld [tilespmem:s18+$0x80];
	v5 =	vadd.f32 v7, v5;
	v7 =	vunpack.i.u.bf16.f32 v16;
	v6 =	vadd.f32 v6, v8  }
0xea: {  	v15 =	vld [tilespmem:s18+$0x180];
	v8 =	vunpack.i.u.bf16.f32 v11;
	v4 =	vadd.f32 v7, v4;
	v7 =	vunpack.i.u.bf16.f32 v20  }
0xeb: {  	v16 =	vld [tilespmem:s18+$0x200];
	v7 =	vadd.f32 v7, v5;
	v37 =	vadd.f32 v6, v9;
	v9 =	vunpack.i.u.bf16.f32 v14  }
0xec: {  	v11 =	vunpack.i.l.bf16.f32 v11;
	v14 =	vunpack.i.u.bf16.f32 v18;
	v4 =	vadd.f32 v9, v4  }
0xed: {  	v7 =	vadd.f32 v14, v7;
	v14 =	vunpack.i.u.bf16.f32 v10;
	v10 =	vunpack.i.l.bf16.f32 v10  }
0xee: {  	v6 =	vunpack.i.u.bf16.f32 v12;
	v9 =	vld [tilespmem:s18+$0x280];
	v10 =	vadd.f32 v10, v11;
	v8 =	vadd.f32 v14, v8  }
0xef: {  	s22 =	sor.u32 s21, s22;
	v18 =	vld [tilespmem:s18+$0x300];
	v11 =	vunpack.i.l.bf16.f32 v15;
	v14 =	vunpack.i.u.bf16.f32 v15;
	v4 =	vadd.f32 v13, v4  }
0xf0: {  	v15 =	vld [tilespmem:s22+$0x0];
	v7 =	vadd.f32 v17, v7;
	v6 =	vadd.f32 v14, v6;
	v14 =	vunpack.i.l.bf16.f32 v16  }
0xf1: {  	v12 =	vunpack.i.l.bf16.f32 v12;
	s22 =	sor.u32 s21, s30;
	v13 =	vld [tilespmem:s18+$0x380];
	v10 =	vadd.f32 v14, v10  }
0xf2: {  	s9 =	sor.u32 s21, s9;
	v17 =	vld [tilespmem:s22+$0x0];
	v4 =	vadd.f32 v7, v4;
	v7 =	vadd.f32 v11, v12  }
0xf3: {  	s22 =	sor.u32 s21, s12;
	s12 =	sor.u32 s21, s13;
	v11 =	vld [tilespmem:s9+$0x0];
	v12 =	vunpack.i.u.bf16.f32 v16;
	v16 =	vunpack.i.u.bf16.f32 v9;
	v9 =	vunpack.i.l.bf16.f32 v9  }
0xf4: {  	s18 =	sor.u32 s21, s14;
	v19 =	vld [tilespmem:s12+$0x0];
	v8 =	vadd.f32 v12, v8;
	v12 =	vunpack.i.l.bf16.f32 v18;
	v7 =	vadd.f32 v9, v7  }
0xf5: {  	v14 =	vld [tilespmem:s18+$0x0];
	v9 =	vunpack.i.u.bf16.f32 v18;
	v6 =	vadd.f32 v16, v6;
	v10 =	vadd.f32 v12, v10  }
0xf6: {  	v16 =	vunpack.i.u.bf16.f32 v13;
	v8 =	vadd.f32 v9, v8;
	v9 =	vunpack.i.l.bf16.f32 v13  }
0xf7: {  	s28 =	sor.u32 s21, s28;
	v7 =	vadd.f32 v9, v7;
	v6 =	vadd.f32 v16, v6;
	v16 =	vunpack.i.u.bf16.f32 v15  }
0xf8: {  	s29 =	sor.u32 s21, s29;
	v12 =	vld [tilespmem:s28+$0x0];
	v15 =	vunpack.i.l.bf16.f32 v15;
	v9 =	vunpack.i.u.bf16.f32 v11;
	v11 =	vunpack.i.l.bf16.f32 v11  }
0xf9: {  	v13 =	vld [tilespmem:s29+$0x0];
	v20 =	vunpack.i.u.bf16.f32 v19;
	v19 =	vunpack.i.l.bf16.f32 v19;
	v10 =	vadd.f32 v11, v10  }
0xfa: {  	s8 =	sor.u32 s21, s8;
	v8 =	vadd.f32 v9, v8;
	v9 =	vunpack.i.u.bf16.f32 v14;
	v7 =	vadd.f32 v15, v7  }
0xfb: {  	s9 =	sor.u32 s21, s26;
	v11 =	vld [tilespmem:s8+$0x0];
	v6 =	vadd.f32 v16, v6;
	v14 =	vunpack.i.l.bf16.f32 v14;
	v16 =	vunpack.i.l.bf16.f32 v17  }
0xfc: {  	s14 =	sor.u32 s21, s25;
	v15 =	vld [tilespmem:s9+$0x0];
	v10 =	vadd.f32 v14, v10;
	v14 =	vunpack.i.u.bf16.f32 v17;
	v8 =	vadd.f32 v9, v8  }
0xfd: {  	v17 =	vld [tilespmem:s14+$0x0];
	v7 =	vadd.f32 v16, v7;
	v9 =	vunpack.i.u.bf16.f32 v12;
	v12 =	vunpack.i.l.bf16.f32 v12  }
0xfe: {  	s18 =	sor.u32 s21, s24;
	v6 =	vadd.f32 v14, v6;
	v8 =	vadd.f32 v9, v8;
	v9 =	vunpack.i.l.bf16.f32 v13  }
0xff: {  	s6 =	sor.u32 s21, s6;
	v16 =	vld [tilespmem:s18+$0x0];
	v14 =	vunpack.i.u.bf16.f32 v13;
	v10 =	vadd.f32 v12, v10;
	v7 =	vadd.f32 v9, v7  }
0x100: {  	s4 =	sor.u32 s21, s4;
	v12 =	vld [tilespmem:s6+$0x0];
	v6 =	vadd.f32 v14, v6;
	v9 =	vunpack.i.u.bf16.f32 v11;
	v11 =	vunpack.i.l.bf16.f32 v11  }
0x101: {  	v13 =	vld [tilespmem:s4+$0x0];
	v14 =	vunpack.i.u.bf16.f32 v15;
	v15 =	vunpack.i.l.bf16.f32 v15;
	v10 =	vadd.f32 v11, v10  }
0x102: {  	s2 =	sor.u32 s21, s2;
	v8 =	vadd.f32 v9, v8;
	v6 =	vadd.f32 v14, v6;
	v14 =	vunpack.i.l.bf16.f32 v17  }
0x103: {  	s1 =	sor.u32 s21, s1;
	v11 =	vld [tilespmem:s2+$0x0];
	v9 =	vunpack.i.u.bf16.f32 v17;
	v7 =	vadd.f32 v15, v7;
	v10 =	vadd.f32 v14, v10  }
0x104: {  	v15 =	vld [tilespmem:s1+$0x0];
	v14 =	vunpack.i.u.bf16.f32 v16;
	v16 =	vunpack.i.l.bf16.f32 v16;
	v8 =	vadd.f32 v9, v8  }
0x105: {  	v17 =	vld [tilespmem:s22+$0x0];
	v7 =	vadd.f32 v16, v7;
	v9 =	vunpack.i.u.bf16.f32 v12;
	v6 =	vadd.f32 v14, v6  }
0x106: {  	s24 =	sor.u32 s21, s3;
	v12 =	vunpack.i.l.bf16.f32 v12;
	v8 =	vadd.f32 v9, v8;
	v9 =	vunpack.i.l.bf16.f32 v13  }
0x107: {  	s25 =	sor.u32 s21, s20;
	v14 =	vunpack.i.u.bf16.f32 v13;
	v16 =	vld [tilespmem:s24+$0x0];
	v10 =	vadd.f32 v12, v10;
	v7 =	vadd.f32 v9, v7  }
0x108: {  	s26 =	sor.u32 s21, s23;
	v12 =	vld [tilespmem:s25+$0x0];
	v6 =	vadd.f32 v14, v6;
	v9 =	vunpack.i.u.bf16.f32 v11;
	v11 =	vunpack.i.l.bf16.f32 v11  }
0x109: {  	s3 =	sld [smem:$0x7F5];
	v13 =	vld [tilespmem:s26+$0x0];
	v14 =	vunpack.i.u.bf16.f32 v15;
	v15 =	vunpack.i.l.bf16.f32 v15;
	v10 =	vadd.f32 v11, v10  }
0x10a: {  	s28 =	sor.u32 s21, s17;
	v8 =	vadd.f32 v9, v8;
	v6 =	vadd.f32 v14, v6;
	v14 =	vunpack.i.l.bf16.f32 v17  }
0x10b: {  	s29 =	sor.u32 s21, s19;
	s4 =	sld [smem:$0x7F6];
	v9 =	vunpack.i.u.bf16.f32 v17;
	v11 =	vld [tilespmem:s28+$0x0];
	v7 =	vadd.f32 v15, v7;
	v10 =	vadd.f32 v14, v10  }
0x10c: {  	s6 =	sld [smem:$0x7F7];
	s1 =	sor.u32 s21, s3;
	v15 =	vld [tilespmem:s29+$0x0];
	v14 =	vunpack.i.u.bf16.f32 v16;
	v16 =	vunpack.i.l.bf16.f32 v16;
	v8 =	vadd.f32 v9, v8  }
0x10d: {  	s15 =	sor.u32 s21, s15;
	v17 =	vld [tilespmem:s1+$0x0];
	v7 =	vadd.f32 v16, v7;
	v9 =	vunpack.i.u.bf16.f32 v12;
	v6 =	vadd.f32 v14, v6  }
0x10e: {  	v38 =	vld [tilespmem:s15+$0x0];
	s2 =	sor.u32 s21, s4;
	v12 =	vunpack.i.l.bf16.f32 v12;
	v8 =	vadd.f32 v9, v8;
	v9 =	vunpack.i.l.bf16.f32 v13  }
0x10f: {  	s8 =	rddreg [dreg:$0x1e];
	s1 =	sor.u32 s21, s6;
	v16 =	vld [tilespmem:s2+$0x0];
	v14 =	vunpack.i.u.bf16.f32 v13;
	v10 =	vadd.f32 v12, v10;
	v7 =	vadd.f32 v9, v7  }
0x110: {  	v18 =	vld [tilespmem:s1+$0x0];
	s2 =	sor.u32 s21, s8;
	v6 =	vadd.f32 v14, v6;
	v9 =	vunpack.i.u.bf16.f32 v11;
	v11 =	vunpack.i.l.bf16.f32 v11  }
0x111: {  	s9 =	sor.u32 s21, s5;
	v12 =	vld [tilespmem:s2+$0x0];
	v14 =	vunpack.i.u.bf16.f32 v15;
	v15 =	vunpack.i.l.bf16.f32 v15;
	v10 =	vadd.f32 v11, v10  }
0x112: {  	s13 =	sor.u32 s21, s7;
	v13 =	vld [tilespmem:s9+$0x0];
	v8 =	vadd.f32 v9, v8;
	v6 =	vadd.f32 v14, v6;
	v14 =	vunpack.i.l.bf16.f32 v17  }
0x113: {  	s14 =	sor.u32 s21, s16;
	v9 =	vunpack.i.u.bf16.f32 v17;
	v11 =	vld [tilespmem:s13+$0x0];
	v7 =	vadd.f32 v15, v7;
	v10 =	vadd.f32 v14, v10  }
0x114: {  	s16 =	simm.s32 $0xDD80;
	s18 =	simm.s32 $0x100;
	[tilespmem:s0+$0x0] =	vst v37;
	v15 =	vld [tilespmem:s14+$0x0];
	v14 =	vunpack.i.u.bf16.f32 v16;
	v16 =	vunpack.i.l.bf16.f32 v16;
	v8 =	vadd.f32 v9, v8  }
0x115: {  	s17 =	sor.u32 s21, s10;
	s1 =	sand.u32 $0xC00, s18;
	v9 =	vunpack.i.u.bf16.f32 v18;
	v7 =	vadd.f32 v16, v7;
	v16 =	vld [tilespmem:s16+$0x0];
	v6 =	vadd.f32 v14, v6  }
0x116: {  	s20 =	sor.u32 s21, s31;
	s19 =	sor.u32 s21, s11;
	s22 =	sadd.s32 $0x8B00, s1;
	v14 =	vunpack.i.l.bf16.f32 v18;
	v18 =	vld [tilespmem:s17+$0x0];
	v8 =	vadd.f32 v9, v8;
	v9 =	vunpack.i.l.bf16.f32 v12  }
0x117: {  	s24 =	sadd.s32 $0x8B80, s1;
	v17 =	vunpack.i.u.bf16.f32 v12;
	s17 =	simm.s32 $0x20;
	v10 =	vadd.f32 v14, v10;
	v12 =	vld [tilespmem:s19+$0x0];
	[smem:$0x7FC] =	sst s22;
	v9 =	vadd.f32 v9, v7  }
0x118: {  	s25 =	sadd.s32 $0x8A00, s1;
	s2 =	sand.u32 $0x60, s17;
	v14 =	vadd.f32 v17, v6;
	v7 =	vunpack.i.u.bf16.f32 v13;
	v17 =	vld [tilespmem:s20+$0x0];
	[smem:$0x7FD] =	sst s24;
	v13 =	vunpack.i.l.bf16.f32 v13  }
0x119: {  	s23 =	sor.u32 s2, s22;
	[smem:$0x7FB] =	sst s25;
	v10 =	vadd.f32 v13, v10;
	v8 =	vadd.f32 v7, v8;
	v13 =	vunpack.i.u.bf16.f32 v11  }
0x11a: {  	s29 =	sadd.s32 $0x8900, s1;
	s31 =	sadd.s32 $0x8980, s1;
	s26 =	sor.u32 s2, s24;
	v6 =	vld [tilespmem:s23+$0x0];
	v11 =	vunpack.i.l.bf16.f32 v11;
	v19 =	vadd.f32 v19, v9;
	v20 =	vadd.f32 v20, v14  }
0x11b: {  	s28 =	sor.u32 s2, s25;
	s20 =	sadd.s32 $0x6400, s1;
	v7 =	vld [tilespmem:s26+$0x0];
	[smem:$0x7F9] =	sst s29;
	v10 =	vadd.f32 v11, v10;
	v11 =	vunpack.i.u.bf16.f32 v15;
	v15 =	vunpack.i.l.bf16.f32 v15  }
0x11c: {  	v5 =	vunpack.i.l.bf16.f32 v38;
	s4 =	sor.u32 s2, s20;
	v9 =	vld [tilespmem:s28+$0x0];
	[smem:$0x7FA] =	sst s31;
	v8 =	vadd.f32 v13, v8;
	v15 =	vadd.f32 v15, v19  }
0x11d: {  	v22 =	vld [tilespmem:s4+$0x180];
	v19 =	vunpack.i.u.bf16.f32 v38;
	v11 =	vadd.f32 v11, v20;
	v20 =	vunpack.i.u.bf16.f32 v18  }
0x11e: {  	v23 =	vld [tilespmem:s4+$0x300];
	v5 =	vadd.f32 v5, v10;
	v8 =	vadd.f32 v19, v8;
	v10 =	vunpack.i.l.bf16.f32 v18  }
0x11f: {  	v24 =	vld [tilespmem:s4+$0x380];
	v10 =	vadd.f32 v10, v15;
	v11 =	vadd.f32 v20, v11  }
0x120: {  	v21 =	vld [tilespmem:s4+$0x100];
	v15 =	vunpack.i.u.bf16.f32 v12;
	v12 =	vunpack.i.l.bf16.f32 v12;
	v20 =	vunpack.i.u.bf16.f32 v17  }
0x121: {  	v18 =	vld [tilespmem:s4+$0x0];
	v17 =	vunpack.i.l.bf16.f32 v17;
	v5 =	vadd.f32 v12, v5;
	v12 =	vadd.f32 v15, v8  }
0x122: {  	s0 =	sor.u32 s2, s29;
	v19 =	vld [tilespmem:s4+$0x80];
	v8 =	vadd.f32 v16, v4;
	v10 =	vadd.f32 v17, v10  }
0x123: {  	s3 =	sor.u32 s2, s31;
	v14 =	vld [tilespmem:s0+$0x0];
	v11 =	vadd.f32 v20, v11;
	v16 =	vunpack.i.l.bf16.f32 v22;
	v31 =	vunpack.i.l.bf16.f32 v23  }
0x124: {  	v13 =	vld [tilespmem:s3+$0x0];
	v40 =	vunpack.i.l.bf16.f32 v24;
	v22 =	vunpack.i.u.bf16.f32 v22;
	v23 =	vunpack.i.u.bf16.f32 v23  }
0x125: {  	s6 =	sadd.s32 $0x7C00, s1;
	s22 =	sor.u32 $0x7000, s1;
	v17 =	vld [tilespmem:s4+$0x200];
	v24 =	vunpack.i.u.bf16.f32 v24;
	v44 =	vadd.f32 v10, v5;
	v43 =	vadd.f32 v11, v12  }
0x126: {  	s18 =	sor.u32 $0x7080, s1;
	s5 =	sor.u32 s2, s22;
	v20 =	vld [tilespmem:s4+$0x280];
	[smem:$0x7F8] =	sst s6;
	v10 =	vunpack.i.u.bf16.f32 v9;
	v11 =	vunpack.i.l.bf16.f32 v18;
	v12 =	vunpack.i.l.bf16.f32 v21  }
0x127: {  	s19 =	sor.u32 $0x7100, s1;
	s7 =	sor.u32 s2, s18;
	v25 =	vld [tilespmem:s5+$0x0];
	v15 =	vunpack.i.l.bf16.f32 v19;
	v18 =	vunpack.i.u.bf16.f32 v18;
	v19 =	vunpack.i.u.bf16.f32 v19  }
0x128: {  	s9 =	sor.u32 s2, s19;
	v27 =	vld [tilespmem:s7+$0x0];
	v21 =	vunpack.i.u.bf16.f32 v21;
	v9 =	vunpack.i.l.bf16.f32 v9;
	v26 =	vadd.f32 v12, v11  }
0x129: {  	s8 =	sor.u32 s2, s6;
	s28 =	sor.u32 $0x7200, s1;
	v30 =	vld [tilespmem:s9+$0x0];
	v11 =	vunpack.i.u.bf16.f32 v6;
	v16 =	vadd.f32 v16, v15;
	v12 =	vunpack.i.u.bf16.f32 v7  }
0x12a: {  	s13 =	sor.u32 s2, s28;
	v28 =	vld [tilespmem:s8+$0x0];
	v18 =	vadd.f32 v21, v18;
	v19 =	vadd.f32 v22, v19;
	v6 =	vunpack.i.l.bf16.f32 v6  }
0x12b: {  	v42 =	vld [tilespmem:s13+$0x0];
	v7 =	vunpack.i.l.bf16.f32 v7;
	v15 =	vunpack.i.l.bf16.f32 v17;
	v29 =	vunpack.i.l.bf16.f32 v20  }
0x12c: {  	s11 =	sor.u32 $0x7180, s1;
	v17 =	vunpack.i.u.bf16.f32 v17;
	v20 =	vunpack.i.u.bf16.f32 v20;
	v26 =	vadd.f32 v15, v26  }
0x12d: {  	s10 =	sor.u32 s2, s11;
	v15 =	vunpack.i.u.bf16.f32 v14;
	v29 =	vadd.f32 v29, v16;
	v16 =	vunpack.i.u.bf16.f32 v13  }
0x12e: {  	s30 =	sor.u32 $0x7280, s1;
	v39 =	vld [tilespmem:s10+$0x0];
	v41 =	vunpack.i.l.bf16.f32 v25;
	v45 =	vunpack.i.l.bf16.f32 v27;
	v21 =	vunpack.i.l.bf16.f32 v30  }
0x12f: {  	s14 =	sor.u32 s2, s30;
	s23 =	sor.u32 $0x7300, s1;
	v22 =	vunpack.i.u.bf16.f32 v28;
	v17 =	vadd.f32 v17, v18;
	v26 =	vadd.f32 v31, v26  }
0x130: {  	s15 =	sor.u32 $0x7380, s1;
	s12 =	sor.u32 s2, s23;
	v46 =	vld [tilespmem:s14+$0x0];
	v18 =	vunpack.i.l.bf16.f32 v42;
	v19 =	vadd.f32 v20, v19;
	v29 =	vadd.f32 v40, v29  }
0x131: {  	s16 =	sor.u32 s2, s15;
	v25 =	vunpack.i.u.bf16.f32 v25;
	v30 =	vunpack.i.u.bf16.f32 v30;
	v31 =	vld [tilespmem:s12+$0x0];
	v26 =	vadd.f32 v41, v26  }
0x132: {  	v47 =	vld [tilespmem:s16+$0x0];
	s7 =	sadd.s32 $0x7D00, s1;
	v27 =	vunpack.i.u.bf16.f32 v27;
	v34 =	vunpack.i.u.bf16.f32 v42;
	v29 =	vadd.f32 v45, v29  }
0x133: {  	s29 =	sadd.s32 $0x7C80, s1;
	s25 =	sor.u32 s2, s7;
	v19 =	vadd.f32 v24, v19;
	v21 =	vadd.f32 v21, v26;
	v26 =	vunpack.i.l.bf16.f32 v39  }
0x134: {  	s24 =	sor.u32 s2, s29;
	s6 =	sadd.s32 $0x7F00, s1;
	v28 =	vunpack.i.l.bf16.f32 v28;
	v17 =	vadd.f32 v23, v17;
	v23 =	vld [tilespmem:s25+$0x0];
	v26 =	vadd.f32 v26, v29  }
0x135: {  	s10 =	sadd.s32 $0x7D80, s1;
	s4 =	sor.u32 s2, s6;
	v19 =	vadd.f32 v27, v19;
	v29 =	vld [tilespmem:s24+$0x0];
	v18 =	vadd.f32 v18, v21;
	v21 =	vunpack.i.l.bf16.f32 v46  }
0x136: {  	s8 =	sadd.s32 $0x7E00, s1;
	s26 =	sor.u32 s2, s10;
	v27 =	vld [tilespmem:s4+$0x0];
	v20 =	vunpack.i.u.bf16.f32 v31;
	v31 =	vunpack.i.l.bf16.f32 v31;
	v21 =	vadd.f32 v21, v26  }
0x137: {  	s5 =	sadd.s32 $0x7E80, s1;
	s31 =	sor.u32 s2, s8;
	v24 =	vunpack.i.l.bf16.f32 v47;
	v17 =	vadd.f32 v25, v17;
	v18 =	vadd.f32 v31, v18;
	v31 =	vld [tilespmem:s26+$0x0]  }
0x138: {  	s3 =	sor.u32 s2, s5;
	v32 =	vunpack.i.u.bf16.f32 v39;
	v33 =	vunpack.i.u.bf16.f32 v46;
	s4 =	sadd.s32 $0x8800, s1;
	v21 =	vadd.f32 v24, v21;
	v24 =	vld [tilespmem:s31+$0x0]  }
0x139: {  	v14 =	vunpack.i.l.bf16.f32 v14;
	v25 =	vld [tilespmem:s3+$0x0];
	s3 =	sadd.s32 $0x7F80, s1;
	s12 =	sor.u32 s2, s4;
	v17 =	vadd.f32 v30, v17;
	v19 =	vadd.f32 v32, v19  }
0x13a: {  	s9 =	sor.u32 s2, s3;
	v30 =	vld [tilespmem:s12+$0x0];
	s12 =	sadd.s32 $0x9400, s1;
	v48 =	vunpack.i.u.bf16.f32 v29;
	v29 =	vunpack.i.l.bf16.f32 v29;
	v18 =	vadd.f32 v28, v18  }
0x13b: {  	s0 =	sadd.s32 $0x8880, s1;
	s16 =	sor.u32 s2, s12;
	v17 =	vadd.f32 v34, v17;
	v28 =	vld [tilespmem:s9+$0x0];
	v21 =	vadd.f32 v29, v21;
	v29 =	vunpack.i.l.bf16.f32 v23  }
0x13c: {  	s13 =	sor.u32 s2, s0;
	v19 =	vadd.f32 v33, v19;
	v54 =	vld [tilespmem:s16+$0x0];
	s16 =	sadd.s32 $0x9500, s1;
	v18 =	vadd.f32 v29, v18;
	v49 =	vunpack.i.l.bf16.f32 v31  }
0x13d: {  	v26 =	vunpack.i.u.bf16.f32 v47;
	s25 =	sor.u32 s2, s16;
	v29 =	vld [tilespmem:s13+$0x0];
	s13 =	sadd.s32 $0x9480, s1;
	v21 =	vadd.f32 v49, v21;
	v50 =	vunpack.i.l.bf16.f32 v24  }
0x13e: {  	v51 =	vunpack.i.l.bf16.f32 v25;
	v17 =	vadd.f32 v20, v17;
	v55 =	vld [tilespmem:s25+$0x0];
	s31 =	sadd.s32 $0x8A80, s1;
	s24 =	sor.u32 s2, s13;
	v18 =	vadd.f32 v50, v18  }
0x13f: {  	v53 =	vunpack.i.l.bf16.f32 v27;
	v19 =	vadd.f32 v26, v19;
	s14 =	sor.u32 s2, s31;
	v26 =	vld [tilespmem:s24+$0x0];
	s24 =	sadd.s32 $0x9580, s1;
	v21 =	vadd.f32 v51, v21  }
0x140: {  	v13 =	vunpack.i.l.bf16.f32 v13;
	s25 =	sadd.s32 $0x9600, s1;
	v52 =	vld [tilespmem:s14+$0x0];
	v20 =	vunpack.i.l.bf16.f32 v28;
	s26 =	sor.u32 s2, s24;
	v18 =	vadd.f32 v53, v18  }
0x141: {  	v17 =	vadd.f32 v22, v17;
	s14 =	sor.u32 s2, s25;
	v56 =	vld [tilespmem:s26+$0x0];
	s26 =	sadd.s32 $0x9680, s1;
	v20 =	vadd.f32 v20, v21;
	v21 =	vunpack.i.l.bf16.f32 v30  }
0x142: {  	v19 =	vadd.f32 v48, v19;
	v23 =	vunpack.i.u.bf16.f32 v23;
	s9 =	sor.u32 s2, s26;
	v18 =	vadd.f32 v21, v18;
	v21 =	vld [tilespmem:s14+$0x0];
	s14 =	sadd.s32 $0x9700, s1  }
0x143: {  	v17 =	vadd.f32 v23, v17;
	v31 =	vunpack.i.u.bf16.f32 v31;
	v22 =	vunpack.i.l.bf16.f32 v29;
	v23 =	vld [tilespmem:s9+$0x0];
	s1 =	sadd.s32 $0x9780, s1;
	s9 =	sor.u32 s2, s14  }
0x144: {  	v19 =	vadd.f32 v31, v19;
	v24 =	vunpack.i.u.bf16.f32 v24;
	v20 =	vadd.f32 v22, v20;
	v31 =	vld [tilespmem:s9+$0x0];
	s9 =	sor.u32 $0x10, s2;
	s2 =	sor.u32 s2, s1  }
0x145: {  	v27 =	vunpack.i.u.bf16.f32 v27;
	v17 =	vadd.f32 v24, v17;
	v14 =	vadd.f32 v14, v18;
	v18 =	vld [tilespmem:s2+$0x0];
	s20 =	sor.u32 s9, s20  }
0x146: {  	v25 =	vunpack.i.u.bf16.f32 v25;
	v28 =	vunpack.i.u.bf16.f32 v28;
	v13 =	vadd.f32 v13, v20;
	v20 =	vld [tilespmem:s20+$0x0]  }
0x147: {  	v19 =	vadd.f32 v25, v19;
	v25 =	vunpack.i.l.bf16.f32 v52;
	v17 =	vadd.f32 v27, v17;
	v24 =	vld [tilespmem:s20+$0x80]  }
0x148: {  	v29 =	vunpack.i.u.bf16.f32 v29;
	v57 =	vld [tilespmem:s20+$0x100];
	v9 =	vadd.f32 v9, v14;
	v13 =	vadd.f32 v25, v13  }
0x149: {  	v30 =	vunpack.i.u.bf16.f32 v30;
	v19 =	vadd.f32 v28, v19;
	v22 =	vunpack.i.u.bf16.f32 v52;
	v14 =	vld [tilespmem:s20+$0x180]  }
0x14a: {  	v27 =	vld [tilespmem:s20+$0x280];
	v6 =	vadd.f32 v6, v9;
	v9 =	vunpack.i.l.bf16.f32 v54;
	v7 =	vadd.f32 v7, v13  }
0x14b: {  	v28 =	vld [tilespmem:s20+$0x300];
	v13 =	vadd.f32 v30, v17;
	v17 =	vadd.f32 v29, v19;
	v19 =	vunpack.i.l.bf16.f32 v26  }
0x14c: {  	v25 =	vld [tilespmem:s20+$0x200];
	v6 =	vadd.f32 v9, v6;
	v9 =	vunpack.i.l.bf16.f32 v55;
	v7 =	vadd.f32 v19, v7  }
0x14d: {  	s22 =	sor.u32 s9, s22;
	v19 =	vld [tilespmem:s20+$0x380];
	v13 =	vadd.f32 v15, v13;
	v15 =	vadd.f32 v16, v17;
	v16 =	vunpack.i.l.bf16.f32 v56  }
0x14e: {  	v17 =	vld [tilespmem:s22+$0x0];
	s20 =	sor.u32 s9, s18;
	v6 =	vadd.f32 v9, v6;
	v9 =	vunpack.i.l.bf16.f32 v21;
	v7 =	vadd.f32 v16, v7  }
0x14f: {  	s22 =	sor.u32 s9, s19;
	v16 =	vld [tilespmem:s20+$0x0];
	v10 =	vadd.f32 v10, v13;
	v13 =	vadd.f32 v22, v15;
	v15 =	vunpack.i.l.bf16.f32 v23  }
0x150: {  	v29 =	vunpack.i.u.bf16.f32 v54;
	v22 =	vld [tilespmem:s22+$0x0];
	s20 =	sor.u32 s9, s28;
	s28 =	sor.u32 s9, s15;
	v6 =	vadd.f32 v9, v6;
	v7 =	vadd.f32 v15, v7  }
0x151: {  	s19 =	simm.s32 $0xDC20;
	v9 =	vunpack.i.l.bf16.f32 v31;
	v59 =	vld [tilespmem:s28+$0x0];
	v10 =	vadd.f32 v11, v10;
	v11 =	vadd.f32 v12, v13  }
0x152: {  	s18 =	sor.u32 s9, s11;
	s11 =	sld [smem:$0x7F8];
	s28 =	sor.u32 s9, s5;
	v12 =	vunpack.i.l.bf16.f32 v18;
	v13 =	vld [tilespmem:s19+$0x0];
	v18 =	vunpack.i.u.bf16.f32 v18;
	v6 =	vadd.f32 v9, v6  }
0x153: {  	s22 =	sor.u32 s9, s30;
	v38 =	vld [tilespmem:s28+$0x0];
	v7 =	vadd.f32 v12, v7;
	v9 =	vadd.f32 v29, v10;
	v10 =	vunpack.i.u.bf16.f32 v26  }
0x154: {  	v58 =	vld [tilespmem:s22+$0x0];
	v26 =	vunpack.i.u.bf16.f32 v20;
	v10 =	vadd.f32 v10, v11;
	v11 =	vunpack.i.u.bf16.f32 v55  }
0x155: {  	s2 =	sor.u32 s9, s11;
	v15 =	vld [tilespmem:s18+$0x0];
	v6 =	vadd.f32 v7, v6;
	v9 =	vadd.f32 v11, v9;
	v11 =	vunpack.i.u.bf16.f32 v56  }
0x156: {  	s22 =	sor.u32 s9, s10;
	v60 =	vld [tilespmem:s2+$0x0];
	v20 =	vunpack.i.l.bf16.f32 v20;
	v29 =	vunpack.i.l.bf16.f32 v57;
	v10 =	vadd.f32 v11, v10  }
0x157: {  	s18 =	sor.u32 s9, s7;
	v36 =	vld [tilespmem:s22+$0x0];
	v11 =	vunpack.i.u.bf16.f32 v24;
	v6 =	vadd.f32 v6, v13;
	v13 =	vunpack.i.u.bf16.f32 v21  }
0x158: {  	v61 =	vld [tilespmem:s18+$0x0];
	v32 =	vunpack.i.u.bf16.f32 v38;
	v21 =	vunpack.i.u.bf16.f32 v23;
	v9 =	vadd.f32 v13, v9  }
0x159: {  	s23 =	sor.u32 s9, s23;
	v12 =	vld [tilespmem:s20+$0x0];
	v34 =	vunpack.i.l.bf16.f32 v38;
	v10 =	vadd.f32 v21, v10;
	v13 =	vunpack.i.u.bf16.f32 v31  }
0x15a: {  	s20 =	simm.s32 $0xDDA0;
	v7 =	vld [tilespmem:s23+$0x0];
	v23 =	vunpack.i.l.bf16.f32 v24;
	[tilespmem:s19+$0x0] =	vst v6;
	v6 =	vunpack.i.u.bf16.f32 v57;
	v9 =	vadd.f32 v13, v9  }
0x15b: {  	s23 =	sor.u32 s9, s8;
	v21 =	vld [tilespmem:s20+$0x0];
	v10 =	vadd.f32 v18, v10;
	v13 =	vunpack.i.u.bf16.f32 v14;
	v18 =	vadd.f32 v29, v20  }
0x15c: {  	s15 =	sor.u32 s9, s29;
	v37 =	vld [tilespmem:s23+$0x0];
	v6 =	vadd.f32 v6, v26;
	v14 =	vunpack.i.l.bf16.f32 v14;
	v11 =	vadd.f32 v13, v11  }
0x15d: {  	s29 =	sor.u32 s9, s6;
	v24 =	vld [tilespmem:s15+$0x0];
	v20 =	vunpack.i.u.bf16.f32 v25;
	v9 =	vadd.f32 v10, v9;
	v10 =	vadd.f32 v14, v23  }
0x15e: {  	s3 =	sor.u32 s9, s3;
	v13 =	vld [tilespmem:s29+$0x0];
	v14 =	vunpack.i.l.bf16.f32 v25;
	v23 =	vunpack.i.u.bf16.f32 v27;
	v6 =	vadd.f32 v20, v6  }
0x15f: {  	s8 =	sor.u32 s9, s31;
	v63 =	vunpack.i.u.bf16.f32 v61;
	v18 =	vadd.f32 v14, v18;
	v14 =	vld [tilespmem:s3+$0x0];
	v11 =	vadd.f32 v23, v11  }
0x160: {  	s18 =	sor.u32 s9, s13;
	s5 =	sld [smem:$0x7F9];
	v23 =	vunpack.i.l.bf16.f32 v28;
	v39 =	vadd.f32 v21, v9;
	v21 =	vunpack.i.u.bf16.f32 v28;
	v28 =	vld [tilespmem:s8+$0x0]  }
0x161: {  	s4 =	sor.u32 s9, s4;
	s6 =	sld [smem:$0x7FA];
	v25 =	vunpack.i.u.bf16.f32 v19;
	v9 =	vunpack.i.l.bf16.f32 v27;
	v18 =	vadd.f32 v23, v18;
	v23 =	vld [tilespmem:s18+$0x0]  }
0x162: {  	s0 =	sor.u32 s9, s0;
	s7 =	sld [smem:$0x7FB];
	v19 =	vunpack.i.l.bf16.f32 v19;
	v11 =	vadd.f32 v25, v11;
	v20 =	vadd.f32 v9, v10;
	v10 =	vld [tilespmem:s4+$0x0]  }
0x163: {  	v9 =	vld [tilespmem:s0+$0x0];
	s0 =	sor.u32 s9, s5;
	v6 =	vadd.f32 v21, v6;
	v21 =	vunpack.i.u.bf16.f32 v16;
	v16 =	vunpack.i.l.bf16.f32 v16  }
0x164: {  	s10 =	sld [smem:$0x7FC];
	v30 =	vld [tilespmem:s0+$0x0];
	s0 =	sor.u32 s9, s6;
	v19 =	vadd.f32 v19, v20;
	v20 =	vunpack.i.u.bf16.f32 v17;
	v17 =	vunpack.i.l.bf16.f32 v17  }
0x165: {  	v11 =	vadd.f32 v21, v11;
	v21 =	vunpack.i.u.bf16.f32 v60;
	v31 =	vld [tilespmem:s0+$0x0];
	s0 =	sor.u32 s9, s7;
	v17 =	vadd.f32 v17, v18  }
0x166: {  	s22 =	sor.u32 s9, s16;
	s11 =	sld [smem:$0x7FD];
	v29 =	vld [tilespmem:s0+$0x0];
	v6 =	vadd.f32 v20, v6;
	v16 =	vadd.f32 v16, v19;
	v19 =	vunpack.i.l.bf16.f32 v22  }
0x167: {  	v18 =	vunpack.i.u.bf16.f32 v22;
	s0 =	sor.u32 s9, s10;
	v20 =	vld [tilespmem:s22+$0x0];
	v17 =	vadd.f32 v19, v17;
	v19 =	vunpack.i.u.bf16.f32 v15  }
0x168: {  	s23 =	sor.u32 s9, s24;
	s15 =	sor.u32 s9, s12;
	v27 =	vld [tilespmem:s0+$0x0];
	v15 =	vunpack.i.l.bf16.f32 v15;
	v6 =	vadd.f32 v18, v6;
	v18 =	vunpack.i.u.bf16.f32 v58  }
0x169: {  	s24 =	sor.u32 s9, s25;
	s25 =	simm.s32 $0x0;
	s0 =	sor.u32 s9, s11;
	v22 =	vld [tilespmem:s15+$0x0];
	v15 =	vadd.f32 v15, v16;
	v16 =	vunpack.i.u.bf16.f32 v12;
	v11 =	vadd.f32 v19, v11  }
0x16a: {  	v25 =	vld [tilespmem:s0+$0x0];
	s0 =	sand.u32 $0x180, s25;
	v12 =	vunpack.i.l.bf16.f32 v12;
	v6 =	vadd.f32 v16, v6;
	v16 =	vunpack.i.l.bf16.f32 v58  }
0x16b: {  	v19 =	vld [tilespmem:s23+$0x0];
	s30 =	sor.u32 s0, s21;
	v12 =	vadd.f32 v12, v17;
	v17 =	vunpack.i.l.bf16.f32 v59;
	v15 =	vadd.f32 v16, v15  }
0x16c: {  	s29 =	sand.u32 $0x180, s17;
	v45 =	vld [tilespmem:s30+$0xDC00];
	v11 =	vadd.f32 v18, v11;
	v16 =	vunpack.i.l.bf16.f32 v7;
	v7 =	vunpack.i.u.bf16.f32 v7  }
0x16d: {  	s31 =	simm.s32 $0xDD80;
	s21 =	sor.u32 s29, s9;
	v46 =	vld [tilespmem:s30+$0xDD80];
	v18 =	vunpack.i.u.bf16.f32 v59;
	v12 =	vadd.f32 v16, v12;
	v7 =	vadd.f32 v7, v6  }
0x16e: {  	[tilespmem:s31+$0x0] =	vst v8;
	v8 =	vld [tilespmem:s21+$0xDC00];
	v15 =	vadd.f32 v17, v15;
	v11 =	vadd.f32 v18, v11;
	v18 =	vunpack.i.l.bf16.f32 v60  }
0x16f: {  	s26 =	sor.u32 s9, s26;
	v16 =	vld [tilespmem:s24+$0x0];
	v12 =	vadd.f32 v18, v12;
	v18 =	vunpack.i.l.bf16.f32 v24;
	v26 =	vadd.f32 v21, v7  }
0x170: {  	s28 =	sor.u32 s9, s14;
	v17 =	vld [tilespmem:s26+$0x0];
	v21 =	vunpack.i.u.bf16.f32 v24;
	v24 =	vunpack.i.l.bf16.f32 v61;
	v15 =	vadd.f32 v18, v15  }
0x171: {  	s1 =	sor.u32 s9, s1;
	v33 =	vunpack.i.u.bf16.f32 v37;
	v62 =	vadd.f32 v21, v11;
	v18 =	vld [tilespmem:s28+$0x0];
	v11 =	vadd.f32 v24, v12  }
0x172: {  	v21 =	vld [tilespmem:s1+$0x0];
	v26 =	vadd.f32 v63, v26;
	v24 =	vunpack.i.u.bf16.f32 v36;
	v12 =	vunpack.i.l.bf16.f32 v36  }
0x173: {  	v35 =	vunpack.i.l.bf16.f32 v37;
	s8 =	simm.s32 $0x200;
	s6 =	simm.s32 $0x2;
	[tilespmem:s20+$0x0] =	vst v39;
	v12 =	vadd.f32 v12, v15;
	v24 =	vadd.f32 v24, v62;
	v15 =	vld [tilespmem:s21+$0xDD80]  }
.LBB2_3:
0x174: {  	s22 =	sand.u32 $0xC00, s8;
	s17 =	sadd.s32 $0x20, s17  }
0x175: {  	s12 =	sand.u32 $0x60, s17;
	s0 =	sadd.s32 $0x8B00, s22  }
0x176: {  	v47 =	vunpack.i.u.bf16.f32 v13;
	v13 =	vunpack.i.l.bf16.f32 v13;
	s9 =	sadd.s32 $0x8B80, s22;
	s2 =	sadd.s32 $0x8A00, s22;
	s3 =	sadd.s32 $0x8A80, s22  }
0x177: {  	v48 =	vunpack.i.u.bf16.f32 v14;
	v14 =	vunpack.i.l.bf16.f32 v14;
	v49 =	vunpack.i.u.bf16.f32 v10;
	s29 =	sadd.s32 $0x8900, s22;
	s5 =	sadd.s32 $0x8980, s22;
	s11 =	sadd.s32 $0x8800, s22  }
0x178: {  	v10 =	vunpack.i.l.bf16.f32 v10;
	v11 =	vadd.f32 v35, v11;
	v26 =	vadd.f32 v33, v26;
	s16 =	sadd.s32 $0x8880, s22;
	s18 =	sadd.s32 $0x7F00, s22;
	s1 =	sor.u32 s12, s0  }
0x179: {  	v50 =	vunpack.i.u.bf16.f32 v9;
	v12 =	vadd.f32 v34, v12;
	v24 =	vadd.f32 v32, v24;
	s25 =	sor.u32 $0x10, s12;
	s24 =	sor.u32 s12, s9;
	s26 =	sor.u32 s12, s2;
	v0 =	vld [tilespmem:s1+$0x0]  }
0x17a: {  	v9 =	vunpack.i.l.bf16.f32 v9;
	s31 =	sor.u32 s12, s3;
	s4 =	sor.u32 s12, s29;
	s13 =	sor.u32 s12, s5;
	v13 =	vadd.f32 v13, v11;
	v26 =	vadd.f32 v47, v26;
	v1 =	vld [tilespmem:s24+$0x0]  }
0x17b: {  	s15 =	sor.u32 s12, s11;
	s23 =	sor.u32 s12, s16;
	s0 =	sor.u32 s25, s0;
	v14 =	vadd.f32 v14, v12;
	v32 =	vadd.f32 v48, v24;
	v12 =	vld [tilespmem:s26+$0x0];
	v51 =	vunpack.i.u.bf16.f32 v30  }
0x17c: {  	s28 =	sor.u32 s25, s2;
	s3 =	sor.u32 s25, s3;
	v3 =	vld [tilespmem:s31+$0x0];
	s7 =	sor.u32 s25, s29;
	v52 =	vunpack.i.l.bf16.f32 v30;
	v53 =	vunpack.i.u.bf16.f32 v31;
	v31 =	vunpack.i.l.bf16.f32 v31  }
0x17d: {  	s14 =	sor.u32 s25, s5;
	v24 =	vld [tilespmem:s15+$0x0];
	s24 =	sor.u32 s25, s16;
	[dreg:$0x3] =	wrdreg s0;
	v36 =	vunpack.i.u.bf16.f32 v29;
	v55 =	vunpack.i.u.bf16.f32 v28;
	v28 =	vunpack.i.l.bf16.f32 v28  }
0x17e: {  	s26 =	sor.u32 s12, s18;
	s29 =	sadd.s32 $0x7E00, s22;
	[dreg:$0x5] =	wrdreg s28;
	v30 =	vld [tilespmem:s13+$0x0];
	v56 =	vunpack.i.u.bf16.f32 v27;
	v57 =	vunpack.i.l.bf16.f32 v27;
	v58 =	vunpack.i.u.bf16.f32 v25  }
0x17f: {  	s31 =	sor.u32 s25, s18;
	[dreg:$0x9] =	wrdreg s7;
	s7 =	sor.u32 s12, s29;
	v59 =	vunpack.i.l.bf16.f32 v25;
	v10 =	vadd.f32 v10, v13;
	v13 =	vadd.f32 v49, v26;
	v26 =	vld [tilespmem:s4+$0x0]  }
0x180: {  	s16 =	sadd.s32 $0x7D80, s22;
	[dreg:$0x7] =	wrdreg s3;
	v61 =	vunpack.i.u.bf16.f32 v22;
	v22 =	vunpack.i.l.bf16.f32 v22;
	v14 =	vadd.f32 v9, v14;
	s4 =	sadd.s32 $0x7E80, s22;
	v27 =	vld [tilespmem:s7+$0x0]  }
0x181: {  	s18 =	sadd.s32 $0x7C00, s22;
	[dreg:$0xb] =	wrdreg s14;
	v32 =	vadd.f32 v50, v32;
	s13 =	sor.u32 s12, s4;
	v33 =	vadd.f32 v51, v13;
	v13 =	vunpack.i.l.bf16.f32 v29;
	v29 =	vld [tilespmem:s23+$0x0]  }
0x182: {  	s0 =	sor.u32 s25, s11;
	[dreg:$0xf] =	wrdreg s24;
	v37 =	vunpack.i.u.bf16.f32 v23;
	v23 =	vunpack.i.l.bf16.f32 v23;
	s7 =	sor.u32 s12, s16;
	v34 =	vadd.f32 v52, v10;
	v25 =	vld [tilespmem:s13+$0x0]  }
0x183: {  	s28 =	sadd.s32 $0x7F80, s22;
	s2 =	sor.u32 s25, s29;
	s11 =	sadd.s32 $0x7D00, s22;
	v38 =	vunpack.i.u.bf16.f32 v20;
	v14 =	vadd.f32 v31, v14;
	v31 =	vadd.f32 v53, v32;
	v32 =	vld [tilespmem:s7+$0x0]  }
0x184: {  	s3 =	sor.u32 s25, s16;
	v20 =	vunpack.i.l.bf16.f32 v20;
	v4 =	vmovc v8;
	s5 =	sor.u32 s12, s28;
	s23 =	sor.u32 $0x7300, s22;
	v54 =	vadd.f32 v13, v34;
	v13 =	vld [tilespmem:s26+$0x0];
	v33 =	vadd.f32 v36, v33  }
0x185: {  	s29 =	sor.u32 $0x7100, s22;
	s14 =	sor.u32 s25, s28;
	[tilespmem:$0x1FFB0] =	vst v4;
	v4 =	vunpack.i.u.bf16.f32 v12;
	v28 =	vadd.f32 v28, v14;
	v14 =	vld [tilespmem:s5+$0x0];
	v31 =	vadd.f32 v55, v31;
	s26 =	sor.u32 s12, s23  }
0x186: {  	s15 =	sor.u32 s12, s11;
	s1 =	sor.u32 s25, s11;
	s13 =	sadd.s32 $0x7C80, s22;
	v49 =	vunpack.i.u.bf16.f32 v24;
	v35 =	vld [tilespmem:s26+$0x0];
	v34 =	vadd.f32 v57, v54;
	v33 =	vadd.f32 v56, v33  }
0x187: {  	s11 =	sor.u32 s12, s18;
	s28 =	sor.u32 $0x7200, s22;
	s24 =	sor.u32 s12, s13;
	v53 =	vunpack.i.u.bf16.f32 v27;
	v28 =	vadd.f32 v59, v28;
	v60 =	vadd.f32 v58, v31;
	v31 =	vld [tilespmem:s15+$0x0]  }
0x188: {  	s7 =	sor.u32 s25, s13;
	s5 =	sor.u32 s25, s4;
	s15 =	sor.u32 $0x7380, s22;
	v50 =	vunpack.i.u.bf16.f32 v29;
	v22 =	vadd.f32 v22, v34;
	v36 =	vadd.f32 v61, v33;
	v33 =	vld [tilespmem:s11+$0x0]  }
0x189: {  	s4 =	sor.u32 s25, s18;
	s18 =	sor.u32 s12, s28;
	s16 =	sor.u32 s12, s15;
	v54 =	vunpack.i.u.bf16.f32 v25;
	v23 =	vadd.f32 v23, v28;
	v28 =	vadd.f32 v37, v60;
	v34 =	vld [tilespmem:s24+$0x0]  }
0x18a: {  	s13 =	sor.u32 s25, s15;
	s15 =	sor.u32 s25, s28;
	s28 =	sor.u32 s12, s29;
	v37 =	vld [tilespmem:s18+$0x0];
	v20 =	vadd.f32 v20, v22;
	v22 =	vunpack.i.u.bf16.f32 v19;
	v19 =	vunpack.i.l.bf16.f32 v19  }
0x18b: {  	s11 =	sor.u32 s25, s23;
	s23 =	sor.u32 $0x7280, s22;
	v39 =	vld [tilespmem:s28+$0x0];
	v38 =	vadd.f32 v38, v36;
	v19 =	vadd.f32 v19, v23;
	v23 =	vunpack.i.u.bf16.f32 v16  }
0x18c: {  	[dreg:$0xd] =	wrdreg s0;
	s24 =	sor.u32 $0x7180, s22;
	s26 =	sor.u32 s12, s23;
	v36 =	vld [tilespmem:s16+$0x0];
	v22 =	vadd.f32 v22, v28;
	v16 =	vunpack.i.l.bf16.f32 v16;
	v28 =	vunpack.i.u.bf16.f32 v17  }
0x18d: {  	s16 =	sor.u32 s25, s23;
	s23 =	sor.u32 s12, s24;
	v17 =	vunpack.i.l.bf16.f32 v17;
	v16 =	vadd.f32 v16, v20;
	v20 =	vadd.f32 v23, v38;
	v38 =	vld [tilespmem:s26+$0x0];
	s26 =	sor.u32 $0x7000, s22  }
0x18e: {  	s0 =	sor.u32 s25, s29;
	v56 =	vunpack.i.u.bf16.f32 v32;
	s28 =	sor.u32 $0x7080, s22;
	v51 =	vunpack.i.u.bf16.f32 v13;
	v40 =	vld [tilespmem:s23+$0x0];
	v17 =	vadd.f32 v17, v19;
	s29 =	sor.u32 s12, s26  }
0x18f: {  	v19 =	vadd.f32 v28, v22;
	v22 =	vunpack.i.u.bf16.f32 v18;
	v18 =	vunpack.i.l.bf16.f32 v18;
	s23 =	sor.u32 s25, s26;
	s26 =	sadd.s32 $0x6400, s22;
	v41 =	vld [tilespmem:s29+$0x0];
	s29 =	sor.u32 s12, s28  }
0x190: {  	s18 =	sor.u32 s25, s24;
	s24 =	sor.u32 s25, s28;
	v23 =	vunpack.i.u.bf16.f32 v21;
	v21 =	vunpack.i.l.bf16.f32 v21;
	v16 =	vadd.f32 v18, v16;
	s28 =	sor.u32 s12, s26;
	v42 =	vld [tilespmem:s29+$0x0]  }
0x191: {  	v52 =	vunpack.i.u.bf16.f32 v14;
	v5 =	vadd.f32 v21, v17;
	v21 =	vadd.f32 v46, v43;
	v43 =	vld [tilespmem:s28+$0x300]  }
0x192: {  	v58 =	vunpack.i.u.bf16.f32 v35;
	v18 =	vadd.f32 v22, v20;
	v20 =	vadd.f32 v44, v45;
	v44 =	vld [tilespmem:s28+$0x380]  }
0x193: {  	v2 =	vmovc v15;
	v55 =	vunpack.i.u.bf16.f32 v31;
	v28 =	vunpack.i.u.bf16.f32 v30;
	v45 =	vunpack.i.u.bf16.f32 v1;
	v15 =	vld [tilespmem:s28+$0x0]  }
0x194: {  	v57 =	vunpack.i.u.bf16.f32 v33;
	v60 =	vunpack.i.u.bf16.f32 v34;
	v6 =	vadd.f32 v23, v19;
	[tilespmem:$0x1FF80] =	vst v45;
	v45 =	vld [tilespmem:s28+$0x80]  }
0x195: {  	v33 =	vunpack.i.l.bf16.f32 v33;
	v22 =	vunpack.i.u.bf16.f32 v26;
	v46 =	vld [tilespmem:s28+$0x100];
	v62 =	vadd.f32 v5, v16  }
0x196: {  	v47 =	vld [tilespmem:s28+$0x180];
	v59 =	vunpack.i.u.bf16.f32 v36;
	[tilespmem:s30+$0xDC00] =	vst v20;
	v20 =	vunpack.i.u.bf16.f32 v3;
	v63 =	vadd.f32 v6, v18  }
0x197: {  	v61 =	vld [tilespmem:s28+$0x280];
	v10 =	vunpack.i.u.bf16.f32 v40;
	v40 =	vunpack.i.l.bf16.f32 v40;
	v5 =	vunpack.i.u.bf16.f32 v0;
	[tilespmem:$0x1FFA0] =	vst v62  }
0x198: {  	v8 =	vld [tilespmem:s28+$0x200];
	v11 =	vunpack.i.u.bf16.f32 v38;
	[tilespmem:$0x1FF90] =	vst v63;
	v62 =	vunpack.i.u.bf16.f32 v39;
	v63 =	vunpack.i.u.bf16.f32 v37  }
0x199: {  	[tilespmem:$0x1FF60] =	vst v4;
	v16 =	vmovc v3;
	v3 =	vunpack.i.u.bf16.f32 v41;
	v39 =	vunpack.i.l.bf16.f32 v39;
	v9 =	vunpack.i.u.bf16.f32 v42  }
0x19a: {  	[tilespmem:$0x1FF70] =	vst v5;
	v18 =	vunpack.i.l.bf16.f32 v15;
	v4 =	vunpack.i.u.bf16.f32 v43;
	v5 =	vunpack.i.u.bf16.f32 v44  }
0x19b: {  	v17 =	vmovc v0;
	v6 =	vunpack.i.l.bf16.f32 v45;
	v7 =	vunpack.i.l.bf16.f32 v46;
	v0 =	vunpack.i.l.bf16.f32 v47  }
0x19c: {  	[tilespmem:$0x1FFC0] =	vst v2;
	v2 =	vunpack.i.u.bf16.f32 v61;
	v15 =	vunpack.i.u.bf16.f32 v15;
	v46 =	vunpack.i.u.bf16.f32 v46  }
0x19d: {  	v19 =	vmovc v1;
	v7 =	vadd.f32 v7, v18;
	v1 =	vadd.f32 v0, v6;
	v6 =	vunpack.i.u.bf16.f32 v8  }
0x19e: {  	v8 =	vunpack.i.l.bf16.f32 v8;
	v0 =	vunpack.i.l.bf16.f32 v61;
	v15 =	vadd.f32 v46, v15  }
0x19f: {  	s26 =	sor.u32 s25, s26;
	[tilespmem:s30+$0xDD80] =	vst v21;
	v44 =	vunpack.i.l.bf16.f32 v44;
	v7 =	vadd.f32 v8, v7;
	v1 =	vadd.f32 v0, v1  }
0x1a0: {  	v23 =	vld [tilespmem:s26+$0x0];
	v8 =	vunpack.i.u.bf16.f32 v45;
	v45 =	vunpack.i.l.bf16.f32 v43;
	v6 =	vadd.f32 v6, v15  }
0x1a1: {  	v48 =	vld [tilespmem:s26+$0x80];
	v42 =	vunpack.i.l.bf16.f32 v42;
	v7 =	vadd.f32 v45, v7;
	v1 =	vadd.f32 v44, v1  }
0x1a2: {  	v21 =	vld [tilespmem:s26+$0x100];
	v45 =	vunpack.i.u.bf16.f32 v47;
	v47 =	vunpack.i.l.bf16.f32 v41;
	v4 =	vadd.f32 v4, v6  }
0x1a3: {  	v18 =	vld [tilespmem:s26+$0x180];
	v46 =	vunpack.i.l.bf16.f32 v36;
	v8 =	vadd.f32 v45, v8;
	v7 =	vadd.f32 v47, v7  }
0x1a4: {  	v61 =	vld [tilespmem:s26+$0x200];
	v1 =	vadd.f32 v42, v1;
	v3 =	vadd.f32 v3, v4;
	v4 =	vunpack.i.l.bf16.f32 v31  }
0x1a5: {  	v0 =	vld [tilespmem:s26+$0x280];
	v2 =	vadd.f32 v2, v8;
	v8 =	vunpack.i.l.bf16.f32 v38;
	v7 =	vadd.f32 v39, v7  }
0x1a6: {  	v43 =	vld [tilespmem:s26+$0x300];
	v1 =	vadd.f32 v40, v1;
	v39 =	vunpack.i.l.bf16.f32 v37;
	v3 =	vadd.f32 v62, v3  }
0x1a7: {  	v44 =	vld [tilespmem:s26+$0x380];
	v40 =	vunpack.i.l.bf16.f32 v34;
	v2 =	vadd.f32 v5, v2;
	v7 =	vadd.f32 v39, v7  }
0x1a8: {  	v41 =	vld [tilespmem:s23+$0x0];
	v1 =	vadd.f32 v8, v1;
	v8 =	vunpack.i.l.bf16.f32 v35;
	v3 =	vadd.f32 v63, v3  }
0x1a9: {  	v47 =	vld [tilespmem:s24+$0x0];
	v62 =	vunpack.i.l.bf16.f32 v27;
	v2 =	vadd.f32 v9, v2;
	v6 =	vadd.f32 v8, v7  }
0x1aa: {  	v38 =	vld [tilespmem:s16+$0x0];
	v63 =	vunpack.i.l.bf16.f32 v13;
	v1 =	vadd.f32 v46, v1;
	v3 =	vadd.f32 v58, v3  }
0x1ab: {  	s10 =	sand.u32 $0x180, s17;
	v37 =	vld [tilespmem:s15+$0x0];
	v58 =	vunpack.i.l.bf16.f32 v24;
	v8 =	vunpack.i.l.bf16.f32 v16;
	v2 =	vadd.f32 v10, v2  }
0x1ac: {  	s10 =	sor.u32 s10, s25;
	s30 =	smov.u32 s21;
	v13 =	vld [tilespmem:s31+$0x0];
	s31 =	sadd.s32 $0x9600, s22;
	v5 =	vadd.f32 v33, v6;
	v1 =	vadd.f32 v40, v1;
	v6 =	vunpack.i.l.bf16.f32 v32  }
0x1ad: {  	s21 =	smov.u32 s10;
	s10 =	sor.u32 s12, s31;
	v46 =	vld [tilespmem:s13+$0x0];
	s13 =	sadd.s32 $0x9400, s22;
	v3 =	vadd.f32 v57, v3;
	v57 =	vunpack.i.u.bf16.f32 v48;
	v2 =	vadd.f32 v11, v2  }
0x1ae: {  	v15 =	vld [tilespmem:s10+$0x0];
	s15 =	sor.u32 s12, s13;
	v4 =	vadd.f32 v4, v5;
	v1 =	vadd.f32 v6, v1;
	v6 =	vunpack.i.l.bf16.f32 v25  }
0x1af: {  	v7 =	vld [tilespmem:s15+$0x0];
	v3 =	vadd.f32 v55, v3;
	v2 =	vadd.f32 v59, v2;
	v59 =	vunpack.i.l.bf16.f32 v26  }
0x1b0: {  	v16 =	vld [tilespmem:$0x1FF60];
	v4 =	vadd.f32 v62, v4;
	v1 =	vadd.f32 v6, v1;
	v6 =	vunpack.i.l.bf16.f32 v14  }
0x1b1: {  	v33 =	vld [tilespmem:s1+$0x0];
	v3 =	vadd.f32 v53, v3;
	v62 =	vunpack.i.l.bf16.f32 v17;
	v2 =	vadd.f32 v60, v2  }
0x1b2: {  	s24 =	sadd.s32 $0x9500, s22;
	v14 =	vld [tilespmem:s14+$0x0];
	s14 =	rddreg [dreg:$0xd];
	v60 =	vunpack.i.l.bf16.f32 v12;
	v12 =	vunpack.i.l.bf16.f32 v19;
	v4 =	vadd.f32 v63, v4  }
0x1b3: {  	s16 =	sadd.s32 $0x9480, s22;
	s26 =	sor.u32 s12, s24;
	v10 =	vld [tilespmem:s14+$0x0];
	s14 =	sadd.s32 $0x9700, s22;
	v1 =	vadd.f32 v6, v1;
	v6 =	vunpack.i.l.bf16.f32 v29;
	v3 =	vadd.f32 v51, v3  }
0x1b4: {  	s23 =	sor.u32 s12, s16;
	s1 =	sor.u32 s25, s16;
	v11 =	vld [tilespmem:s26+$0x0];
	v63 =	vunpack.i.l.bf16.f32 v7;
	s16 =	sor.u32 s12, s14;
	v51 =	vunpack.i.l.bf16.f32 v15;
	v7 =	vunpack.i.u.bf16.f32 v7  }
0x1b5: {  	v2 =	vadd.f32 v56, v2;
	v26 =	vld [tilespmem:s16+$0x0];
	v56 =	vunpack.i.l.bf16.f32 v23;
	v4 =	vadd.f32 v58, v4  }
0x1b6: {  	v45 =	vld [tilespmem:s18+$0x0];
	v1 =	vadd.f32 v6, v1;
	v6 =	vunpack.i.l.bf16.f32 v30;
	v3 =	vadd.f32 v49, v3  }
0x1b7: {  	v42 =	vld [tilespmem:s0+$0x0];
	v58 =	vunpack.i.u.bf16.f32 v21;
	v2 =	vadd.f32 v54, v2;
	v4 =	vadd.f32 v59, v4  }
0x1b8: {  	s28 =	sadd.s32 $0x9580, s22;
	v49 =	vunpack.i.l.bf16.f32 v41;
	v1 =	vadd.f32 v6, v1;
	v6 =	vld [tilespmem:s23+$0x0];
	v3 =	vadd.f32 v22, v3  }
0x1b9: {  	s29 =	sor.u32 s12, s28;
	v35 =	vld [tilespmem:s11+$0x0];
	v54 =	vunpack.i.u.bf16.f32 v11;
	v2 =	vadd.f32 v52, v2;
	v4 =	vadd.f32 v60, v4  }
0x1ba: {  	v1 =	vadd.f32 v8, v1;
	v8 =	vld [tilespmem:s29+$0x0];
	v3 =	vadd.f32 v16, v3;
	v52 =	vunpack.i.l.bf16.f32 v26  }
0x1bb: {  	s18 =	rddreg [dreg:$0xf];
	s11 =	sadd.s32 $0x9680, s22;
	v16 =	vld [tilespmem:$0x1FF70];
	v60 =	vunpack.i.u.bf16.f32 v43;
	v2 =	vadd.f32 v50, v2;
	v50 =	vunpack.i.l.bf16.f32 v11  }
0x1bc: {  	v9 =	vld [tilespmem:s18+$0x0];
	s0 =	sor.u32 s25, s13;
	s13 =	sor.u32 s12, s11;
	v11 =	vunpack.i.l.bf16.f32 v48;
	v48 =	vunpack.i.u.bf16.f32 v41;
	v4 =	vadd.f32 v62, v4  }
0x1bd: {  	s18 =	sadd.s32 $0x9780, s22;
	v1 =	vadd.f32 v12, v1;
	v12 =	vld [tilespmem:s13+$0x0];
	v62 =	vunpack.i.l.bf16.f32 v43;
	v24 =	vunpack.i.l.bf16.f32 v6  }
0x1be: {  	s23 =	sor.u32 s12, s18;
	v2 =	vadd.f32 v28, v2;
	v53 =	vunpack.i.u.bf16.f32 v6;
	v6 =	vunpack.i.u.bf16.f32 v23  }
0x1bf: {  	v4 =	vadd.f32 v63, v4;
	v1 =	vadd.f32 v24, v1;
	v24 =	vld [tilespmem:s23+$0x0];
	v63 =	vunpack.i.l.bf16.f32 v44  }
0x1c0: {  	v22 =	vunpack.i.l.bf16.f32 v8;
	v2 =	vadd.f32 v20, v2;
	v3 =	vadd.f32 v16, v3;
	v16 =	vld [tilespmem:$0x1FF80]  }
0x1c1: {  	v55 =	vunpack.i.u.bf16.f32 v8;
	v4 =	vadd.f32 v50, v4;
	v1 =	vadd.f32 v22, v1  }
0x1c2: {  	v50 =	vunpack.i.u.bf16.f32 v42;
	v19 =	vunpack.i.l.bf16.f32 v12;
	v3 =	vadd.f32 v7, v3  }
0x1c3: {  	v7 =	vunpack.i.u.bf16.f32 v15;
	v15 =	vunpack.i.l.bf16.f32 v21;
	v4 =	vadd.f32 v51, v4  }
0x1c4: {  	s19 =	sadd.s32 $0x20, s19;
	v8 =	vunpack.i.u.bf16.f32 v12;
	v1 =	vadd.f32 v19, v1;
	v5 =	vadd.f32 v15, v56  }
0x1c5: {  	v17 =	vld [tilespmem:s19+$0x0];
	v3 =	vadd.f32 v54, v3;
	v2 =	vadd.f32 v16, v2;
	v16 =	vunpack.i.l.bf16.f32 v24  }
0x1c6: {  	v51 =	vunpack.i.l.bf16.f32 v42;
	v4 =	vadd.f32 v52, v4;
	v1 =	vadd.f32 v16, v1  }
0x1c7: {  	v32 =	vld [tilespmem:s2+$0x0];
	v56 =	vunpack.i.u.bf16.f32 v35;
	v54 =	vunpack.i.l.bf16.f32 v37;
	v3 =	vadd.f32 v7, v3  }
0x1c8: {  	v36 =	vld [tilespmem:s4+$0x0];
	v7 =	vunpack.i.u.bf16.f32 v26;
	v2 =	vadd.f32 v53, v2;
	v1 =	vadd.f32 v1, v4  }
0x1c9: {  	v34 =	vld [tilespmem:s3+$0x0];
	v52 =	vunpack.i.u.bf16.f32 v45;
	v53 =	vunpack.i.u.bf16.f32 v37;
	v3 =	vadd.f32 v7, v3  }
0x1ca: {  	v39 =	vld [tilespmem:s7+$0x0];
	v7 =	vunpack.i.u.bf16.f32 v18;
	v2 =	vadd.f32 v55, v2;
	v1 =	vadd.f32 v1, v17  }
0x1cb: {  	v40 =	vld [tilespmem:s5+$0x0];
	s5 =	sor.u32 s25, s31;
	s31 =	rddreg [dreg:$0x3];
	v4 =	vadd.f32 v7, v57;
	v7 =	vunpack.i.l.bf16.f32 v61;
	v55 =	vunpack.i.l.bf16.f32 v38  }
0x1cc: {  	s20 =	sadd.s32 $0x20, s20;
	v27 =	vld [tilespmem:s31+$0x0];
	v57 =	vunpack.i.l.bf16.f32 v35;
	v35 =	vunpack.i.l.bf16.f32 v32;
	v2 =	vadd.f32 v8, v2;
	[tilespmem:s19+$0x0] =	vst v1  }
0x1cd: {  	s26 =	rddreg [dreg:$0xb];
	v5 =	vadd.f32 v7, v5;
	v7 =	vunpack.i.l.bf16.f32 v47;
	v8 =	vunpack.i.u.bf16.f32 v24;
	v12 =	vld [tilespmem:s20+$0x0]  }
0x1ce: {  	s9 =	sor.u32 s25, s9;
	s4 =	sor.u32 s25, s28;
	v31 =	vld [tilespmem:s26+$0x0];
	v1 =	vadd.f32 v58, v6;
	v6 =	vunpack.i.l.bf16.f32 v18;
	v2 =	vadd.f32 v8, v2  }
0x1cf: {  	s28 =	rddreg [dreg:$0x5];
	s2 =	sor.u32 s25, s24;
	s15 =	sor.u32 s25, s11;
	v25 =	vld [tilespmem:s9+$0x0];
	v58 =	vunpack.i.u.bf16.f32 v36;
	v59 =	vadd.f32 v6, v11;
	v6 =	vunpack.i.u.bf16.f32 v61  }
0x1d0: {  	s24 =	sor.u32 s25, s18;
	s22 =	sor.u32 s25, s14;
	s25 =	rddreg [dreg:$0x9];
	v29 =	vld [tilespmem:s28+$0x0];
	v11 =	vunpack.i.u.bf16.f32 v0;
	v1 =	vadd.f32 v6, v1;
	v2 =	vadd.f32 v2, v3  }
0x1d1: {  	v30 =	vld [tilespmem:s25+$0x0];
	v0 =	vunpack.i.l.bf16.f32 v0;
	v61 =	vadd.f32 v11, v4;
	v4 =	vadd.f32 v62, v5  }
0x1d2: {  	s29 =	rddreg [dreg:$0x7];
	v43 =	vld [tilespmem:$0x1FF90];
	v6 =	vunpack.i.u.bf16.f32 v44;
	v0 =	vadd.f32 v0, v59;
	v2 =	vadd.f32 v12, v2  }
0x1d3: {  	v28 =	vld [tilespmem:s29+$0x0];
	v62 =	vunpack.i.l.bf16.f32 v33;
	v1 =	vadd.f32 v60, v1;
	v4 =	vadd.f32 v49, v4  }
0x1d4: {  	v23 =	vld [tilespmem:s1+$0x0];
	v59 =	vunpack.i.l.bf16.f32 v36;
	v0 =	vadd.f32 v63, v0;
	[tilespmem:s20+$0x0] =	vst v2;
	v2 =	vadd.f32 v6, v61  }
0x1d5: {  	v20 =	vld [tilespmem:s2+$0x0];
	v60 =	vunpack.i.u.bf16.f32 v39;
	v1 =	vadd.f32 v48, v1;
	v6 =	vunpack.i.u.bf16.f32 v47  }
0x1d6: {  	v22 =	vld [tilespmem:s0+$0x0];
	v63 =	vunpack.i.l.bf16.f32 v34;
	v0 =	vadd.f32 v7, v0;
	v2 =	vadd.f32 v6, v2  }
0x1d7: {  	v21 =	vld [tilespmem:s24+$0x0];
	v4 =	vadd.f32 v51, v4;
	v1 =	vadd.f32 v50, v1;
	v6 =	vunpack.i.l.bf16.f32 v45  }
0x1d8: {  	v19 =	vld [tilespmem:s4+$0x0];
	v7 =	vunpack.i.l.bf16.f32 v46;
	v0 =	vadd.f32 v6, v0;
	v2 =	vadd.f32 v52, v2  }
0x1d9: {  	v15 =	vld [tilespmem:s21+$0xDD80];
	v4 =	vadd.f32 v54, v4;
	v1 =	vadd.f32 v53, v1;
	v6 =	vunpack.i.u.bf16.f32 v38  }
0x1da: {  	s6 =	sadd.s32 $0x2, s6;
	v16 =	vld [tilespmem:s5+$0x0];
	v61 =	vunpack.i.u.bf16.f32 v33;
	v0 =	vadd.f32 v55, v0;
	v2 =	vadd.f32 v6, v2  }
0x1db: {  	p0 =	slt.u32 s6, $0x16;
	v17 =	vld [tilespmem:s15+$0x0];
	v4 =	vadd.f32 v57, v4;
	v1 =	vadd.f32 v56, v1;
	v6 =	vunpack.i.u.bf16.f32 v46  }
.Ltmp4:
0x1dc: {  	v18 =	vld [tilespmem:s22+$0x0];
	v33 =	vunpack.i.u.bf16.f32 v32;
	v0 =	vadd.f32 v7, v0;
	v2 =	vadd.f32 v6, v2;
	(pc) =	sbr.rel @p0 .LBB2_3-.Ltmp4, $4  }
0x1dd: {  	v8 =	vld [tilespmem:s21+$0xDC00];
	v4 =	vadd.f32 v59, v4;
	v1 =	vadd.f32 v58, v1;
	v6 =	vunpack.i.l.bf16.f32 v39  }
0x1de: {  	v44 =	vld [tilespmem:$0x1FFA0];
	v32 =	vunpack.i.u.bf16.f32 v40;
	v0 =	vadd.f32 v6, v0;
	v2 =	vadd.f32 v60, v2  }
0x1df: {  	v45 =	vld [tilespmem:$0x1FFB0];
	v11 =	vadd.f32 v62, v4;
	v26 =	vadd.f32 v61, v1;
	v6 =	vunpack.i.u.bf16.f32 v34  }
0x1e0: {  	s8 =	sadd.s32 $0x100, s8;
	v46 =	vld [tilespmem:$0x1FFC0];
	v34 =	vunpack.i.l.bf16.f32 v40;
	v12 =	vadd.f32 v63, v0;
	v24 =	vadd.f32 v6, v2  }
0x1e1: {  	v0 =	vadd.f32 v35, v11;
	v1 =	vadd.f32 v33, v26;
	v2 =	vunpack.i.u.bf16.f32 v13  }
0x1e2: {  	v5 =	vunpack.i.l.bf16.f32 v13;
	v62 =	vunpack.i.u.bf16.f32 v14;
	v6 =	vunpack.i.l.bf16.f32 v14  }
0x1e3: {  	v11 =	vunpack.i.u.bf16.f32 v10;
	v13 =	vunpack.i.u.bf16.f32 v9;
	v3 =	vadd.f32 v34, v12  }
0x1e4: {  	v14 =	vunpack.i.l.bf16.f32 v9;
	v26 =	vunpack.i.u.bf16.f32 v30;
	v33 =	vunpack.i.u.bf16.f32 v31  }
0x1e5: {  	v7 =	vunpack.i.l.bf16.f32 v31;
	v0 =	vadd.f32 v5, v0;
	v63 =	vadd.f32 v6, v3  }
0x1e6: {  	v35 =	vunpack.i.l.bf16.f32 v29;
	v12 =	vunpack.i.l.bf16.f32 v10;
	v1 =	vadd.f32 v2, v1  }
0x1e7: {  	v36 =	vunpack.i.u.bf16.f32 v28;
	v0 =	vadd.f32 v12, v0;
	v2 =	vadd.f32 v14, v63  }
0x1e8: {  	v37 =	vunpack.i.l.bf16.f32 v28;
	v4 =	vadd.f32 v32, v24;
	v32 =	vunpack.i.l.bf16.f32 v30  }
0x1e9: {  	v38 =	vunpack.i.u.bf16.f32 v27;
	v0 =	vadd.f32 v32, v0;
	v2 =	vadd.f32 v7, v2  }
0x1ea: {  	v39 =	vunpack.i.l.bf16.f32 v27;
	v40 =	vunpack.i.u.bf16.f32 v25;
	v41 =	vunpack.i.l.bf16.f32 v25  }
0x1eb: {  	v42 =	vunpack.i.u.bf16.f32 v22;
	v0 =	vadd.f32 v35, v0;
	v2 =	vadd.f32 v37, v2  }
0x1ec: {  	v47 =	vunpack.i.l.bf16.f32 v22;
	v4 =	vadd.f32 v62, v4;
	v62 =	vadd.f32 v44, v45  }
0x1ed: {  	v49 =	vunpack.i.l.bf16.f32 v23;
	v0 =	vadd.f32 v39, v0;
	v2 =	vadd.f32 v41, v2  }
0x1ee: {  	v51 =	vunpack.i.l.bf16.f32 v20;
	v1 =	vadd.f32 v11, v1;
	v24 =	vadd.f32 v13, v4  }
0x1ef: {  	v53 =	vunpack.i.l.bf16.f32 v19;
	v0 =	vadd.f32 v47, v0;
	v2 =	vadd.f32 v49, v2  }
0x1f0: {  	v55 =	vunpack.i.l.bf16.f32 v16;
	v1 =	vadd.f32 v26, v1;
	v3 =	vadd.f32 v33, v24  }
0x1f1: {  	v34 =	vunpack.i.u.bf16.f32 v29;
	v0 =	vadd.f32 v51, v0;
	v2 =	vadd.f32 v53, v2  }
0x1f2: {  	v57 =	vunpack.i.l.bf16.f32 v17;
	v1 =	vadd.f32 v34, v1;
	v3 =	vadd.f32 v36, v3  }
0x1f3: {  	v59 =	vunpack.i.l.bf16.f32 v18;
	v0 =	vadd.f32 v55, v0;
	v2 =	vadd.f32 v57, v2  }
0x1f4: {  	v60 =	vunpack.i.l.bf16.f32 v21;
	v1 =	vadd.f32 v38, v1;
	v3 =	vadd.f32 v40, v3  }
0x1f5: {  	v48 =	vunpack.i.u.bf16.f32 v23;
	v0 =	vadd.f32 v59, v0;
	v2 =	vadd.f32 v60, v2  }
0x1f6: {  	v50 =	vunpack.i.u.bf16.f32 v20;
	v1 =	vadd.f32 v42, v1;
	v3 =	vadd.f32 v48, v3  }
0x1f7: {  	v52 =	vunpack.i.u.bf16.f32 v19;
	v63 =	vadd.f32 v46, v43;
	v0 =	vadd.f32 v2, v0  }
0x1f8: {  	v1 =	vadd.f32 v50, v1;
	v3 =	vadd.f32 v52, v3  }
0x1f9: {  	v54 =	vunpack.i.u.bf16.f32 v16;
	v56 =	vunpack.i.u.bf16.f32 v17;
	[tilespmem:s30+$0xDC00] =	vst v62;
	v0 =	vadd.f32 v0, v8  }
0x1fa: {  	[tilespmem:s30+$0xDD80] =	vst v63;
	v1 =	vadd.f32 v54, v1;
	v3 =	vadd.f32 v56, v3  }
0x1fb: {  	v58 =	vunpack.i.u.bf16.f32 v18;
	v61 =	vunpack.i.u.bf16.f32 v21;
	[tilespmem:s21+$0xDC00] =	vst v0  }
0x1fc: {  	v1 =	vadd.f32 v58, v1;
	v3 =	vadd.f32 v61, v3;
	s0 =	rddreg [dreg:$0x1a]  }
0x1fd: {  	p0 =	sne.s32 s0, $0x4  }
.Ltmp5:
0x1fe: {  	v1 =	vadd.f32 v3, v1;
	(pc) =	sbr.rel @p0 .LBB2_8-.Ltmp5, $3  }
0x1ff: {  	_ = 	snop  }
0x200: {  	v1 =	vadd.f32 v15, v1;
	_ =	sdelay $0x1  }
0x201: {  	[tilespmem:s21+$0xDD80] =	vst v1  }
0x202: {  	s0 =	simm.s32 $0xDC00  }
0x203: {  	v0 =	vld [tilespmem:s0+$0x0];
	_ =	sdelay $0x4  }
0x204: {  	v0 =	vmul.f32 $4.999999890e-03, v0  }
0x205: {  	s2 =	simm.s32 $0xDF00  }
0x206: {  	s1 =	simm.s32 $0xDD80;
	[tilespmem:s2+$0x0] =	vst v0  }
0x207: {  	v0 =	vld [tilespmem:s1+$0x0];
	_ =	sdelay $0x4  }
0x208: {  	s3 =	simm.s32 $0x0;
	v0 =	vmul.f32 $4.999999890e-03, v0  }
0x209: {  	s3 =	sand.u32 $0x1F0, s3  }
0x20a: {  	v1 =	vimm.f32 $0.0e+00;
	[tilespmem:s3+$0xE080] =	vst v0  }
0x20b: {  	s3 =	simm.s32 $0x10;
	[tilespmem:s0+$0x0] =	vst v1  }
.LBB2_6:
0x20c: {  	[tilespmem:s1+$0x0] =	vst v1;
	s0 =	sadd.s32 $0x10, s0;
	s2 =	sadd.s32 $0x10, s2;
	s1 =	sadd.s32 $0x10, s1  }
0x20d: {  	p0 =	sne.s32 s3, $0x170;
	s4 =	smov.u32 s3;
	s3 =	sadd.s32 $0x10, s3;
	v0 =	vld [tilespmem:s0+$0x0]  }
0x20e: {  	_ =	sdelay $0x3  }
0x20f: {  	v0 =	vmul.f32 $4.999999890e-03, v0;
	_ =	sdelay $0x1  }
0x210: {  	[tilespmem:s2+$0x0] =	vst v0  }
0x211: {  	v0 =	vld [tilespmem:s1+$0x0];
	_ =	sdelay $0x3  }
.Ltmp6:
0x212: {  	(pc) =	sbr.rel @p0 .LBB2_6-.Ltmp6, $4  }
0x213: {  	v0 =	vmul.f32 $4.999999890e-03, v0  }
0x214: {  	s4 =	sand.u32 $0x1F0, s4  }
0x215: {  	[tilespmem:s4+$0xE080] =	vst v0  }
0x216: {  	[tilespmem:s0+$0x0] =	vst v1  }
0x217: {  	s0 =	rddreg [dreg:$0x19]  }
0x218: {  	s0 =	smul.u32 $0x300, s0;
	_ =	sdelay $0x1  }
0x219: {  	s29 =	rddreg [dreg:$0x13];
	s30 =	simm.s32 $0x0;
	s0 =	sshrl.u32 s0, $0x3  }
0x21a: {  	[tilespmem:s1+$0x0] =	vst v1;
	s2 =	simm.s32 $0xDF00;
	s31 =	simm.s32 $0x3;
	s0 =	sadd.s32 s29, s0  }
0x21b: {  	[hbm4b:s0+s30] =	stream.linear.scatter [tilespmem:s2], [sflag:$0x3], $0x300, $0x38;
	[tilespmem:$0xE200] =	vst v63  }
0x21c: {  	_ =	swait.ge [sflag:s31], $0x300  }
0x21d: {  	[sflag:s31] =	ssyncset.done $0x0  }
0x21e: {  	[sflag:s31] =	ssyncadd.s32 $0xFFFFFD00  }
.LBB2_8:
0x21f: {  	s0 =	rddreg [dreg:$0x18]  }
0x220: {  	s4 =	rddreg [dreg:$0x1b];
	p0 =	seq.s32 s0, $0x13F  }
0x221: {  	v0 =	vld @!p0 [tilespmem:s4+$0x50];
	_ =	sdelay $0x4  }
0x222: {  	v1 =	vshrl.u32 @!p0 v0, $0x3  }
0x223: {  	v1 =	vmul.u32 @!p0 $0x18, v1  }
0x224: {  	v2 =	vlaneseq.u32 @!p0;
	v0 =	vand.u32 @!p0 $0x7, v0  }
0x225: {  	v3 =	vshrl.u32 @!p0 v2, $0x3;
	v0 =	vor.u32 @!p0 v0, v1;
	v1 =	vand.u32 @!p0 $0x7, v2  }
0x226: {  	v3 =	vmul.u32 @!p0 $0x8, v3;
	v4 =	vperm.xlane @!p0 v0, v1;
	_ =	sdelay $0x1  }
0x227: {  	v4 =	vadd.s32 @!p0 v3, v4  }
0x228: {  	v2 =	vor.u32 @!p0 $0x8, v2  }
0x229: {  	v0 =	vperm.xlane @!p0 v0, v2;
	_ =	sdelay $0x1  }
0x22a: {  	s2 =	rddreg [dreg:$0x12];
	vm2 =	vmmov @!p0 $0xffff;
	s0 =	simm.s32 @!p0 $0x0;
	s1 =	simm.s32 @!p0 $0x6400;
	v0 =	vadd.s32 @!p0 v3, v0  }
0x22b: {  	[tilespmem:s1], [sflag:$0x1] =	stream.indirect_vreg.gather @!p0 [hbm4b:s2+s0], $0x80, v4, vm2, $0xb8;
	[tilespmem:$0xE200] =	vst v63  }
0x22c: {  	s3 =	rddreg [dreg:$0x15];
	vm3 =	vmmov @!p0 $0xff;
	s1 =	simm.s32 @!p0 $0x6C00  }
0x22d: {  	[tilespmem:s1], [sflag:$0x1] =	stream.indirect_vreg.gather @!p0 [hbm4b:s3+s0], $0x80, v4, vm3, $0xb8;
	[tilespmem:$0xE200] =	vst v63  }
0x22e: {  	s1 =	simm.s32 @!p0 $0x7000  }
0x22f: {  	[tilespmem:s1], [sflag:$0x1] =	stream.indirect_vreg.gather @!p0 [hbm4b:s2+s0], $0x80, v0, vm2, $0xb8;
	[tilespmem:$0xE200] =	vst v63  }
0x230: {  	s1 =	simm.s32 @!p0 $0x7800  }
0x231: {  	[tilespmem:s1], [sflag:$0x1] =	stream.indirect_vreg.gather @!p0 [hbm4b:s3+s0], $0x80, v0, vm3, $0xb8;
	[tilespmem:$0xE200] =	vst v63  }
0x232: {  	v0 =	vld @!p0 [tilespmem:s4+$0x60];
	_ =	sdelay $0x4  }
0x233: {  	v4 =	vshrl.u32 @!p0 v0, $0x3  }
0x234: {  	v4 =	vmul.u32 @!p0 $0x18, v4  }
0x235: {  	v0 =	vand.u32 @!p0 $0x7, v0  }
0x236: {  	v0 =	vor.u32 @!p0 v0, v4  }
0x237: {  	v4 =	vperm.xlane @!p0 v0, v1;
	_ =	sdelay $0x1  }
0x238: {  	v4 =	vadd.s32 @!p0 v3, v4;
	_ =	sdelay $0x1  }
0x239: {  	v0 =	vperm.xlane @!p0 v0, v2;
	_ =	sdelay $0x1  }
0x23a: {  	s1 =	simm.s32 @!p0 $0x7C00;
	v0 =	vadd.s32 @!p0 v3, v0  }
0x23b: {  	[tilespmem:s1], [sflag:$0x1] =	stream.indirect_vreg.gather @!p0 [hbm4b:s2+s0], $0x80, v4, vm2, $0xb8;
	[tilespmem:$0xE200] =	vst v63  }
0x23c: {  	s1 =	simm.s32 @!p0 $0x8400  }
0x23d: {  	[tilespmem:s1], [sflag:$0x1] =	stream.indirect_vreg.gather @!p0 [hbm4b:s3+s0], $0x80, v4, vm3, $0xb8;
	[tilespmem:$0xE200] =	vst v63  }
0x23e: {  	s1 =	simm.s32 @!p0 $0x8800  }
0x23f: {  	[tilespmem:s1], [sflag:$0x1] =	stream.indirect_vreg.gather @!p0 [hbm4b:s2+s0], $0x80, v0, vm2, $0xb8;
	[tilespmem:$0xE200] =	vst v63  }
0x240: {  	s1 =	simm.s32 @!p0 $0x9000  }
0x241: {  	[tilespmem:s1], [sflag:$0x1] =	stream.indirect_vreg.gather @!p0 [hbm4b:s3+s0], $0x80, v0, vm3, $0xb8;
	[tilespmem:$0xE200] =	vst v63  }
0x242: {  	v0 =	vld.msk @!p0 [tilespmem:s4+$0x70], $0xff;
	_ =	sdelay $0x4  }
0x243: {  	v2 =	vshrl.u32 @!p0 v0, $0x3  }
0x244: {  	v2 =	vmul.u32 @!p0 $0x18, v2  }
0x245: {  	v0 =	vand.u32 @!p0 $0x7, v0  }
0x246: {  	v0 =	vor.u32 @!p0 v0, v2  }
0x247: {  	v0 =	vperm.xlane @!p0 v0, v1;
	_ =	sdelay $0x1  }
0x248: {  	v0 =	vadd.s32 @!p0 v3, v0;
	_ =	sdelay $0x3  }
0x249: {  	s1 =	simm.s32 @!p0 $0x9400  }
0x24a: {  	[tilespmem:s1], [sflag:$0x1] =	stream.indirect_vreg.gather @!p0 [hbm4b:s2+s0], $0x80, v0, vm2, $0xb8;
	[tilespmem:$0xE200] =	vst v63  }
0x24b: {  	s1 =	simm.s32 @!p0 $0x9C00  }
0x24c: {  	[tilespmem:s1], [sflag:$0x1] =	stream.indirect_vreg.gather @!p0 [hbm4b:s3+s0], $0x80, v0, vm3, $0xb8;
	[tilespmem:$0xE200] =	vst v63  }
0x24d: {  	s3 =	simm.s32 $0x0  }
0x24e: {  	s4 =	simm.s32 $0x2;
	s30 =	sand.u32 $0xC00, s3  }
0x24f: {  	_ =	swait.ge [sflag:s4], $0x3C00;
	s20 =	sand.u32 $0x60, s3;
	s5 =	sadd.s32 $0xC700, s30  }
0x250: {  	[sflag:s4] =	ssyncset.done $0x0;
	s7 =	sadd.s32 $0xC780, s30;
	[smem:$0x7EE] =	sst s5  }
0x251: {  	s8 =	sadd.s32 $0xC600, s30;
	s11 =	sadd.s32 $0xC680, s30;
	[dreg:$0x1f] =	wrdreg s7  }
0x252: {  	[sflag:s4] =	ssyncadd.s32 $0xFFFFC400;
	s6 =	sor.u32 s20, s5;
	[smem:$0x7EC] =	sst s8  }
0x253: {  	s9 =	sor.u32 s20, s7;
	v8 =	vld [tilespmem:s6+$0x0];
	[smem:$0x7ED] =	sst s11  }
0x254: {  	s10 =	sor.u32 s20, s8;
	v6 =	vld [tilespmem:s9+$0x0]  }
0x255: {  	s17 =	sadd.s32 $0xC500, s30;
	s12 =	sor.u32 s20, s11;
	v13 =	vld [tilespmem:s10+$0x0]  }
0x256: {  	s18 =	sadd.s32 $0xC580, s30;
	s13 =	sor.u32 s20, s17;
	v12 =	vld [tilespmem:s12+$0x0]  }
0x257: {  	s16 =	sadd.s32 $0xAD00, s30;
	s14 =	sor.u32 s20, s18;
	v15 =	vld [tilespmem:s13+$0x0]  }
0x258: {  	s21 =	sadd.s32 $0xAC80, s30;
	s15 =	sor.u32 s20, s16;
	v14 =	vld [tilespmem:s14+$0x0]  }
0x259: {  	s5 =	sor.u32 $0xA000, s30;
	s22 =	sor.u32 s20, s21;
	v50 =	vld [tilespmem:s15+$0x0]  }
0x25a: {  	s23 =	sor.u32 s20, s5;
	v52 =	vld [tilespmem:s22+$0x0]  }
0x25b: {  	v53 =	vld [tilespmem:s23+$0x300]  }
0x25c: {  	v17 =	vld [tilespmem:s23+$0x0]  }
0x25d: {  	v18 =	vld [tilespmem:s23+$0x80]  }
0x25e: {  	v19 =	vld [tilespmem:s23+$0x100]  }
0x25f: {  	v20 =	vld [tilespmem:s23+$0x180]  }
0x260: {  	v22 =	vld [tilespmem:s23+$0x280]  }
0x261: {  	v54 =	vunpack.i.u.bf16.f32 v8;
	v8 =	vunpack.i.l.bf16.f32 v8;
	v7 =	vunpack.i.u.bf16.f32 v13  }
0x262: {  	v5 =	vunpack.i.u.bf16.f32 v6;
	v10 =	vunpack.i.u.bf16.f32 v15;
	v11 =	vunpack.i.u.bf16.f32 v14  }
0x263: {  	v9 =	vunpack.i.u.bf16.f32 v12;
	v23 =	vunpack.i.u.bf16.f32 v50;
	v25 =	vunpack.i.u.bf16.f32 v52  }
0x264: {  	v16 =	vld [tilespmem:s23+$0x380];
	v26 =	vunpack.i.l.bf16.f32 v17;
	v27 =	vunpack.i.u.bf16.f32 v53;
	v28 =	vunpack.i.l.bf16.f32 v19  }
0x265: {  	v21 =	vld [tilespmem:s23+$0x200];
	v29 =	vunpack.i.l.bf16.f32 v18;
	v30 =	vunpack.i.l.bf16.f32 v20;
	v31 =	vunpack.i.l.bf16.f32 v22  }
0x266: {  	v22 =	vunpack.i.u.bf16.f32 v22;
	v3 =	vunpack.i.l.bf16.f32 v53;
	v17 =	vunpack.i.u.bf16.f32 v17  }
0x267: {  	s12 =	sadd.s32 $0xAC00, s30;
	v18 =	vunpack.i.u.bf16.f32 v18;
	v19 =	vunpack.i.u.bf16.f32 v19;
	v2 =	vunpack.i.l.bf16.f32 v52  }
0x268: {  	s19 =	sor.u32 s20, s12;
	v20 =	vunpack.i.u.bf16.f32 v20;
	v0 =	vunpack.i.l.bf16.f32 v50;
	v15 =	vunpack.i.l.bf16.f32 v15  }
0x269: {  	s23 =	sadd.s32 $0xB880, s30;
	v51 =	vld [tilespmem:s19+$0x0];
	v26 =	vadd.f32 v28, v26;
	v28 =	vunpack.i.u.bf16.f32 v16;
	v29 =	vadd.f32 v30, v29  }
0x26a: {  	s29 =	sadd.s32 $0xAD80, s30;
	s6 =	sor.u32 s20, s23;
	v30 =	vunpack.i.l.bf16.f32 v21;
	v17 =	vadd.f32 v19, v17;
	v18 =	vadd.f32 v20, v18  }
0x26b: {  	s26 =	sadd.s32 $0xAE00, s30;
	s24 =	sor.u32 s20, s29;
	v21 =	vunpack.i.u.bf16.f32 v21;
	v20 =	vld [tilespmem:s6+$0x0];
	v26 =	vadd.f32 v30, v26;
	v29 =	vadd.f32 v31, v29  }
0x26c: {  	s28 =	sadd.s32 $0xAE80, s30;
	s25 =	sor.u32 s20, s26;
	v16 =	vunpack.i.l.bf16.f32 v16;
	v30 =	vld [tilespmem:s24+$0x0];
	v17 =	vadd.f32 v21, v17;
	v18 =	vadd.f32 v22, v18  }
0x26d: {  	s31 =	sor.u32 s20, s28;
	s9 =	sadd.s32 $0xAF00, s30;
	v14 =	vunpack.i.l.bf16.f32 v14;
	v31 =	vld [tilespmem:s25+$0x0];
	v3 =	vadd.f32 v3, v26;
	v16 =	vadd.f32 v16, v29  }
0x26e: {  	s0 =	sor.u32 s20, s9;
	v1 =	vunpack.i.l.bf16.f32 v51;
	s25 =	sadd.s32 $0xAF80, s30;
	v26 =	vld [tilespmem:s31+$0x0];
	v17 =	vadd.f32 v27, v17;
	v18 =	vadd.f32 v28, v18  }
0x26f: {  	s1 =	sadd.s32 $0xBA80, s30;
	v24 =	vunpack.i.u.bf16.f32 v51;
	s3 =	sor.u32 s20, s25;
	v29 =	vld [tilespmem:s0+$0x0];
	v1 =	vadd.f32 v1, v3;
	v2 =	vadd.f32 v2, v16  }
0x270: {  	v13 =	vunpack.i.l.bf16.f32 v13;
	s24 =	sadd.s32 $0xB800, s30;
	v55 =	vld [tilespmem:s3+$0x0];
	s0 =	sor.u32 s20, s1;
	v17 =	vadd.f32 v24, v17;
	v18 =	vadd.f32 v25, v18  }
0x271: {  	s2 =	sadd.s32 $0xBA00, s30;
	s4 =	sor.u32 s20, s24;
	v60 =	vld [tilespmem:s0+$0x0];
	v24 =	vunpack.i.l.bf16.f32 v20;
	v20 =	vunpack.i.u.bf16.f32 v20;
	v19 =	vunpack.i.l.bf16.f32 v30  }
0x272: {  	s31 =	sor.u32 s20, s2;
	v16 =	vld [tilespmem:s4+$0x0];
	v57 =	vunpack.i.l.bf16.f32 v31;
	v30 =	vunpack.i.u.bf16.f32 v30;
	v0 =	vadd.f32 v0, v1  }
0x273: {  	s8 =	sadd.s32 $0xB900, s30;
	v25 =	vld [tilespmem:s31+$0x0];
	v31 =	vunpack.i.u.bf16.f32 v31;
	v56 =	vadd.f32 v19, v2;
	v17 =	vadd.f32 v23, v17  }
0x274: {  	s14 =	sadd.s32 $0xBB00, s30;
	s10 =	sor.u32 s20, s8;
	v18 =	vadd.f32 v30, v18;
	v21 =	vunpack.i.l.bf16.f32 v26;
	v58 =	vunpack.i.l.bf16.f32 v29  }
0x275: {  	s7 =	sor.u32 s20, s14;
	s6 =	sadd.s32 $0xB980, s30;
	v22 =	vld [tilespmem:s10+$0x0];
	v27 =	vunpack.i.l.bf16.f32 v55;
	v26 =	vunpack.i.u.bf16.f32 v26;
	v29 =	vunpack.i.u.bf16.f32 v29  }
0x276: {  	s11 =	sor.u32 s20, s6;
	v19 =	vld [tilespmem:s7+$0x0];
	v3 =	vunpack.i.u.bf16.f32 v55;
	v0 =	vadd.f32 v57, v0;
	v1 =	vadd.f32 v21, v56  }
0x277: {  	s3 =	sadd.s32 $0xBB80, s30;
	v21 =	vld [tilespmem:s11+$0x0];
	v17 =	vadd.f32 v31, v17;
	v18 =	vadd.f32 v26, v18;
	v2 =	vunpack.i.l.bf16.f32 v60  }
0x278: {  	s7 =	sor.u32 s20, s3;
	v59 =	vunpack.i.l.bf16.f32 v16;
	v26 =	vunpack.i.u.bf16.f32 v25;
	v0 =	vadd.f32 v58, v0  }
0x279: {  	v23 =	vld [tilespmem:s7+$0x0];
	v25 =	vunpack.i.l.bf16.f32 v25;
	v1 =	vadd.f32 v27, v1;
	v17 =	vadd.f32 v29, v17  }
0x27a: {  	s19 =	sadd.s32 $0xC400, s30;
	v16 =	vunpack.i.u.bf16.f32 v16;
	v3 =	vadd.f32 v3, v18;
	v0 =	vadd.f32 v59, v0  }
0x27b: {  	s22 =	sadd.s32 $0xC480, s30;
	s13 =	sor.u32 s20, s19;
	v30 =	vunpack.i.u.bf16.f32 v19;
	v1 =	vadd.f32 v24, v1;
	v24 =	vunpack.i.l.bf16.f32 v22  }
0x27c: {  	s15 =	sor.u32 s20, s22;
	v28 =	vld [tilespmem:s13+$0x0];
	v3 =	vadd.f32 v20, v3;
	v0 =	vadd.f32 v24, v0;
	v24 =	vunpack.i.l.bf16.f32 v21  }
0x27d: {  	v27 =	vld [tilespmem:s15+$0x0];
	v19 =	vunpack.i.l.bf16.f32 v19;
	v21 =	vunpack.i.u.bf16.f32 v21;
	v1 =	vadd.f32 v24, v1  }
0x27e: {  	v61 =	vunpack.i.u.bf16.f32 v23;
	v3 =	vadd.f32 v21, v3;
	v0 =	vadd.f32 v25, v0  }
0x27f: {  	v22 =	vunpack.i.u.bf16.f32 v22;
	v25 =	vunpack.i.u.bf16.f32 v60;
	v1 =	vadd.f32 v2, v1  }
0x280: {  	s31 =	sor.u32 $0xD080, s30;
	v18 =	vunpack.i.l.bf16.f32 v23;
	v3 =	vadd.f32 v25, v3;
	v0 =	vadd.f32 v19, v0  }
0x281: {  	s7 =	sor.u32 s20, s31;
	v16 =	vadd.f32 v16, v17;
	v1 =	vadd.f32 v18, v1;
	v18 =	vunpack.i.l.bf16.f32 v28  }
0x282: {  	s13 =	sor.u32 $0xD000, s30;
	v17 =	vunpack.i.l.bf16.f32 v27;
	v2 =	vadd.f32 v61, v3;
	v0 =	vadd.f32 v18, v0;
	v18 =	vld [tilespmem:s7+$0x0]  }
0x283: {  	s10 =	sor.u32 s20, s13;
	v16 =	vadd.f32 v22, v16;
	v31 =	vunpack.i.u.bf16.f32 v27;
	s7 =	sor.u32 $0xD180, s30;
	v1 =	vadd.f32 v17, v1  }
0x284: {  	v12 =	vunpack.i.l.bf16.f32 v12;
	s4 =	sor.u32 $0xD100, s30;
	v17 =	vld [tilespmem:s10+$0x0];
	s11 =	sor.u32 s20, s7;
	v2 =	vadd.f32 v31, v2;
	v0 =	vadd.f32 v15, v0  }
0x285: {  	v62 =	vunpack.i.l.bf16.f32 v6;
	s10 =	sor.u32 s20, s4;
	v15 =	vadd.f32 v26, v16;
	v16 =	vld [tilespmem:s11+$0x0];
	v1 =	vadd.f32 v14, v1  }
0x286: {  	s15 =	sor.u32 $0xD200, s30;
	v24 =	vunpack.i.u.bf16.f32 v28;
	v14 =	vld [tilespmem:s10+$0x0];
	v2 =	vadd.f32 v11, v2;
	v0 =	vadd.f32 v13, v0  }
0x287: {  	s11 =	sor.u32 s20, s15;
	s10 =	sor.u32 $0xD280, s30;
	v13 =	vadd.f32 v30, v15;
	v1 =	vadd.f32 v12, v1;
	v15 =	vunpack.i.l.bf16.f32 v18  }
0x288: {  	s0 =	sor.u32 s20, s10;
	v12 =	vld [tilespmem:s11+$0x0];
	v2 =	vadd.f32 v9, v2;
	v37 =	vunpack.i.u.bf16.f32 v18;
	v0 =	vadd.f32 v8, v0  }
0x289: {  	s11 =	sor.u32 $0xD300, s30;
	v6 =	vld [tilespmem:s0+$0x0];
	v63 =	vunpack.i.l.bf16.f32 v17;
	v13 =	vadd.f32 v24, v13;
	v1 =	vadd.f32 v62, v1  }
0x28a: {  	s30 =	sor.u32 $0xD380, s30;
	s0 =	sor.u32 s20, s11;
	v11 =	vunpack.i.l.bf16.f32 v16;
	v2 =	vadd.f32 v5, v2;
	v40 =	vunpack.i.u.bf16.f32 v16  }
0x28b: {  	v8 =	vld [tilespmem:s0+$0x0];
	s0 =	sor.u32 s20, s30;
	v0 =	vadd.f32 v63, v0;
	v32 =	vunpack.i.l.bf16.f32 v14;
	v10 =	vadd.f32 v10, v13  }
0x28c: {  	s20 =	sor.u32 $0x10, s20;
	v19 =	vld [tilespmem:s0+$0x0];
	v38 =	vunpack.i.u.bf16.f32 v14;
	v1 =	vadd.f32 v15, v1;
	v2 =	vadd.f32 v37, v2  }
0x28d: {  	s5 =	sor.u32 s20, s5;
	v0 =	vadd.f32 v32, v0;
	v33 =	vunpack.i.l.bf16.f32 v12;
	v7 =	vadd.f32 v7, v10  }
0x28e: {  	v9 =	vunpack.i.l.bf16.f32 v6;
	v10 =	vld [tilespmem:s5+$0x0];
	v43 =	vunpack.i.u.bf16.f32 v12;
	v1 =	vadd.f32 v11, v1  }
0x28f: {  	v13 =	vld [tilespmem:s5+$0x180];
	v6 =	vunpack.i.u.bf16.f32 v6;
	v11 =	vunpack.i.u.bf16.f32 v17;
	v0 =	vadd.f32 v33, v0  }
0x290: {  	s0 =	simm.s32 $0xDC00;
	v34 =	vunpack.i.l.bf16.f32 v8;
	v4 =	vadd.f32 v54, v7;
	v1 =	vadd.f32 v9, v1;
	v9 =	vld [tilespmem:s5+$0x80]  }
0x291: {  	v2 =	vadd.f32 v40, v2;
	v7 =	vld [tilespmem:s0+$0x0];
	v35 =	vunpack.i.l.bf16.f32 v19;
	v0 =	vadd.f32 v34, v0  }
0x292: {  	v8 =	vunpack.i.u.bf16.f32 v8;
	v36 =	vadd.f32 v11, v4;
	v11 =	vld [tilespmem:s5+$0x100];
	v1 =	vadd.f32 v35, v1  }
0x293: {  	v2 =	vadd.f32 v6, v2;
	v12 =	vunpack.i.u.bf16.f32 v19;
	v39 =	vunpack.i.u.bf16.f32 v10  }
0x294: {  	s12 =	sor.u32 s20, s12;
	v6 =	vld [tilespmem:s5+$0x280];
	v10 =	vunpack.i.l.bf16.f32 v10;
	v3 =	vadd.f32 v38, v36;
	v0 =	vadd.f32 v1, v0  }
0x295: {  	v47 =	vld [tilespmem:s12+$0x0];
	v2 =	vadd.f32 v12, v2;
	v12 =	vunpack.i.u.bf16.f32 v13;
	v42 =	vunpack.i.u.bf16.f32 v9  }
0x296: {  	v9 =	vunpack.i.l.bf16.f32 v9;
	v3 =	vadd.f32 v43, v3;
	v41 =	vadd.f32 v0, v7;
	v7 =	vld [tilespmem:s5+$0x200]  }
0x297: {  	v14 =	vld [tilespmem:s5+$0x300];
	v44 =	vunpack.i.u.bf16.f32 v11;
	v11 =	vunpack.i.l.bf16.f32 v11;
	v0 =	vadd.f32 v12, v42  }
0x298: {  	s12 =	sor.u32 s20, s21;
	v3 =	vadd.f32 v8, v3;
	v8 =	vld [tilespmem:s5+$0x380];
	v10 =	vadd.f32 v11, v10;
	v11 =	vunpack.i.l.bf16.f32 v13  }
0x299: {  	v12 =	vunpack.i.u.bf16.f32 v6;
	v1 =	vadd.f32 v44, v39;
	v46 =	vadd.f32 v11, v9;
	v11 =	vld [tilespmem:s12+$0x0]  }
0x29a: {  	v6 =	vunpack.i.l.bf16.f32 v6;
	v0 =	vadd.f32 v12, v0;
	v45 =	vadd.f32 v2, v3  }
0x29b: {  	s21 =	sor.u32 s20, s29;
	v3 =	vunpack.i.l.bf16.f32 v47;
	v9 =	vunpack.i.u.bf16.f32 v7;
	v7 =	vunpack.i.l.bf16.f32 v7  }
0x29c: {  	s16 =	sor.u32 s20, s16;
	v13 =	vld [tilespmem:s21+$0x0];
	v2 =	vadd.f32 v6, v46;
	v6 =	vunpack.i.u.bf16.f32 v14;
	v7 =	vadd.f32 v7, v10  }
0x29d: {  	v10 =	vld [tilespmem:s16+$0x0];
	v1 =	vadd.f32 v9, v1;
	v9 =	vunpack.i.l.bf16.f32 v14;
	v12 =	vunpack.i.u.bf16.f32 v8  }
0x29e: {  	s12 =	sor.u32 s20, s26;
	v0 =	vadd.f32 v12, v0;
	v12 =	vunpack.i.u.bf16.f32 v11;
	v11 =	vunpack.i.l.bf16.f32 v11  }
0x29f: {  	s16 =	sor.u32 s20, s28;
	v7 =	vadd.f32 v9, v7;
	v1 =	vadd.f32 v6, v1;
	v6 =	vunpack.i.l.bf16.f32 v8;
	v8 =	vld [tilespmem:s12+$0x0]  }
0x2a0: {  	v9 =	vld [tilespmem:s16+$0x0];
	v2 =	vadd.f32 v6, v2;
	v6 =	vunpack.i.u.bf16.f32 v47;
	v0 =	vadd.f32 v12, v0  }
0x2a1: {  	s21 =	sor.u32 s20, s9;
	v12 =	vunpack.i.l.bf16.f32 v13;
	v3 =	vadd.f32 v3, v7;
	v1 =	vadd.f32 v6, v1  }
0x2a2: {  	s25 =	sor.u32 s20, s25;
	v7 =	vld [tilespmem:s21+$0x0];
	v6 =	vunpack.i.u.bf16.f32 v10;
	v2 =	vadd.f32 v11, v2;
	v10 =	vunpack.i.l.bf16.f32 v10  }
0x2a3: {  	s26 =	sor.u32 s20, s24;
	v11 =	vld [tilespmem:s25+$0x0];
	v3 =	vadd.f32 v10, v3;
	v10 =	vunpack.i.u.bf16.f32 v13;
	v1 =	vadd.f32 v6, v1  }
0x2a4: {  	v13 =	vld [tilespmem:s26+$0x0];
	v2 =	vadd.f32 v12, v2;
	v6 =	vunpack.i.u.bf16.f32 v8;
	v0 =	vadd.f32 v10, v0  }
0x2a5: {  	s28 =	sor.u32 s20, s23;
	v8 =	vunpack.i.l.bf16.f32 v8;
	v1 =	vadd.f32 v6, v1;
	v6 =	vunpack.i.l.bf16.f32 v9  }
0x2a6: {  	s8 =	sor.u32 s20, s8;
	v10 =	vunpack.i.u.bf16.f32 v9;
	v12 =	vld [tilespmem:s28+$0x0];
	v3 =	vadd.f32 v8, v3;
	v2 =	vadd.f32 v6, v2  }
0x2a7: {  	s9 =	sor.u32 s20, s6;
	v8 =	vld [tilespmem:s8+$0x0];
	v0 =	vadd.f32 v10, v0;
	v6 =	vunpack.i.u.bf16.f32 v7;
	v7 =	vunpack.i.l.bf16.f32 v7  }
0x2a8: {  	v9 =	vld [tilespmem:s9+$0x0];
	v10 =	vunpack.i.u.bf16.f32 v11;
	v11 =	vunpack.i.l.bf16.f32 v11;
	v3 =	vadd.f32 v7, v3  }
0x2a9: {  	s2 =	sor.u32 s20, s2;
	v1 =	vadd.f32 v6, v1;
	v0 =	vadd.f32 v10, v0;
	v10 =	vunpack.i.l.bf16.f32 v13  }
0x2aa: {  	s1 =	sor.u32 s20, s1;
	v7 =	vld [tilespmem:s2+$0x0];
	v6 =	vunpack.i.u.bf16.f32 v13;
	v2 =	vadd.f32 v11, v2;
	v3 =	vadd.f32 v10, v3  }
0x2ab: {  	s12 =	sor.u32 s20, s14;
	v11 =	vld [tilespmem:s1+$0x0];
	v10 =	vunpack.i.u.bf16.f32 v12;
	v12 =	vunpack.i.l.bf16.f32 v12;
	v1 =	vadd.f32 v6, v1  }
0x2ac: {  	s5 =	sor.u32 s20, s4;
	v13 =	vld [tilespmem:s12+$0x0];
	v2 =	vadd.f32 v12, v2;
	v6 =	vunpack.i.u.bf16.f32 v8;
	v0 =	vadd.f32 v10, v0  }
0x2ad: {  	v16 =	vld [tilespmem:s5+$0x0];
	s14 =	sor.u32 s20, s3;
	v8 =	vunpack.i.l.bf16.f32 v8;
	v1 =	vadd.f32 v6, v1;
	v6 =	vunpack.i.l.bf16.f32 v9  }
0x2ae: {  	s16 =	sor.u32 s20, s19;
	v10 =	vunpack.i.u.bf16.f32 v9;
	v12 =	vld [tilespmem:s14+$0x0];
	v3 =	vadd.f32 v8, v3;
	v2 =	vadd.f32 v6, v2  }
0x2af: {  	s19 =	sor.u32 s20, s22;
	v8 =	vld [tilespmem:s16+$0x0];
	v0 =	vadd.f32 v10, v0;
	v6 =	vunpack.i.u.bf16.f32 v7;
	v7 =	vunpack.i.l.bf16.f32 v7  }
0x2b0: {  	s6 =	sor.u32 s20, s7;
	s7 =	sor.u32 s20, s15;
	s23 =	sld [smem:$0x7EC];
	v9 =	vld [tilespmem:s19+$0x0];
	v10 =	vunpack.i.u.bf16.f32 v11;
	v11 =	vunpack.i.l.bf16.f32 v11;
	v3 =	vadd.f32 v7, v3  }
0x2b1: {  	v48 =	vld [tilespmem:s7+$0x0];
	s21 =	sor.u32 s20, s17;
	v1 =	vadd.f32 v6, v1;
	v0 =	vadd.f32 v10, v0;
	v10 =	vunpack.i.l.bf16.f32 v13  }
0x2b2: {  	s24 =	sld [smem:$0x7ED];
	s22 =	sor.u32 s20, s18;
	v6 =	vunpack.i.u.bf16.f32 v13;
	v7 =	vld [tilespmem:s21+$0x0];
	v2 =	vadd.f32 v11, v2;
	v3 =	vadd.f32 v10, v3  }
0x2b3: {  	s25 =	sld [smem:$0x7EE];
	s1 =	sor.u32 s20, s23;
	v11 =	vld [tilespmem:s22+$0x0];
	v10 =	vunpack.i.u.bf16.f32 v12;
	v12 =	vunpack.i.l.bf16.f32 v12;
	v1 =	vadd.f32 v6, v1  }
0x2b4: {  	s3 =	sor.u32 s20, s31;
	v13 =	vld [tilespmem:s1+$0x0];
	v2 =	vadd.f32 v12, v2;
	v6 =	vunpack.i.u.bf16.f32 v8;
	v0 =	vadd.f32 v10, v0  }
0x2b5: {  	v15 =	vld [tilespmem:s3+$0x0];
	s2 =	sor.u32 s20, s24;
	v8 =	vunpack.i.l.bf16.f32 v8;
	v1 =	vadd.f32 v6, v1;
	v6 =	vunpack.i.l.bf16.f32 v9  }
0x2b6: {  	s26 =	rddreg [dreg:$0x1f];
	s1 =	sor.u32 s20, s25;
	v12 =	vld [tilespmem:s2+$0x0];
	v10 =	vunpack.i.u.bf16.f32 v9;
	v3 =	vadd.f32 v8, v3;
	v2 =	vadd.f32 v6, v2  }
0x2b7: {  	v14 =	vld [tilespmem:s1+$0x0];
	s2 =	sor.u32 s20, s26;
	v0 =	vadd.f32 v10, v0;
	v6 =	vunpack.i.u.bf16.f32 v7;
	v7 =	vunpack.i.l.bf16.f32 v7  }
0x2b8: {  	s9 =	sor.u32 s20, s10;
	v8 =	vld [tilespmem:s2+$0x0];
	v10 =	vunpack.i.u.bf16.f32 v11;
	v11 =	vunpack.i.l.bf16.f32 v11;
	v3 =	vadd.f32 v7, v3  }
0x2b9: {  	s28 =	sor.u32 s20, s13;
	v17 =	vld [tilespmem:s9+$0x0];
	v1 =	vadd.f32 v6, v1;
	v7 =	vunpack.i.l.bf16.f32 v13;
	v2 =	vadd.f32 v11, v2  }
0x2ba: {  	s10 =	simm.s32 $0x100;
	v9 =	vld [tilespmem:s28+$0x0];
	v6 =	vunpack.i.u.bf16.f32 v13;
	v0 =	vadd.f32 v10, v0;
	v3 =	vadd.f32 v7, v3  }
0x2bb: {  	[tilespmem:s0+$0x0] =	vst v41;
	s8 =	simm.s32 $0xDD80;
	s1 =	sand.u32 $0xC00, s10;
	v10 =	vld [tilespmem:s6+$0x0];
	v7 =	vunpack.i.u.bf16.f32 v12;
	v11 =	vunpack.i.l.bf16.f32 v12;
	v1 =	vadd.f32 v6, v1  }
0x2bc: {  	s13 =	sor.u32 s20, s30;
	s12 =	sor.u32 s20, s11;
	s14 =	sadd.s32 $0xC700, s1;
	v6 =	vunpack.i.u.bf16.f32 v14;
	v2 =	vadd.f32 v11, v2;
	v11 =	vld [tilespmem:s8+$0x0];
	v0 =	vadd.f32 v7, v0  }
0x2bd: {  	s16 =	simm.s32 $0x20;
	s17 =	sadd.s32 $0xC780, s1;
	v12 =	vunpack.i.u.bf16.f32 v8;
	v1 =	vadd.f32 v6, v1;
	v6 =	vunpack.i.l.bf16.f32 v8;
	v8 =	vld [tilespmem:s12+$0x0];
	[smem:$0x7F3] =	sst s14  }
0x2be: {  	s18 =	sadd.s32 $0xC600, s1;
	s2 =	sand.u32 $0x60, s16;
	v0 =	vadd.f32 v12, v0;
	v12 =	vld [tilespmem:s13+$0x0];
	[smem:$0x7F4] =	sst s17  }
0x2bf: {  	s15 =	sor.u32 s2, s14;
	v7 =	vunpack.i.l.bf16.f32 v14;
	[smem:$0x7F2] =	sst s18  }
0x2c0: {  	s22 =	sadd.s32 $0xC500, s1;
	s19 =	sor.u32 s2, s17;
	v3 =	vadd.f32 v7, v3;
	v7 =	vunpack.i.u.bf16.f32 v9;
	v2 =	vadd.f32 v6, v2;
	v6 =	vld [tilespmem:s15+$0x0]  }
0x2c1: {  	s23 =	sadd.s32 $0xC580, s1;
	s21 =	sor.u32 s2, s18;
	v9 =	vunpack.i.l.bf16.f32 v9;
	v1 =	vadd.f32 v7, v1;
	v7 =	vld [tilespmem:s19+$0x0];
	[smem:$0x7F0] =	sst s22  }
0x2c2: {  	s0 =	sor.u32 s2, s22;
	v14 =	vunpack.i.l.bf16.f32 v15;
	s18 =	sor.u32 $0xA000, s1;
	v3 =	vadd.f32 v9, v3;
	v9 =	vld [tilespmem:s21+$0x0];
	[smem:$0x7F1] =	sst s23  }
0x2c3: {  	v13 =	vunpack.i.u.bf16.f32 v15;
	v15 =	vunpack.i.u.bf16.f32 v16;
	s25 =	sor.u32 s2, s18;
	v2 =	vadd.f32 v14, v2;
	v14 =	vld [tilespmem:s0+$0x0]  }
0x2c4: {  	v49 =	vunpack.i.l.bf16.f32 v17;
	v1 =	vadd.f32 v15, v1;
	v15 =	vunpack.i.u.bf16.f32 v17;
	v17 =	vld [tilespmem:s25+$0x0]  }
0x2c5: {  	v18 =	vld [tilespmem:s25+$0x80]  }
0x2c6: {  	v5 =	vunpack.i.l.bf16.f32 v48;
	v0 =	vadd.f32 v13, v0;
	v13 =	vunpack.i.l.bf16.f32 v16;
	v19 =	vld [tilespmem:s25+$0x100]  }
0x2c7: {  	v16 =	vunpack.i.u.bf16.f32 v10;
	v10 =	vunpack.i.l.bf16.f32 v10;
	v3 =	vadd.f32 v13, v3;
	v20 =	vld [tilespmem:s25+$0x180]  }
0x2c8: {  	v22 =	vld [tilespmem:s25+$0x280];
	v2 =	vadd.f32 v10, v2;
	v10 =	vunpack.i.u.bf16.f32 v48;
	v0 =	vadd.f32 v16, v0  }
0x2c9: {  	v23 =	vld [tilespmem:s25+$0x300];
	v50 =	vunpack.i.u.bf16.f32 v8;
	v8 =	vunpack.i.l.bf16.f32 v8;
	v3 =	vadd.f32 v5, v3  }
0x2ca: {  	s24 =	sor.u32 s2, s23;
	v51 =	vld [tilespmem:s25+$0x380];
	v1 =	vadd.f32 v10, v1;
	v10 =	vunpack.i.u.bf16.f32 v12;
	v2 =	vadd.f32 v49, v2  }
0x2cb: {  	s28 =	sadd.s32 $0xB800, s1;
	s14 =	sadd.s32 $0xAC80, s1;
	v13 =	vld [tilespmem:s24+$0x0];
	v12 =	vunpack.i.l.bf16.f32 v12;
	v0 =	vadd.f32 v15, v0;
	v3 =	vadd.f32 v8, v3  }
0x2cc: {  	s30 =	sor.u32 s2, s14;
	v21 =	vld [tilespmem:s25+$0x200];
	[smem:$0x7EF] =	sst s28;
	v1 =	vadd.f32 v50, v1;
	v2 =	vadd.f32 v12, v2  }
0x2cd: {  	s31 =	sor.u32 s2, s28;
	s17 =	sadd.s32 $0xAD00, s1;
	v55 =	vld [tilespmem:s30+$0x0];
	v0 =	vadd.f32 v10, v0;
	v10 =	vunpack.i.u.bf16.f32 v9;
	v52 =	vunpack.i.l.bf16.f32 v17  }
0x2ce: {  	s3 =	sor.u32 s2, s17;
	v24 =	vld [tilespmem:s31+$0x0];
	v53 =	vunpack.i.l.bf16.f32 v19;
	v12 =	vunpack.i.l.bf16.f32 v18;
	v15 =	vunpack.i.l.bf16.f32 v20  }
0x2cf: {  	v26 =	vld [tilespmem:s3+$0x0];
	v25 =	vunpack.i.l.bf16.f32 v22;
	v27 =	vunpack.i.l.bf16.f32 v23;
	v29 =	vunpack.i.l.bf16.f32 v51  }
0x2d0: {  	v17 =	vunpack.i.u.bf16.f32 v17;
	v18 =	vunpack.i.u.bf16.f32 v18;
	v19 =	vunpack.i.u.bf16.f32 v19  }
0x2d1: {  	s21 =	sadd.s32 $0xAC00, s1;
	v20 =	vunpack.i.u.bf16.f32 v20;
	v22 =	vunpack.i.u.bf16.f32 v22;
	v23 =	vunpack.i.u.bf16.f32 v23  }
0x2d2: {  	s26 =	sor.u32 s2, s21;
	v16 =	vadd.f32 v15, v12;
	v15 =	vunpack.i.l.bf16.f32 v21;
	v17 =	vadd.f32 v19, v17  }
0x2d3: {  	v54 =	vld [tilespmem:s26+$0x0];
	v31 =	vunpack.i.l.bf16.f32 v55;
	v43 =	vadd.f32 v0, v1;
	v1 =	vadd.f32 v53, v52  }
0x2d4: {  	s19 =	sadd.s32 $0xAE00, s1;
	v19 =	vunpack.i.l.bf16.f32 v26;
	v18 =	vadd.f32 v20, v18;
	v20 =	vunpack.i.u.bf16.f32 v24  }
0x2d5: {  	s10 =	sadd.s32 $0xAD80, s1;
	s6 =	sor.u32 s2, s19;
	v21 =	vunpack.i.u.bf16.f32 v21;
	v44 =	vadd.f32 v2, v3;
	v1 =	vadd.f32 v15, v1  }
0x2d6: {  	s4 =	sor.u32 s2, s10;
	s22 =	sadd.s32 $0xAF00, s1;
	v30 =	vld [tilespmem:s6+$0x0];
	v26 =	vunpack.i.u.bf16.f32 v26;
	v25 =	vadd.f32 v25, v16;
	v17 =	vadd.f32 v21, v17  }
0x2d7: {  	s29 =	sadd.s32 $0xAE80, s1;
	s5 =	sor.u32 s2, s22;
	v28 =	vld [tilespmem:s4+$0x0];
	v24 =	vunpack.i.l.bf16.f32 v24;
	v18 =	vadd.f32 v22, v18;
	v1 =	vadd.f32 v27, v1  }
0x2d8: {  	s7 =	sor.u32 s2, s29;
	v25 =	vadd.f32 v29, v25;
	v29 =	vunpack.i.l.bf16.f32 v54;
	v17 =	vadd.f32 v23, v17;
	v27 =	vld [tilespmem:s5+$0x0]  }
0x2d9: {  	s13 =	sadd.s32 $0xAF80, s1;
	v0 =	vunpack.i.u.bf16.f32 v51;
	v3 =	vunpack.i.u.bf16.f32 v54;
	v1 =	vadd.f32 v29, v1;
	v29 =	vld [tilespmem:s7+$0x0]  }
0x2da: {  	s8 =	sor.u32 s2, s13;
	v2 =	vunpack.i.u.bf16.f32 v55;
	v0 =	vadd.f32 v0, v18;
	v3 =	vadd.f32 v3, v17  }
0x2db: {  	s28 =	sadd.s32 $0xB880, s1;
	v21 =	vunpack.i.l.bf16.f32 v30;
	v25 =	vadd.f32 v31, v25;
	v31 =	vld [tilespmem:s8+$0x0];
	v1 =	vadd.f32 v19, v1  }
0x2dc: {  	s9 =	sor.u32 s2, s28;
	s31 =	sadd.s32 $0xB900, s1;
	v0 =	vadd.f32 v2, v0;
	v3 =	vadd.f32 v26, v3;
	v19 =	vunpack.i.l.bf16.f32 v28  }
0x2dd: {  	s11 =	sor.u32 s2, s31;
	v30 =	vunpack.i.u.bf16.f32 v30;
	s7 =	sadd.s32 $0xB980, s1;
	v19 =	vadd.f32 v19, v25;
	v25 =	vld [tilespmem:s9+$0x0];
	v1 =	vadd.f32 v21, v1  }
0x2de: {  	v23 =	vld [tilespmem:s11+$0x0];
	s5 =	sadd.s32 $0xBA80, s1;
	s12 =	sor.u32 s2, s7;
	v22 =	vunpack.i.u.bf16.f32 v27;
	v27 =	vunpack.i.l.bf16.f32 v27;
	v21 =	vunpack.i.l.bf16.f32 v29  }
0x2df: {  	s8 =	sadd.s32 $0xBA00, s1;
	s23 =	sor.u32 s2, s5;
	v28 =	vunpack.i.u.bf16.f32 v28;
	v19 =	vadd.f32 v21, v19;
	v1 =	vadd.f32 v27, v1;
	v27 =	vld [tilespmem:s12+$0x0]  }
0x2e0: {  	s6 =	sadd.s32 $0xBB00, s1;
	s15 =	sor.u32 s2, s8;
	v17 =	vld [tilespmem:s23+$0x0];
	v0 =	vadd.f32 v28, v0;
	v3 =	vadd.f32 v30, v3;
	v18 =	vunpack.i.l.bf16.f32 v31  }
0x2e1: {  	s3 =	sadd.s32 $0xBB80, s1;
	s24 =	sor.u32 s2, s6;
	v29 =	vunpack.i.u.bf16.f32 v29;
	v21 =	vunpack.i.u.bf16.f32 v31;
	v18 =	vadd.f32 v18, v19;
	v19 =	vld [tilespmem:s15+$0x0]  }
0x2e2: {  	s0 =	sadd.s32 $0xC480, s1;
	s25 =	sor.u32 s2, s3;
	v56 =	vld [tilespmem:s24+$0x0];
	v31 =	vunpack.i.u.bf16.f32 v25;
	v25 =	vunpack.i.l.bf16.f32 v25;
	v1 =	vadd.f32 v24, v1  }
0x2e3: {  	s4 =	sadd.s32 $0xC400, s1;
	s30 =	sor.u32 s2, s0;
	v3 =	vadd.f32 v22, v3;
	v24 =	vld [tilespmem:s25+$0x0];
	v18 =	vadd.f32 v25, v18;
	v25 =	vunpack.i.l.bf16.f32 v23  }
0x2e4: {  	s26 =	sor.u32 s2, s4;
	v0 =	vadd.f32 v29, v0;
	v28 =	vunpack.i.l.bf16.f32 v27;
	v1 =	vadd.f32 v25, v1;
	v25 =	vld [tilespmem:s30+$0x0];
	s30 =	sadd.s32 $0xC680, s1  }
0x2e5: {  	v16 =	vunpack.i.u.bf16.f32 v13;
	v26 =	vld [tilespmem:s26+$0x0];
	v29 =	vunpack.i.l.bf16.f32 v17;
	s12 =	sor.u32 $0xD000, s1;
	v18 =	vadd.f32 v28, v18;
	s11 =	sor.u32 s2, s30  }
0x2e6: {  	v3 =	vadd.f32 v20, v3;
	s15 =	sor.u32 s2, s12;
	v0 =	vadd.f32 v21, v0;
	v28 =	vunpack.i.l.bf16.f32 v19;
	v30 =	vld [tilespmem:s11+$0x0];
	s11 =	sor.u32 $0xD080, s1  }
0x2e7: {  	v13 =	vunpack.i.l.bf16.f32 v13;
	v1 =	vadd.f32 v28, v1;
	v18 =	vadd.f32 v29, v18;
	v29 =	vld [tilespmem:s15+$0x0];
	s23 =	sor.u32 s2, s11;
	s15 =	sor.u32 $0xD100, s1  }
0x2e8: {  	v0 =	vadd.f32 v31, v0;
	v21 =	vunpack.i.l.bf16.f32 v24;
	v28 =	vunpack.i.l.bf16.f32 v56;
	v22 =	vld [tilespmem:s23+$0x0];
	s24 =	sor.u32 s2, s15;
	s23 =	sor.u32 $0xD180, s1  }
0x2e9: {  	v15 =	vunpack.i.u.bf16.f32 v14;
	v1 =	vadd.f32 v28, v1;
	v18 =	vadd.f32 v21, v18;
	v28 =	vld [tilespmem:s24+$0x0];
	s25 =	sor.u32 s2, s23;
	s24 =	sor.u32 $0xD200, s1  }
0x2ea: {  	v23 =	vunpack.i.u.bf16.f32 v23;
	v27 =	vunpack.i.u.bf16.f32 v27;
	v20 =	vunpack.i.l.bf16.f32 v25;
	v31 =	vld [tilespmem:s25+$0x0];
	s26 =	sor.u32 s2, s24;
	s25 =	sor.u32 $0xD280, s1  }
0x2eb: {  	v0 =	vadd.f32 v27, v0;
	v21 =	vunpack.i.l.bf16.f32 v26;
	v18 =	vadd.f32 v20, v18;
	v20 =	vld [tilespmem:s26+$0x0];
	s9 =	sor.u32 s2, s25;
	s26 =	sor.u32 $0xD300, s1  }
0x2ec: {  	v17 =	vunpack.i.u.bf16.f32 v17;
	v3 =	vadd.f32 v23, v3;
	v1 =	vadd.f32 v21, v1;
	v23 =	vld [tilespmem:s9+$0x0];
	s9 =	sor.u32 $0xD380, s1;
	s1 =	sor.u32 s2, s26  }
0x2ed: {  	v14 =	vunpack.i.l.bf16.f32 v14;
	v19 =	vunpack.i.u.bf16.f32 v19;
	v0 =	vadd.f32 v17, v0;
	v27 =	vld [tilespmem:s1+$0x0];
	s1 =	sor.u32 $0x10, s2;
	s2 =	sor.u32 s2, s9  }
0x2ee: {  	v24 =	vunpack.i.u.bf16.f32 v24;
	v3 =	vadd.f32 v19, v3;
	v1 =	vadd.f32 v14, v1;
	v14 =	vld [tilespmem:s2+$0x0];
	s18 =	sor.u32 s1, s18  }
0x2ef: {  	v2 =	vunpack.i.u.bf16.f32 v56;
	v0 =	vadd.f32 v24, v0;
	v13 =	vadd.f32 v13, v18;
	v18 =	vld [tilespmem:s18+$0x0]  }
0x2f0: {  	v9 =	vunpack.i.l.bf16.f32 v9;
	v25 =	vunpack.i.u.bf16.f32 v25;
	v2 =	vadd.f32 v2, v3;
	v19 =	vld [tilespmem:s18+$0x80]  }
0x2f1: {  	v21 =	vunpack.i.u.bf16.f32 v30;
	v17 =	vunpack.i.l.bf16.f32 v30;
	v0 =	vadd.f32 v25, v0;
	v30 =	vld [tilespmem:s18+$0x100]  }
0x2f2: {  	v26 =	vunpack.i.u.bf16.f32 v26;
	v1 =	vadd.f32 v9, v1;
	v9 =	vadd.f32 v17, v13;
	v13 =	vld [tilespmem:s18+$0x180]  }
0x2f3: {  	v57 =	vunpack.i.l.bf16.f32 v7;
	v12 =	vunpack.i.u.bf16.f32 v7;
	v2 =	vadd.f32 v26, v2;
	v7 =	vld [tilespmem:s18+$0x200]  }
0x2f4: {  	v0 =	vadd.f32 v16, v0;
	s21 =	sor.u32 s1, s21;
	v24 =	vld [tilespmem:s18+$0x300]  }
0x2f5: {  	v2 =	vadd.f32 v15, v2;
	v16 =	vld [tilespmem:s21+$0x0];
	s21 =	sor.u32 s1, s17  }
0x2f6: {  	v8 =	vadd.f32 v11, v45;
	v0 =	vadd.f32 v21, v0;
	s17 =	sor.u32 s1, s19;
	s19 =	sor.u32 s1, s29;
	v21 =	vld [tilespmem:s21+$0x0]  }
0x2f7: {  	v11 =	vunpack.i.u.bf16.f32 v6;
	v6 =	vunpack.i.l.bf16.f32 v6;
	v2 =	vadd.f32 v10, v2;
	v32 =	vld [tilespmem:s19+$0x0]  }
0x2f8: {  	v17 =	vunpack.i.l.bf16.f32 v22;
	v15 =	vunpack.i.l.bf16.f32 v31;
	s21 =	sor.u32 s1, s22;
	s22 =	sor.u32 s1, s13;
	s13 =	sor.u32 s1, s28;
	v3 =	vadd.f32 v57, v9;
	v9 =	vld [tilespmem:s18+$0x280]  }
0x2f9: {  	v1 =	vadd.f32 v6, v1;
	v6 =	vunpack.i.l.bf16.f32 v29;
	v2 =	vadd.f32 v11, v2;
	v35 =	vld [tilespmem:s13+$0x0]  }
0x2fa: {  	v10 =	vunpack.i.l.bf16.f32 v23;
	v0 =	vadd.f32 v12, v0;
	v58 =	vld [tilespmem:s21+$0x0];
	v3 =	vadd.f32 v17, v3  }
0x2fb: {  	v12 =	vunpack.i.u.bf16.f32 v29;
	v1 =	vadd.f32 v6, v1;
	v6 =	vunpack.i.l.bf16.f32 v28;
	v17 =	vld [tilespmem:s18+$0x380];
	s18 =	sor.u32 s1, s14;
	s14 =	sor.u32 s1, s10;
	s10 =	sld [smem:$0x7EF]  }
0x2fc: {  	v33 =	vld [tilespmem:s22+$0x0];
	s21 =	sor.u32 s1, s8;
	v2 =	vadd.f32 v12, v2;
	v12 =	vunpack.i.u.bf16.f32 v18;
	v3 =	vadd.f32 v15, v3  }
0x2fd: {  	v37 =	vld [tilespmem:s21+$0x0];
	v18 =	vunpack.i.l.bf16.f32 v18;
	v59 =	vunpack.i.u.bf16.f32 v30;
	v1 =	vadd.f32 v6, v1  }
0x2fe: {  	v6 =	vunpack.i.l.bf16.f32 v20;
	v15 =	vld [tilespmem:s18+$0x0];
	s2 =	sor.u32 s1, s10;
	v62 =	vunpack.i.u.bf16.f32 v35;
	v3 =	vadd.f32 v10, v3  }
0x2ff: {  	s18 =	simm.s32 $0xDC20;
	v1 =	vadd.f32 v6, v1;
	v6 =	vunpack.i.l.bf16.f32 v27;
	v10 =	vunpack.i.l.bf16.f32 v14;
	v34 =	vld [tilespmem:s2+$0x0]  }
0x300: {  	v11 =	vld [tilespmem:s18+$0x0];
	v14 =	vunpack.i.u.bf16.f32 v14;
	v3 =	vadd.f32 v10, v3;
	v10 =	vunpack.i.u.bf16.f32 v22  }
0x301: {  	v1 =	vadd.f32 v6, v1;
	v6 =	vld [tilespmem:s17+$0x0];
	s17 =	sor.u32 s1, s7;
	v0 =	vadd.f32 v10, v0;
	v10 =	vunpack.i.u.bf16.f32 v28  }
0x302: {  	s22 =	sor.u32 s1, s5;
	v22 =	vunpack.i.l.bf16.f32 v30;
	v36 =	vld [tilespmem:s17+$0x0];
	v2 =	vadd.f32 v10, v2;
	v10 =	vunpack.i.u.bf16.f32 v31  }
0x303: {  	v38 =	vld [tilespmem:s22+$0x0];
	v1 =	vadd.f32 v3, v1;
	v3 =	vunpack.i.u.bf16.f32 v58;
	v0 =	vadd.f32 v10, v0  }
0x304: {  	v26 =	vld [tilespmem:s14+$0x0];
	s7 =	sor.u32 s1, s30;
	v10 =	vunpack.i.u.bf16.f32 v19;
	v19 =	vunpack.i.l.bf16.f32 v19;
	v61 =	vunpack.i.u.bf16.f32 v34  }
0x305: {  	s14 =	sor.u32 s1, s31;
	v28 =	vld [tilespmem:s7+$0x0];
	v1 =	vadd.f32 v1, v11;
	v11 =	vunpack.i.u.bf16.f32 v20;
	v20 =	vunpack.i.u.bf16.f32 v23  }
0x306: {  	v2 =	vadd.f32 v11, v2;
	v0 =	vadd.f32 v20, v0;
	v11 =	vunpack.i.u.bf16.f32 v27;
	v27 =	vld [tilespmem:s14+$0x0];
	s14 =	sor.u32 s1, s11  }
0x307: {  	s19 =	simm.s32 $0xDDA0;
	[tilespmem:s18+$0x0] =	vst v1;
	v1 =	vadd.f32 v59, v12;
	v12 =	vunpack.i.l.bf16.f32 v13;
	v23 =	vld [tilespmem:s14+$0x0];
	v63 =	vunpack.i.u.bf16.f32 v36  }
0x308: {  	s31 =	sor.u32 s1, s3;
	v20 =	vld [tilespmem:s19+$0x0];
	v2 =	vadd.f32 v11, v2;
	v0 =	vadd.f32 v14, v0;
	v11 =	vunpack.i.u.bf16.f32 v13  }
0x309: {  	s13 =	sor.u32 s1, s12;
	v14 =	vadd.f32 v22, v18;
	v60 =	vadd.f32 v12, v19;
	v13 =	vunpack.i.u.bf16.f32 v7;
	v12 =	vld [tilespmem:s31+$0x0]  }
0x30a: {  	s28 =	sor.u32 s1, s6;
	s3 =	sor.u32 s1, s4;
	v7 =	vunpack.i.l.bf16.f32 v7;
	v19 =	vunpack.i.u.bf16.f32 v9;
	s4 =	sld [smem:$0x7F0];
	v22 =	vld [tilespmem:s13+$0x0];
	v18 =	vadd.f32 v11, v10  }
0x30b: {  	v9 =	vunpack.i.l.bf16.f32 v9;
	s5 =	sld [smem:$0x7F1];
	v11 =	vld [tilespmem:s28+$0x0];
	v1 =	vadd.f32 v13, v1;
	v0 =	vadd.f32 v0, v2  }
0x30c: {  	s0 =	sor.u32 s1, s0;
	v13 =	vunpack.i.u.bf16.f32 v24;
	v10 =	vld [tilespmem:s3+$0x0];
	v7 =	vadd.f32 v7, v14;
	v2 =	vadd.f32 v9, v60  }
0x30d: {  	v9 =	vld [tilespmem:s0+$0x0];
	v14 =	vadd.f32 v19, v18;
	v18 =	vunpack.i.l.bf16.f32 v24;
	v19 =	vunpack.i.u.bf16.f32 v17;
	s0 =	sor.u32 s1, s4  }
0x30e: {  	s6 =	sld [smem:$0x7F2];
	v1 =	vadd.f32 v13, v1;
	v13 =	vunpack.i.l.bf16.f32 v17;
	v17 =	vunpack.i.u.bf16.f32 v15;
	v30 =	vld [tilespmem:s0+$0x0];
	s0 =	sor.u32 s1, s5  }
0x30f: {  	s21 =	sor.u32 s1, s23;
	s23 =	sor.u32 s1, s25;
	v15 =	vunpack.i.l.bf16.f32 v15;
	v7 =	vadd.f32 v18, v7;
	v2 =	vadd.f32 v13, v2;
	v31 =	vld [tilespmem:s0+$0x0]  }
0x310: {  	s25 =	sor.u32 s1, s26;
	s26 =	sor.u32 s1, s9;
	s8 =	sld [smem:$0x7F3];
	v13 =	vadd.f32 v19, v14;
	v14 =	vunpack.i.u.bf16.f32 v16;
	v16 =	vunpack.i.l.bf16.f32 v16;
	v19 =	vld [tilespmem:s21+$0x0]  }
0x311: {  	v18 =	vunpack.i.u.bf16.f32 v27;
	v0 =	vadd.f32 v20, v0;
	s0 =	sor.u32 s1, s6;
	v20 =	vld [tilespmem:s26+$0x0];
	v7 =	vadd.f32 v16, v7  }
0x312: {  	s17 =	sor.u32 s1, s15;
	s10 =	sld [smem:$0x7F4];
	v29 =	vld [tilespmem:s0+$0x0];
	v1 =	vadd.f32 v14, v1;
	v14 =	vunpack.i.u.bf16.f32 v21;
	v2 =	vadd.f32 v15, v2  }
0x313: {  	s0 =	sor.u32 s1, s8;
	v15 =	vunpack.i.l.bf16.f32 v21;
	v16 =	vunpack.i.l.bf16.f32 v26;
	v21 =	vld [tilespmem:s17+$0x0];
	v13 =	vadd.f32 v17, v13  }
0x314: {  	v25 =	vld [tilespmem:s0+$0x0];
	v7 =	vadd.f32 v15, v7;
	v15 =	vunpack.i.u.bf16.f32 v26;
	v1 =	vadd.f32 v14, v1  }
0x315: {  	s22 =	sor.u32 s1, s24;
	s24 =	simm.s32 $0x0;
	s0 =	sor.u32 s1, s10;
	v17 =	vld [tilespmem:s23+$0x0];
	v2 =	vadd.f32 v16, v2;
	v14 =	vunpack.i.u.bf16.f32 v6;
	v6 =	vunpack.i.l.bf16.f32 v6  }
0x316: {  	v24 =	vld [tilespmem:s0+$0x0];
	s0 =	sand.u32 $0x180, s24;
	v13 =	vadd.f32 v15, v13;
	v15 =	vunpack.i.u.bf16.f32 v32;
	v6 =	vadd.f32 v6, v7  }
0x317: {  	s28 =	rddreg [dreg:$0x1a];
	v16 =	vld [tilespmem:s22+$0x0];
	s29 =	sor.u32 s0, s20;
	v1 =	vadd.f32 v14, v1;
	v7 =	vunpack.i.l.bf16.f32 v32;
	v14 =	vunpack.i.l.bf16.f32 v33  }
0x318: {  	p0 =	seq.s32 s28, $0x4;
	s2 =	sadd.s32 $0x1, s28;
	v45 =	vld [tilespmem:s29+$0xDC00];
	v2 =	vadd.f32 v7, v2;
	v7 =	vadd.f32 v15, v13;
	v13 =	vunpack.i.l.bf16.f32 v58  }
0x319: {  	s2 =	simm.s32 @p0 $0x0;
	v46 =	vld [tilespmem:s29+$0xDD80];
	v32 =	vunpack.i.u.bf16.f32 v38;
	v6 =	vadd.f32 v13, v6;
	v13 =	vunpack.i.u.bf16.f32 v33  }
0x31a: {  	s31 =	simm.s32 $0xDD80;
	v15 =	vunpack.i.l.bf16.f32 v35;
	v1 =	vadd.f32 v3, v1;
	v7 =	vadd.f32 v13, v7;
	v13 =	vld [tilespmem:s25+$0x0];
	[dreg:$0x1c] =	wrdreg s2  }
0x31b: {  	s30 =	sand.u32 $0x180, s16;
	s0 =	simm.s32 $0x1;
	v35 =	vunpack.i.l.bf16.f32 v37;
	v2 =	vadd.f32 v14, v2;
	v14 =	vunpack.i.l.bf16.f32 v34;
	[tilespmem:s31+$0x0] =	vst v8  }
0x31c: {  	s20 =	sor.u32 s30, s1;
	s0 =	simm.s32 @!p0 $0x0;
	v33 =	vunpack.i.u.bf16.f32 v37;
	v14 =	vadd.f32 v14, v6;
	v1 =	vadd.f32 v61, v1;
	s1 =	rddreg [dreg:$0x19]  }
0x31d: {  	v2 =	vadd.f32 v15, v2;
	v15 =	vunpack.i.l.bf16.f32 v27;
	v3 =	vadd.f32 v62, v7;
	s0 =	sadd.s32 s0, s1  }
0x31e: {  	v8 =	vld [tilespmem:s20+$0xDC00];
	v14 =	vadd.f32 v15, v14;
	v15 =	vadd.f32 v18, v1;
	v18 =	vunpack.i.l.bf16.f32 v36;
	[dreg:$0x1d] =	wrdreg s0  }
0x31f: {  	s6 =	simm.s32 $0x2;
	s8 =	simm.s32 $0x200;
	v34 =	vunpack.i.l.bf16.f32 v38;
	v26 =	vadd.f32 v18, v2;
	v27 =	vadd.f32 v63, v3;
	v18 =	vld [tilespmem:s20+$0xDD80];
	[tilespmem:s19+$0x0] =	vst v0  }
.LBB2_9:
0x320: {  	s21 =	sand.u32 $0xC00, s8;
	s16 =	sadd.s32 $0x20, s16  }
0x321: {  	v2 =	vunpack.i.u.bf16.f32 v11;
	v11 =	vunpack.i.l.bf16.f32 v11;
	s12 =	sand.u32 $0x60, s16;
	s0 =	sadd.s32 $0xC700, s21;
	s9 =	sadd.s32 $0xC780, s21  }
0x322: {  	v55 =	vunpack.i.u.bf16.f32 v10;
	v0 =	vadd.f32 v35, v14;
	v1 =	vadd.f32 v33, v15;
	s2 =	sadd.s32 $0xC600, s21;
	s3 =	sadd.s32 $0xC680, s21;
	s30 =	sadd.s32 $0xC500, s21  }
0x323: {  	v10 =	vunpack.i.l.bf16.f32 v10;
	v3 =	vadd.f32 v34, v26;
	v26 =	vadd.f32 v32, v27;
	s5 =	sadd.s32 $0xC580, s21;
	s10 =	sadd.s32 $0xC400, s21;
	s1 =	sor.u32 s12, s0  }
0x324: {  	s17 =	sadd.s32 $0xC480, s21;
	s22 =	sadd.s32 $0xBB00, s21;
	s25 =	sor.u32 s12, s9;
	v0 =	vadd.f32 v11, v0;
	v11 =	vunpack.i.u.bf16.f32 v12;
	v12 =	vunpack.i.l.bf16.f32 v12;
	v4 =	vld [tilespmem:s1+$0x0]  }
0x325: {  	s24 =	sor.u32 $0x10, s12;
	s26 =	sor.u32 s12, s2;
	s31 =	sor.u32 s12, s3;
	v1 =	vadd.f32 v2, v1;
	v5 =	vld [tilespmem:s25+$0x0];
	v56 =	vunpack.i.l.bf16.f32 v9;
	v54 =	vadd.f32 v12, v3  }
0x326: {  	s4 =	sor.u32 s12, s30;
	s13 =	sor.u32 s12, s5;
	s15 =	sor.u32 s12, s10;
	v7 =	vld [tilespmem:s26+$0x0];
	v11 =	vadd.f32 v11, v26;
	v12 =	vunpack.i.u.bf16.f32 v9;
	v58 =	vunpack.i.u.bf16.f32 v29  }
0x327: {  	s23 =	sor.u32 s12, s17;
	s0 =	sor.u32 s24, s0;
	s28 =	sor.u32 s24, s2;
	v27 =	vld [tilespmem:s31+$0x0];
	v59 =	vunpack.i.u.bf16.f32 v24;
	v60 =	vunpack.i.u.bf16.f32 v23;
	v23 =	vunpack.i.l.bf16.f32 v23  }
0x328: {  	s3 =	sor.u32 s24, s3;
	s7 =	sor.u32 s24, s30;
	s14 =	sor.u32 s24, s5;
	v15 =	vld [tilespmem:s15+$0x0];
	v0 =	vadd.f32 v10, v0;
	v1 =	vadd.f32 v55, v1;
	v10 =	vunpack.i.u.bf16.f32 v30  }
0x329: {  	s26 =	sor.u32 s12, s22;
	s30 =	sor.u32 s24, s22;
	s22 =	sadd.s32 $0xB800, s21;
	v26 =	vld [tilespmem:s4+$0x0];
	v2 =	vadd.f32 v56, v54;
	v57 =	vadd.f32 v12, v11;
	v11 =	vunpack.i.l.bf16.f32 v30  }
0x32a: {  	[dreg:$0x4] =	wrdreg s0;
	s0 =	sor.u32 s24, s10;
	v14 =	vld [tilespmem:s26+$0x0];
	s10 =	sadd.s32 $0xB900, s21;
	v12 =	vunpack.i.u.bf16.f32 v31;
	v31 =	vunpack.i.l.bf16.f32 v31;
	v0 =	vadd.f32 v11, v0  }
0x32b: {  	s15 =	sor.u32 s12, s10;
	s1 =	sor.u32 s24, s10;
	s10 =	sor.u32 s12, s22;
	v30 =	vld [tilespmem:s13+$0x0];
	v1 =	vadd.f32 v10, v1;
	v11 =	vunpack.i.l.bf16.f32 v29;
	v2 =	vadd.f32 v31, v2  }
0x32c: {  	s25 =	sor.u32 s24, s17;
	s17 =	sadd.s32 $0xB980, s21;
	[dreg:$0x6] =	wrdreg s28;
	v33 =	vld [tilespmem:s10+$0x0];
	v3 =	vadd.f32 v12, v57;
	v31 =	vunpack.i.u.bf16.f32 v28;
	v12 =	vunpack.i.l.bf16.f32 v28  }
0x32d: {  	[dreg:$0x8] =	wrdreg s3;
	s28 =	sadd.s32 $0xBB80, s21;
	v29 =	vld [tilespmem:s23+$0x0];
	s23 =	sor.u32 s12, s17;
	v28 =	vunpack.i.u.bf16.f32 v25;
	v62 =	vunpack.i.u.bf16.f32 v7;
	v63 =	vunpack.i.u.bf16.f32 v4  }
0x32e: {  	s31 =	sadd.s32 $0xBA00, s21;
	[dreg:$0xa] =	wrdreg s7;
	s5 =	sor.u32 s12, s28;
	v32 =	vld [tilespmem:s23+$0x0];
	v49 =	vunpack.i.u.bf16.f32 v15;
	v0 =	vadd.f32 v11, v0;
	v1 =	vadd.f32 v58, v1  }
0x32f: {  	[dreg:$0xc] =	wrdreg s14;
	s7 =	sor.u32 s12, s31;
	s4 =	sadd.s32 $0xBA80, s21;
	v51 =	vunpack.i.u.bf16.f32 v14;
	v2 =	vadd.f32 v12, v2;
	v12 =	vld [tilespmem:s5+$0x0];
	v3 =	vadd.f32 v31, v3  }
0x330: {  	[dreg:$0x10] =	wrdreg s25;
	s2 =	sor.u32 s24, s31;
	s13 =	sor.u32 s12, s4;
	v31 =	vunpack.i.l.bf16.f32 v25;
	v25 =	vld [tilespmem:s7+$0x0];
	v1 =	vadd.f32 v28, v1;
	v28 =	vunpack.i.l.bf16.f32 v24  }
0x331: {  	s25 =	sadd.s32 $0xAF00, s21;
	s14 =	sor.u32 s24, s28;
	s28 =	sadd.s32 $0xAE00, s21;
	v0 =	vadd.f32 v31, v0;
	v24 =	vld [tilespmem:s13+$0x0];
	v57 =	vunpack.i.u.bf16.f32 v33;
	v2 =	vadd.f32 v28, v2  }
0x332: {  	[dreg:$0xe] =	wrdreg s0;
	s7 =	sor.u32 s24, s22;
	s22 =	sor.u32 s12, s28;
	v31 =	vld [tilespmem:s15+$0x0];
	v3 =	vadd.f32 v59, v3;
	v28 =	vunpack.i.u.bf16.f32 v22;
	v22 =	vunpack.i.l.bf16.f32 v22  }
0x333: {  	s23 =	sadd.s32 $0xAE80, s21;
	s5 =	sor.u32 s24, s4;
	s15 =	sor.u32 s12, s25;
	v37 =	vld [tilespmem:s22+$0x0];
	v50 =	vunpack.i.u.bf16.f32 v29;
	v0 =	vadd.f32 v22, v0;
	v1 =	vadd.f32 v28, v1  }
0x334: {  	s4 =	sor.u32 s24, s17;
	s13 =	sadd.s32 $0xB880, s21;
	s22 =	sor.u32 s12, s23;
	v35 =	vld [tilespmem:s15+$0x0];
	v22 =	vunpack.i.u.bf16.f32 v21;
	v21 =	vunpack.i.l.bf16.f32 v21;
	v28 =	vunpack.i.u.bf16.f32 v30  }
0x335: {  	s17 =	sadd.s32 $0xAF80, s21;
	s26 =	sor.u32 s12, s13;
	s10 =	sor.u32 s24, s13;
	v38 =	vld [tilespmem:s22+$0x0];
	v56 =	vunpack.i.u.bf16.f32 v32;
	v2 =	vadd.f32 v23, v2;
	v3 =	vadd.f32 v60, v3  }
0x336: {  	s13 =	sor.u32 s24, s25;
	s15 =	sor.u32 s12, s17;
	s25 =	sadd.s32 $0xAD00, s21;
	v34 =	vld [tilespmem:s26+$0x0];
	v0 =	vadd.f32 v21, v0;
	v21 =	vunpack.i.u.bf16.f32 v19;
	v19 =	vunpack.i.l.bf16.f32 v19  }
0x337: {  	s3 =	sor.u32 s24, s28;
	s22 =	sadd.s32 $0xAC00, s21;
	v36 =	vld [tilespmem:s15+$0x0];
	s26 =	sor.u32 s12, s25;
	v1 =	vadd.f32 v22, v1;
	v22 =	vunpack.i.u.bf16.f32 v26;
	v53 =	vunpack.i.u.bf16.f32 v25  }
0x338: {  	s15 =	sor.u32 s24, s23;
	s23 =	sadd.s32 $0xAD80, s21;
	s28 =	sor.u32 s12, s22;
	v39 =	vld [tilespmem:s26+$0x0];
	v52 =	vunpack.i.u.bf16.f32 v12;
	v2 =	vadd.f32 v19, v2;
	v19 =	vunpack.i.u.bf16.f32 v16  }
0x339: {  	s0 =	sor.u32 s24, s25;
	s25 =	sor.u32 s12, s23;
	s26 =	sadd.s32 $0xAC80, s21;
	v41 =	vld [tilespmem:s28+$0x0];
	v3 =	vadd.f32 v21, v3;
	v16 =	vunpack.i.l.bf16.f32 v16;
	v21 =	vunpack.i.u.bf16.f32 v17  }
0x33a: {  	s31 =	sor.u32 s24, s17;
	v40 =	vld [tilespmem:s25+$0x0];
	s25 =	sor.u32 $0xA000, s21;
	s28 =	sor.u32 s12, s26;
	v0 =	vadd.f32 v16, v0;
	v1 =	vadd.f32 v19, v1;
	v16 =	vunpack.i.l.bf16.f32 v17  }
0x33b: {  	v8 =	vmovc v8;
	s17 =	sor.u32 s24, s23;
	s23 =	sor.u32 s24, s26;
	s26 =	sor.u32 s12, s25;
	v42 =	vld [tilespmem:s28+$0x0];
	v17 =	vunpack.i.u.bf16.f32 v20;
	v19 =	vunpack.i.l.bf16.f32 v20;
	v20 =	vadd.f32 v46, v43  }
0x33c: {  	v6 =	vmovc v18;
	[tilespmem:$0x1FF40] =	vst v8;
	v43 =	vld [tilespmem:s26+$0x300];
	v2 =	vadd.f32 v16, v2;
	v16 =	vunpack.i.u.bf16.f32 v13;
	v13 =	vunpack.i.l.bf16.f32 v13  }
0x33d: {  	[tilespmem:$0x1FF50] =	vst v6;
	v54 =	vunpack.i.u.bf16.f32 v24;
	v6 =	vld [tilespmem:s26+$0x380];
	v3 =	vadd.f32 v21, v3;
	v0 =	vadd.f32 v13, v0  }
0x33e: {  	[tilespmem:$0x1FEF0] =	vst v62;
	v55 =	vunpack.i.u.bf16.f32 v31;
	v8 =	vld [tilespmem:s26+$0x200];
	v1 =	vadd.f32 v16, v1;
	v2 =	vadd.f32 v19, v2  }
0x33f: {  	[tilespmem:$0x1FF00] =	vst v63;
	v3 =	vadd.f32 v17, v3;
	v17 =	vadd.f32 v44, v45;
	v45 =	vld [tilespmem:s26+$0x180];
	v16 =	vmovc v4;
	v4 =	vunpack.i.u.bf16.f32 v5  }
0x340: {  	v62 =	vunpack.i.u.bf16.f32 v37;
	v58 =	vunpack.i.u.bf16.f32 v35;
	v63 =	vunpack.i.u.bf16.f32 v38;
	[tilespmem:$0x1FF10] =	vst v4;
	v4 =	vld [tilespmem:s26+$0x0]  }
0x341: {  	v21 =	vunpack.i.u.bf16.f32 v27;
	v59 =	vunpack.i.u.bf16.f32 v36;
	v0 =	vadd.f32 v2, v0;
	v2 =	vld [tilespmem:s26+$0x80]  }
0x342: {  	v60 =	vunpack.i.u.bf16.f32 v34;
	v10 =	vunpack.i.u.bf16.f32 v41;
	v61 =	vadd.f32 v3, v1;
	v3 =	vld [tilespmem:s26+$0x100]  }
0x343: {  	v11 =	vunpack.i.u.bf16.f32 v40;
	v9 =	vunpack.i.u.bf16.f32 v42;
	v42 =	vunpack.i.l.bf16.f32 v42  }
0x344: {  	v18 =	vld [tilespmem:s26+$0x280];
	v13 =	vmovc v7;
	v46 =	vunpack.i.u.bf16.f32 v43;
	v7 =	vunpack.i.u.bf16.f32 v6;
	v6 =	vunpack.i.l.bf16.f32 v6;
	[tilespmem:$0x1FF20] =	vst v0  }
0x345: {  	[tilespmem:$0x1FF30] =	vst v61;
	v61 =	vunpack.i.u.bf16.f32 v39;
	v0 =	vunpack.i.l.bf16.f32 v8;
	v39 =	vunpack.i.l.bf16.f32 v39  }
0x346: {  	[tilespmem:s29+$0xDD80] =	vst v20;
	v19 =	vmovc v5;
	v5 =	vunpack.i.l.bf16.f32 v45;
	v20 =	vunpack.i.l.bf16.f32 v4;
	v44 =	vunpack.i.l.bf16.f32 v2  }
0x347: {  	v47 =	vunpack.i.l.bf16.f32 v3;
	v4 =	vunpack.i.u.bf16.f32 v4;
	v2 =	vunpack.i.u.bf16.f32 v2  }
0x348: {  	s25 =	sor.u32 s24, s25;
	[tilespmem:s29+$0xDC00] =	vst v17;
	v3 =	vunpack.i.u.bf16.f32 v3;
	v47 =	vadd.f32 v47, v20;
	v1 =	vadd.f32 v5, v44  }
0x349: {  	v23 =	vld [tilespmem:s25+$0x0];
	v5 =	vunpack.i.u.bf16.f32 v18;
	v18 =	vunpack.i.l.bf16.f32 v18;
	v3 =	vadd.f32 v3, v4  }
0x34a: {  	v48 =	vld [tilespmem:s25+$0x80];
	v44 =	vunpack.i.u.bf16.f32 v8;
	v0 =	vadd.f32 v0, v47;
	v1 =	vadd.f32 v18, v1  }
0x34b: {  	v17 =	vld [tilespmem:s25+$0x100];
	v4 =	vunpack.i.l.bf16.f32 v40;
	v47 =	vunpack.i.l.bf16.f32 v43;
	v3 =	vadd.f32 v44, v3  }
0x34c: {  	v20 =	vld [tilespmem:s25+$0x180];
	v47 =	vadd.f32 v47, v0;
	v1 =	vadd.f32 v6, v1;
	v6 =	vunpack.i.u.bf16.f32 v45  }
0x34d: {  	v8 =	vld [tilespmem:s25+$0x200];
	v45 =	vunpack.i.l.bf16.f32 v41;
	v3 =	vadd.f32 v46, v3;
	v2 =	vadd.f32 v6, v2  }
0x34e: {  	v40 =	vunpack.i.l.bf16.f32 v38;
	v38 =	vld [tilespmem:s15+$0x0];
	v45 =	vadd.f32 v45, v47;
	v1 =	vadd.f32 v42, v1  }
0x34f: {  	v18 =	vld [tilespmem:s25+$0x280];
	v44 =	vunpack.i.l.bf16.f32 v35;
	v3 =	vadd.f32 v10, v3;
	v2 =	vadd.f32 v5, v2  }
0x350: {  	v43 =	vld [tilespmem:s25+$0x300];
	v6 =	vadd.f32 v39, v45;
	v1 =	vadd.f32 v4, v1;
	v4 =	vunpack.i.l.bf16.f32 v37  }
0x351: {  	v35 =	vld [tilespmem:s13+$0x0];
	v3 =	vadd.f32 v61, v3;
	v61 =	vunpack.i.l.bf16.f32 v25;
	v2 =	vadd.f32 v7, v2  }
0x352: {  	s22 =	sor.u32 s24, s22;
	v0 =	vld [tilespmem:s25+$0x380];
	v4 =	vadd.f32 v4, v6;
	v1 =	vadd.f32 v40, v1;
	v6 =	vunpack.i.l.bf16.f32 v36  }
0x353: {  	v41 =	vld [tilespmem:s22+$0x0];
	v40 =	vunpack.i.l.bf16.f32 v33;
	v3 =	vadd.f32 v62, v3;
	v2 =	vadd.f32 v9, v2  }
0x354: {  	v46 =	vld [tilespmem:s31+$0x0];
	v4 =	vadd.f32 v44, v4;
	v1 =	vadd.f32 v6, v1;
	v6 =	vunpack.i.l.bf16.f32 v34  }
0x355: {  	s13 =	sor.u32 $0xD000, s21;
	v47 =	vld [tilespmem:s23+$0x0];
	v44 =	vunpack.i.l.bf16.f32 v31;
	v3 =	vadd.f32 v58, v3;
	v2 =	vadd.f32 v11, v2  }
0x356: {  	s11 =	sand.u32 $0x180, s16;
	s15 =	sor.u32 s12, s13;
	s31 =	sor.u32 $0xD200, s21;
	v39 =	vld [tilespmem:s10+$0x0];
	v58 =	vunpack.i.l.bf16.f32 v26;
	v4 =	vadd.f32 v40, v4;
	v1 =	vadd.f32 v6, v1  }
0x357: {  	s11 =	sor.u32 s11, s24;
	s10 =	sor.u32 s12, s31;
	v7 =	vld [tilespmem:s15+$0x0];
	v6 =	vunpack.i.l.bf16.f32 v32;
	v3 =	vadd.f32 v57, v3;
	v2 =	vadd.f32 v63, v2  }
0x358: {  	s29 =	smov.u32 s20;
	s20 =	smov.u32 s11;
	s11 =	sor.u32 $0xD280, s21;
	v26 =	vld [tilespmem:s10+$0x0];
	v63 =	vunpack.i.l.bf16.f32 v14;
	v14 =	vunpack.i.l.bf16.f32 v27;
	v4 =	vadd.f32 v44, v4  }
0x359: {  	v42 =	vld [tilespmem:s0+$0x0];
	s0 =	sor.u32 s24, s13;
	s13 =	sor.u32 s12, s11;
	v1 =	vadd.f32 v6, v1;
	v6 =	vunpack.i.l.bf16.f32 v24;
	v44 =	vunpack.i.l.bf16.f32 v15  }
0x35a: {  	s25 =	sor.u32 $0xD100, s21;
	v27 =	vld [tilespmem:s13+$0x0];
	v3 =	vadd.f32 v55, v3;
	v24 =	vunpack.i.l.bf16.f32 v19;
	v2 =	vadd.f32 v59, v2  }
0x35b: {  	s26 =	sor.u32 s12, s25;
	v45 =	vld [tilespmem:s17+$0x0];
	v59 =	vunpack.i.l.bf16.f32 v13;
	v4 =	vadd.f32 v61, v4;
	v1 =	vadd.f32 v6, v1  }
0x35c: {  	v15 =	vld [tilespmem:s26+$0x0];
	v6 =	vunpack.i.l.bf16.f32 v12;
	v3 =	vadd.f32 v53, v3;
	v61 =	vunpack.i.l.bf16.f32 v7  }
0x35d: {  	v33 =	vld [tilespmem:s1+$0x0];
	v53 =	vunpack.i.l.bf16.f32 v26;
	v7 =	vunpack.i.u.bf16.f32 v7;
	v2 =	vadd.f32 v60, v2  }
0x35e: {  	v12 =	vld [tilespmem:s14+$0x0];
	s14 =	rddreg [dreg:$0xe];
	v60 =	vunpack.i.l.bf16.f32 v16;
	v4 =	vadd.f32 v63, v4;
	v1 =	vadd.f32 v6, v1  }
0x35f: {  	s17 =	sor.u32 $0xD080, s21;
	v10 =	vld [tilespmem:s14+$0x0];
	s14 =	sor.u32 $0xD300, s21;
	v6 =	vunpack.i.l.bf16.f32 v29;
	v3 =	vadd.f32 v51, v3;
	v19 =	vunpack.i.l.bf16.f32 v27  }
0x360: {  	s23 =	sor.u32 s12, s17;
	s1 =	sor.u32 s24, s17;
	v13 =	vld [tilespmem:$0x1FEF0];
	s17 =	sor.u32 s12, s14;
	v51 =	vunpack.i.l.bf16.f32 v42;
	v2 =	vadd.f32 v56, v2;
	v4 =	vadd.f32 v44, v4  }
0x361: {  	v62 =	vld [tilespmem:s17+$0x0];
	v63 =	vunpack.i.l.bf16.f32 v15;
	v1 =	vadd.f32 v6, v1;
	v3 =	vadd.f32 v49, v3  }
0x362: {  	v6 =	vunpack.i.l.bf16.f32 v30;
	v2 =	vadd.f32 v54, v2;
	v4 =	vadd.f32 v58, v4  }
0x363: {  	s28 =	sor.u32 $0xD180, s21;
	v56 =	vunpack.i.u.bf16.f32 v15;
	v1 =	vadd.f32 v6, v1;
	v6 =	vld [tilespmem:s23+$0x0];
	v3 =	vadd.f32 v22, v3  }
0x364: {  	v11 =	vld [tilespmem:s30+$0x0];
	s30 =	sor.u32 s12, s28;
	v49 =	vunpack.i.l.bf16.f32 v41;
	v2 =	vadd.f32 v52, v2;
	v4 =	vadd.f32 v59, v4  }
0x365: {  	v58 =	vunpack.i.l.bf16.f32 v23;
	v1 =	vadd.f32 v14, v1;
	v14 =	vld [tilespmem:s30+$0x0];
	v3 =	vadd.f32 v13, v3  }
0x366: {  	v54 =	vunpack.i.l.bf16.f32 v62;
	v13 =	vld [tilespmem:$0x1FF00];
	v59 =	vunpack.i.u.bf16.f32 v48;
	v2 =	vadd.f32 v50, v2  }
0x367: {  	v50 =	vunpack.i.u.bf16.f32 v42;
	v4 =	vadd.f32 v60, v4;
	v1 =	vadd.f32 v24, v1  }
0x368: {  	v37 =	vld [tilespmem:s3+$0x0];
	s21 =	sor.u32 $0xD380, s21;
	v60 =	vunpack.i.u.bf16.f32 v17;
	v24 =	vunpack.i.l.bf16.f32 v6;
	v2 =	vadd.f32 v28, v2  }
0x369: {  	v36 =	vld [tilespmem:s7+$0x0];
	s23 =	sor.u32 s12, s21;
	v55 =	vunpack.i.u.bf16.f32 v6;
	v6 =	vunpack.i.u.bf16.f32 v23;
	v4 =	vadd.f32 v61, v4  }
0x36a: {  	v52 =	vld [tilespmem:s23+$0x0];
	v1 =	vadd.f32 v24, v1;
	v22 =	vunpack.i.l.bf16.f32 v14;
	v2 =	vadd.f32 v21, v2  }
0x36b: {  	v3 =	vadd.f32 v13, v3;
	v13 =	vld [tilespmem:$0x1FF10];
	v57 =	vunpack.i.u.bf16.f32 v14;
	v14 =	vunpack.i.l.bf16.f32 v48  }
0x36c: {  	v48 =	vunpack.i.u.bf16.f32 v41;
	v4 =	vadd.f32 v63, v4;
	v1 =	vadd.f32 v22, v1  }
0x36d: {  	v63 =	vunpack.i.l.bf16.f32 v43;
	v3 =	vadd.f32 v7, v3;
	v7 =	vunpack.i.u.bf16.f32 v26  }
0x36e: {  	v26 =	vunpack.i.l.bf16.f32 v17;
	v4 =	vadd.f32 v53, v4;
	v1 =	vadd.f32 v19, v1  }
0x36f: {  	s18 =	sadd.s32 $0x20, s18;
	v5 =	vadd.f32 v26, v58;
	v53 =	vunpack.i.u.bf16.f32 v37;
	v58 =	vunpack.i.u.bf16.f32 v36  }
0x370: {  	v16 =	vld [tilespmem:s18+$0x0];
	v3 =	vadd.f32 v56, v3;
	v2 =	vadd.f32 v13, v2;
	v13 =	vunpack.i.l.bf16.f32 v52  }
0x371: {  	v56 =	vunpack.i.u.bf16.f32 v35;
	v4 =	vadd.f32 v54, v4;
	v1 =	vadd.f32 v13, v1  }
0x372: {  	v32 =	vld [tilespmem:s2+$0x0];
	v54 =	vunpack.i.l.bf16.f32 v37;
	v3 =	vadd.f32 v7, v3;
	v2 =	vadd.f32 v55, v2  }
0x373: {  	s22 =	rddreg [dreg:$0x10];
	v13 =	vunpack.i.u.bf16.f32 v27;
	v7 =	vunpack.i.u.bf16.f32 v62;
	v1 =	vadd.f32 v1, v4  }
0x374: {  	v9 =	vld [tilespmem:s22+$0x0];
	v3 =	vadd.f32 v7, v3;
	v7 =	vunpack.i.u.bf16.f32 v20;
	v2 =	vadd.f32 v57, v2  }
0x375: {  	v34 =	vld [tilespmem:s4+$0x0];
	v55 =	vunpack.i.l.bf16.f32 v38;
	v4 =	vadd.f32 v7, v59;
	v1 =	vadd.f32 v1, v16  }
0x376: {  	v40 =	vld [tilespmem:s5+$0x0];
	s5 =	sor.u32 s24, s31;
	s31 =	rddreg [dreg:$0x4];
	v7 =	vunpack.i.l.bf16.f32 v8;
	v57 =	vunpack.i.l.bf16.f32 v35;
	v59 =	vunpack.i.l.bf16.f32 v36  }
0x377: {  	s19 =	sadd.s32 $0x20, s19;
	v25 =	vld [tilespmem:s31+$0x0];
	v35 =	vunpack.i.l.bf16.f32 v32;
	v5 =	vadd.f32 v7, v5;
	v2 =	vadd.f32 v13, v2;
	[tilespmem:s18+$0x0] =	vst v1  }
0x378: {  	s26 =	rddreg [dreg:$0xc];
	v7 =	vunpack.i.l.bf16.f32 v18;
	v13 =	vunpack.i.u.bf16.f32 v52;
	v52 =	vunpack.i.u.bf16.f32 v45;
	v15 =	vld [tilespmem:s19+$0x0]  }
0x379: {  	s4 =	sor.u32 s24, s28;
	s28 =	rddreg [dreg:$0x6];
	v31 =	vld [tilespmem:s26+$0x0];
	v1 =	vadd.f32 v60, v6;
	v6 =	vunpack.i.l.bf16.f32 v20;
	v2 =	vadd.f32 v13, v2  }
0x37a: {  	s2 =	sor.u32 s24, s25;
	s25 =	rddreg [dreg:$0xa];
	v29 =	vld [tilespmem:s28+$0x0];
	v60 =	vunpack.i.u.bf16.f32 v39;
	v61 =	vadd.f32 v6, v14;
	v6 =	vunpack.i.u.bf16.f32 v8  }
0x37b: {  	v30 =	vld [tilespmem:s25+$0x0];
	v14 =	vunpack.i.u.bf16.f32 v18;
	v1 =	vadd.f32 v6, v1;
	v2 =	vadd.f32 v2, v3  }
0x37c: {  	v44 =	vld [tilespmem:$0x1FF20];
	s30 =	rddreg [dreg:$0x8];
	v6 =	vunpack.i.u.bf16.f32 v43;
	v62 =	vadd.f32 v14, v4;
	v4 =	vadd.f32 v63, v5  }
0x37d: {  	v28 =	vld [tilespmem:s30+$0x0];
	v3 =	vadd.f32 v7, v61;
	v7 =	vunpack.i.u.bf16.f32 v0;
	v2 =	vadd.f32 v15, v2  }
0x37e: {  	s9 =	sor.u32 s24, s9;
	v23 =	vld [tilespmem:s1+$0x0];
	v0 =	vunpack.i.l.bf16.f32 v0;
	v1 =	vadd.f32 v6, v1;
	v4 =	vadd.f32 v49, v4  }
0x37f: {  	v24 =	vld [tilespmem:s9+$0x0];
	v6 =	vunpack.i.u.bf16.f32 v47;
	v0 =	vadd.f32 v0, v3;
	[tilespmem:s19+$0x0] =	vst v2;
	v2 =	vadd.f32 v7, v62  }
0x380: {  	v21 =	vld [tilespmem:s2+$0x0];
	v1 =	vadd.f32 v48, v1;
	v4 =	vadd.f32 v51, v4;
	v7 =	vunpack.i.l.bf16.f32 v47  }
0x381: {  	s15 =	sor.u32 s24, s11;
	v22 =	vld [tilespmem:s0+$0x0];
	v63 =	vunpack.i.l.bf16.f32 v34;
	v0 =	vadd.f32 v7, v0;
	v2 =	vadd.f32 v6, v2  }
0x382: {  	v17 =	vld [tilespmem:s15+$0x0];
	v1 =	vadd.f32 v50, v1;
	v4 =	vadd.f32 v54, v4;
	v6 =	vunpack.i.l.bf16.f32 v45  }
0x383: {  	v19 =	vld [tilespmem:s4+$0x0];
	v61 =	vunpack.i.u.bf16.f32 v33;
	v0 =	vadd.f32 v6, v0;
	v2 =	vadd.f32 v52, v2  }
0x384: {  	s22 =	sor.u32 s24, s14;
	s24 =	sor.u32 s24, s21;
	v16 =	vld [tilespmem:s5+$0x0];
	v62 =	vunpack.i.l.bf16.f32 v33;
	v1 =	vadd.f32 v53, v1;
	v6 =	vunpack.i.u.bf16.f32 v38  }
0x385: {  	s6 =	sadd.s32 $0x2, s6;
	v20 =	vld [tilespmem:s24+$0x0];
	v7 =	vunpack.i.l.bf16.f32 v46;
	v0 =	vadd.f32 v55, v0;
	v2 =	vadd.f32 v6, v2  }
0x386: {  	p0 =	slt.u32 s6, $0x16;
	v13 =	vld [tilespmem:s22+$0x0];
	v4 =	vadd.f32 v57, v4;
	v1 =	vadd.f32 v56, v1;
	v6 =	vunpack.i.u.bf16.f32 v46  }
.Ltmp7:
0x387: {  	v8 =	vld [tilespmem:s20+$0xDC00];
	v33 =	vunpack.i.u.bf16.f32 v32;
	v0 =	vadd.f32 v7, v0;
	v2 =	vadd.f32 v6, v2;
	(pc) =	sbr.rel @p0 .LBB2_9-.Ltmp7, $4  }
0x388: {  	v18 =	vld [tilespmem:s20+$0xDD80];
	v4 =	vadd.f32 v59, v4;
	v1 =	vadd.f32 v58, v1;
	v6 =	vunpack.i.l.bf16.f32 v39  }
0x389: {  	v43 =	vld [tilespmem:$0x1FF30];
	v32 =	vunpack.i.u.bf16.f32 v40;
	v0 =	vadd.f32 v6, v0;
	v2 =	vadd.f32 v60, v2  }
0x38a: {  	v45 =	vld [tilespmem:$0x1FF40];
	v14 =	vadd.f32 v62, v4;
	v15 =	vadd.f32 v61, v1;
	v6 =	vunpack.i.u.bf16.f32 v34  }
0x38b: {  	s8 =	sadd.s32 $0x100, s8;
	v46 =	vld [tilespmem:$0x1FF50];
	v34 =	vunpack.i.l.bf16.f32 v40;
	v26 =	vadd.f32 v63, v0;
	v27 =	vadd.f32 v6, v2  }
0x38c: {  	v0 =	vadd.f32 v35, v14;
	v1 =	vadd.f32 v33, v15  }
0x38d: {  	v2 =	vunpack.i.u.bf16.f32 v11;
	v5 =	vunpack.i.l.bf16.f32 v11;
	v62 =	vunpack.i.u.bf16.f32 v12  }
0x38e: {  	v6 =	vunpack.i.l.bf16.f32 v12;
	v11 =	vunpack.i.u.bf16.f32 v10;
	v12 =	vunpack.i.l.bf16.f32 v10  }
0x38f: {  	v14 =	vunpack.i.u.bf16.f32 v9;
	v15 =	vunpack.i.l.bf16.f32 v9;
	v3 =	vadd.f32 v34, v26  }
0x390: {  	v33 =	vunpack.i.u.bf16.f32 v31;
	v7 =	vunpack.i.l.bf16.f32 v31;
	v35 =	vunpack.i.l.bf16.f32 v29  }
0x391: {  	v36 =	vunpack.i.u.bf16.f32 v28;
	v0 =	vadd.f32 v5, v0;
	v63 =	vadd.f32 v6, v3  }
0x392: {  	v37 =	vunpack.i.l.bf16.f32 v28;
	v38 =	vunpack.i.u.bf16.f32 v25;
	v1 =	vadd.f32 v2, v1  }
0x393: {  	v39 =	vunpack.i.l.bf16.f32 v25;
	v0 =	vadd.f32 v12, v0;
	v2 =	vadd.f32 v15, v63  }
0x394: {  	v40 =	vunpack.i.u.bf16.f32 v24;
	v4 =	vadd.f32 v32, v27;
	v32 =	vunpack.i.l.bf16.f32 v30  }
0x395: {  	v41 =	vunpack.i.l.bf16.f32 v24;
	v0 =	vadd.f32 v32, v0;
	v2 =	vadd.f32 v7, v2  }
0x396: {  	v42 =	vunpack.i.u.bf16.f32 v22;
	v47 =	vunpack.i.l.bf16.f32 v22;
	v4 =	vadd.f32 v62, v4  }
0x397: {  	v48 =	vunpack.i.u.bf16.f32 v23;
	v0 =	vadd.f32 v35, v0;
	v2 =	vadd.f32 v37, v2  }
0x398: {  	v49 =	vunpack.i.l.bf16.f32 v23;
	v1 =	vadd.f32 v11, v1;
	v26 =	vadd.f32 v14, v4  }
0x399: {  	v27 =	vunpack.i.u.bf16.f32 v30;
	v0 =	vadd.f32 v39, v0;
	v2 =	vadd.f32 v41, v2  }
0x39a: {  	v51 =	vunpack.i.l.bf16.f32 v21;
	v1 =	vadd.f32 v27, v1;
	v3 =	vadd.f32 v33, v26  }
0x39b: {  	v34 =	vunpack.i.u.bf16.f32 v29;
	v0 =	vadd.f32 v47, v0;
	v2 =	vadd.f32 v49, v2  }
0x39c: {  	v53 =	vunpack.i.l.bf16.f32 v19;
	v1 =	vadd.f32 v34, v1;
	v3 =	vadd.f32 v36, v3  }
0x39d: {  	v55 =	vunpack.i.l.bf16.f32 v16;
	v0 =	vadd.f32 v51, v0;
	v2 =	vadd.f32 v53, v2  }
0x39e: {  	v57 =	vunpack.i.l.bf16.f32 v17;
	v1 =	vadd.f32 v38, v1;
	v3 =	vadd.f32 v40, v3  }
0x39f: {  	v59 =	vunpack.i.l.bf16.f32 v13;
	v0 =	vadd.f32 v55, v0;
	v2 =	vadd.f32 v57, v2  }
0x3a0: {  	v60 =	vunpack.i.l.bf16.f32 v20;
	v1 =	vadd.f32 v42, v1;
	v3 =	vadd.f32 v48, v3  }
0x3a1: {  	v50 =	vunpack.i.u.bf16.f32 v21;
	v0 =	vadd.f32 v59, v0;
	v2 =	vadd.f32 v60, v2  }
0x3a2: {  	v52 =	vunpack.i.u.bf16.f32 v19;
	v62 =	vadd.f32 v44, v45;
	v1 =	vadd.f32 v50, v1  }
0x3a3: {  	v54 =	vunpack.i.u.bf16.f32 v16;
	v3 =	vadd.f32 v52, v3;
	v0 =	vadd.f32 v2, v0  }
0x3a4: {  	v56 =	vunpack.i.u.bf16.f32 v17;
	v63 =	vadd.f32 v46, v43;
	v1 =	vadd.f32 v54, v1  }
0x3a5: {  	[tilespmem:s29+$0xDC00] =	vst v62;
	v3 =	vadd.f32 v56, v3;
	v0 =	vadd.f32 v0, v8  }
0x3a6: {  	v58 =	vunpack.i.u.bf16.f32 v13;
	v61 =	vunpack.i.u.bf16.f32 v20;
	[tilespmem:s29+$0xDD80] =	vst v63  }
0x3a7: {  	v1 =	vadd.f32 v58, v1;
	v3 =	vadd.f32 v61, v3;
	[tilespmem:s20+$0xDC00] =	vst v0  }
0x3a8: {  	s5 =	rddreg [dreg:$0x1c]  }
0x3a9: {  	v1 =	vadd.f32 v3, v1;
	p0 =	sne.s32 s5, $0x4  }
.Ltmp8:
0x3aa: {  	_ = 	snop;
	(pc) =	sbr.rel @p0 .LBB2_14-.Ltmp8, $3  }
0x3ab: {  	v1 =	vadd.f32 v18, v1;
	_ =	sdelay $0x1  }
0x3ac: {  	[tilespmem:s20+$0xDD80] =	vst v1  }
0x3ad: {  	s6 =	rddreg [dreg:$0x1d]  }
0x3ae: {  	s0 =	simm.s32 $0xDC00  }
0x3af: {  	v0 =	vld [tilespmem:s0+$0x0];
	_ =	sdelay $0x4  }
0x3b0: {  	v0 =	vmul.f32 $4.999999890e-03, v0  }
0x3b1: {  	s2 =	simm.s32 $0xDF00  }
0x3b2: {  	s1 =	simm.s32 $0xDD80;
	[tilespmem:s2+$0x0] =	vst v0  }
0x3b3: {  	v0 =	vld [tilespmem:s1+$0x0];
	_ =	sdelay $0x4  }
0x3b4: {  	s3 =	simm.s32 $0x0;
	v0 =	vmul.f32 $4.999999890e-03, v0  }
0x3b5: {  	s3 =	sand.u32 $0x1F0, s3  }
0x3b6: {  	v1 =	vimm.f32 $0.0e+00;
	[tilespmem:s3+$0xE080] =	vst v0  }
0x3b7: {  	s3 =	simm.s32 $0x10;
	[tilespmem:s0+$0x0] =	vst v1  }
.LBB2_12:
0x3b8: {  	[tilespmem:s1+$0x0] =	vst v1;
	s0 =	sadd.s32 $0x10, s0;
	s2 =	sadd.s32 $0x10, s2;
	s1 =	sadd.s32 $0x10, s1  }
0x3b9: {  	p0 =	sne.s32 s3, $0x170;
	s4 =	smov.u32 s3;
	s3 =	sadd.s32 $0x10, s3;
	v0 =	vld [tilespmem:s0+$0x0]  }
0x3ba: {  	_ =	sdelay $0x3  }
0x3bb: {  	v0 =	vmul.f32 $4.999999890e-03, v0;
	_ =	sdelay $0x1  }
0x3bc: {  	[tilespmem:s2+$0x0] =	vst v0  }
0x3bd: {  	v0 =	vld [tilespmem:s1+$0x0];
	_ =	sdelay $0x3  }
.Ltmp9:
0x3be: {  	(pc) =	sbr.rel @p0 .LBB2_12-.Ltmp9, $4  }
0x3bf: {  	v0 =	vmul.f32 $4.999999890e-03, v0  }
0x3c0: {  	s4 =	sand.u32 $0x1F0, s4  }
0x3c1: {  	[tilespmem:s4+$0xE080] =	vst v0  }
0x3c2: {  	[tilespmem:s0+$0x0] =	vst v1  }
0x3c3: {  	s0 =	smul.u32 $0x300, s6  }
0x3c4: {  	s29 =	rddreg [dreg:$0x13]  }
0x3c5: {  	s30 =	simm.s32 $0x0;
	s2 =	simm.s32 $0xDF00;
	s0 =	sshrl.u32 s0, $0x3  }
.Ltmp10:
0x3c6: {  	[tilespmem:s1+$0x0] =	vst v1;
	s31 =	simm.s32 $0x3;
	s0 =	sadd.s32 s29, s0;
	(pc) =	sbr.rel .LBB2_14-.Ltmp10, $4  }
0x3c7: {  	[hbm4b:s0+s30] =	stream.linear.scatter [tilespmem:s2], [sflag:$0x3], $0x300, $0x38;
	[tilespmem:$0xE200] =	vst v63  }
0x3c8: {  	_ =	swait.ge [sflag:s31], $0x300  }
0x3c9: {  	[sflag:s31] =	ssyncset.done $0x0  }
0x3ca: {  	[sflag:s31] =	ssyncadd.s32 $0xFFFFFD00  }
.LBB2_16:
0x3cb: {  	_ =	sfence.sel $0x180000  }
0x3cc: {  	[bflag:$0x0] =	sbarrier.arrive $0xFFFF  }
0x3cd: {  	_ =	strace $0x90000047  }
0x3ce: {  	s0 =	stileid.u32;
	[bflag:$0x2] =	sbarrier.arrive $0xFFFF  }
0x3cf: {  	p0 =	sne.s32 s0, $0x0;
	s0 =	rddreg [dreg:$0x2]  }
0x3d0: {  	s0 =	sadd.s32 @!p0 $0x100000, s0  }
0x3d1: {  	[sflag:s0] =	ssyncadd.tile.s32 @!p0 $0x1;
	_ =	shalt  }
.Lfunc_end2:
_tile_overlayer_lowered:
.L_overlay_start_2:
0x3d2: {  	(tag) =	ssettag $0x2  }
0x3d3: {  	s0 =	rddreg [dreg:$0x0];
	s2 =	stileid.u32  }
0x3d4: {  	s1 =	rddreg [dreg:$0x1];
	p0 =	sne.s32 s2, $0x0  }
0x3d5: {  	s3 =	rddreg [dreg:$0x2];
	[bflag:$0x3] =	sbarrier.arrive $0xFFFF;
	s2 =	simm.s32 @!p0 $0x1C03  }
0x3d6: {  	[timem:s3], [sflag:s2] =	dma.local @!p0 [hbm:s0], s1  }
0x3d7: {  	s0 =	simm.s32 @!p0 $0x3  }
0x3d8: {  	_ =	swait.ge @!p0 [sflag:s0], s1  }
0x3d9: {  	s1 =	ssub.s32 @!p0 $0x0, s1;
	[sflag:s0] =	ssyncset.done @!p0 $0x0  }
0x3da: {  	[sflag:s0] =	ssyncadd.s32 @!p0 s1  }
0x3db: {  	[bflag:$0x3] =	sbarrier.arrive $0xFFFF  }
0x3dc: {  	_ =	shalt  }

</sc_bundles>
